<compile_context>
chip_gen: v7x
topology: tpu7x:2x2x1
jax: 0.10.2.dev20260603
libtpu: 0.0.44.dev20260713+nightly
codegen_flags: <defaults>
</compile_context>

<pallas_src>
import functools

import jax
import jax.numpy as jnp
from jax import lax
from jax.experimental import pallas as pl
from jax.experimental.pallas import tpu as pltpu
from jax.experimental.pallas import tpu_sc as plsc

N = 10000
E = 320000
IN = 128
OUT = 128
R = 4
H = 4
D = 32
SLOPE = 0.2

NTILES = 32
C = 104
NCHUNK = 100
NPAIR = NCHUNK // 2
EPT = NCHUNK * C
EP = EPT * NTILES
ROW_W = 144
GROW_W = 160
ER_W = 16
ACC_ROWS = 10112
TROWS = ACC_ROWS // 16

NB = 400
NGRID = N // NB


def _tc_prep_body(x_ref, w_ref, al_ref, ar_ref, xt_ref, el_ref, er_ref):
    xb = x_ref[...]
    for r in range(R):
        y = jnp.dot(xb, w_ref[r], preferred_element_type=jnp.float32)
        xt_ref[r] = y.astype(jnp.bfloat16)
        el_ref[r] = jnp.dot(y, al_ref[r], preferred_element_type=jnp.float32)
        er_ref[r] = jnp.dot(y, ar_ref[r], preferred_element_type=jnp.float32)


def _tc_prep(x, wf, al, ar):
    return pl.pallas_call(
        _tc_prep_body,
        grid=(NGRID,),
        in_specs=[
            pl.BlockSpec((NB, IN), lambda i: (i, 0)),
            pl.BlockSpec((R, IN, H * D), lambda i: (0, 0, 0)),
            pl.BlockSpec((R, IN, 16), lambda i: (0, 0, 0)),
            pl.BlockSpec((R, IN, 16), lambda i: (0, 0, 0)),
        ],
        out_specs=[
            pl.BlockSpec((R, NB, H * D), lambda i: (0, i, 0)),
            pl.BlockSpec((R, NB, 16), lambda i: (0, i, 0)),
            pl.BlockSpec((R, NB, 16), lambda i: (0, i, 0)),
        ],
        out_shape=[
            jax.ShapeDtypeStruct((R, N, H * D), jnp.bfloat16),
            jax.ShapeDtypeStruct((R, N, 16), jnp.float32),
            jax.ShapeDtypeStruct((R, N, 16), jnp.float32),
        ],
    )(x, wf, al, ar)


def _tc_combine_body(acc_ref, bias_ref, out_ref):
    s = acc_ref[0] + acc_ref[1]
    for h in range(H):
        num = s[:, 32 * h:32 * h + 32]
        den = s[:, 128 + h:129 + h]
        out_ref[:, 32 * h:32 * h + 32] = (
            num / (den + 1e-16) + bias_ref[0, 32 * h:32 * h + 32])


def _tc_combine(accs, bias):
    return pl.pallas_call(
        _tc_combine_body,
        grid=(NGRID,),
        in_specs=[
            pl.BlockSpec((2, NB, ROW_W), lambda i: (0, i, 0)),
            pl.BlockSpec((1, OUT), lambda i: (0, 0)),
        ],
        out_specs=pl.BlockSpec((NB, OUT), lambda i: (i, 0)),
        out_shape=jax.ShapeDtypeStruct((N, OUT), jnp.float32),
    )(accs, bias)


def _sc_edge_body(xtel_hbm, er_hbm, src_hbm, dst_hbm, et_hbm, zacc_hbm,
                  out_hbm, sA, dA, eA, sB, dB, eB, feat0_v, feat1_v, er0_v,
                  er1_v, sbuf_v, acc, semf0, semf1, seme0, seme1, semiA,
                  semiB):
    c = lax.axis_index("c")
    s = lax.axis_index("s")
    wid = s * 2 + c
    pltpu.sync_copy(zacc_hbm.at[pl.ds(s * TROWS, TROWS)],
                    acc.at[pl.ds(s * TROWS, TROWS)])

    def idx_load(pr, s_ref, d_ref, e_ref, semi):
        prc = jnp.minimum(pr, NPAIR - 1)
        pltpu.async_copy(src_hbm.at[wid, prc], s_ref, semi)
        pltpu.async_copy(dst_hbm.at[wid, prc], d_ref, semi)
        pltpu.async_copy(et_hbm.at[wid, prc], e_ref, semi)

    def idx_wait(s_ref, d_ref, e_ref, semi):
        pltpu.make_async_copy(src_hbm.at[0, 0], s_ref, semi).wait()
        pltpu.make_async_copy(dst_hbm.at[0, 0], d_ref, semi).wait()
        pltpu.make_async_copy(et_hbm.at[0, 0], e_ref, semi).wait()

    def linearize(q, s_ref, d_ref, e_ref):
        for i in range(C // 16):
            sl = pl.ds(16 * i, 16)
            rel = e_ref[q, sl] * N
            s_ref[q, sl] = rel + s_ref[q, sl]
            e_ref[q, sl] = rel + d_ref[q, sl]

    def gather(q, s_ref, e_ref, feat_b, er_b, sf, se):
        pltpu.async_copy(xtel_hbm.at[s_ref.at[q]], feat_b, sf)
        pltpu.async_copy(er_hbm.at[e_ref.at[q]], er_b, se)

    def gwait(feat_b, er_b, sf, se):
        pltpu.make_async_copy(xtel_hbm.at[sA.at[0]], feat_b, sf).wait()
        pltpu.make_async_copy(er_hbm.at[eA.at[0]], er_b, se).wait()

    lane = lax.iota(jnp.int32, 16)
    dnums = lax.GatherDimensionNumbers(
        offset_dims=(), collapsed_slice_dims=(0,), start_index_map=(0,))

    def compute(feat_b, er_b):
        himask = jnp.full((16,), -65536, jnp.int32)

        def edge(e, carry3):
            elv = plsc.bitcast(feat_b[e, pl.ds(128, 32)], jnp.float32)
            erv = er_b[e, :]
            ev = elv + erv
            ev = jnp.where(ev >= 0.0, ev, SLOPE * ev)
            eev = jnp.exp(ev)
            tail = jnp.where(lane < H, eev, 0.0)
            for h in range(H):
                b = lax.gather(
                    eev, jnp.full((16, 1), h, jnp.int32), dnums,
                    slice_sizes=(1,),
                    mode=lax.GatherScatterMode.PROMISE_IN_BOUNDS)
                w = plsc.bitcast(feat_b[e, pl.ds(32 * h, 32)], jnp.int32)
                f_lo = plsc.bitcast(w << 16, jnp.float32)
                f_hi = plsc.bitcast(w & himask, jnp.float32)
                sbuf_v[e, pl.ds(32 * h, 16)] = f_lo * b
                sbuf_v[e, pl.ds(32 * h + 16, 16)] = f_hi * b
            sbuf_v[e, pl.ds(128, 16)] = tail
            return carry3

        lax.fori_loop(0, C, edge, 0)

    def scatter(q, d_ref):
        pltpu.sync_copy(sbuf_v, acc.at[d_ref.at[q]], add=True)

    idx_load(0, sA, dA, eA, semiA)
    idx_wait(sA, dA, eA, semiA)
    linearize(0, sA, dA, eA)
    gather(0, sA, eA, feat0_v, er0_v, semf0, seme0)
    idx_load(1, sB, dB, eB, semiB)
    plsc.subcore_barrier()

    def quad(p, carry):
        linearize(1, sA, dA, eA)
        gather(1, sA, eA, feat1_v, er1_v, semf1, seme1)
        gwait(feat0_v, er0_v, semf0, seme0)
        compute(feat0_v, er0_v)
        scatter(0, dA)

        idx_wait(sB, dB, eB, semiB)
        linearize(0, sB, dB, eB)
        gather(0, sB, eB, feat0_v, er0_v, semf0, seme0)
        gwait(feat1_v, er1_v, semf1, seme1)
        compute(feat1_v, er1_v)
        scatter(1, dA)

        idx_load(2 * p + 2, sA, dA, eA, semiA)
        linearize(1, sB, dB, eB)
        gather(1, sB, eB, feat1_v, er1_v, semf1, seme1)
        gwait(feat0_v, er0_v, semf0, seme0)
        compute(feat0_v, er0_v)
        scatter(0, dB)

        idx_wait(sA, dA, eA, semiA)
        linearize(0, sA, dA, eA)
        gather(0, sA, eA, feat0_v, er0_v, semf0, seme0)
        gwait(feat1_v, er1_v, semf1, seme1)
        compute(feat1_v, er1_v)
        scatter(1, dB)

        idx_load(2 * p + 3, sB, dB, eB, semiB)
        return carry

    lax.fori_loop(0, NCHUNK // 4, quad, 0)
    gwait(feat0_v, er0_v, semf0, seme0)
    idx_wait(sB, dB, eB, semiB)
    plsc.subcore_barrier()
    pltpu.sync_copy(acc.at[pl.ds(s * TROWS, TROWS)],
                    out_hbm.at[c, pl.ds(s * TROWS, TROWS)])


_sc_edge = functools.partial(
    pl.kernel,
    out_type=jax.ShapeDtypeStruct((2, ACC_ROWS, ROW_W), jnp.float32),
    mesh=plsc.VectorSubcoreMesh(core_axis_name="c", subcore_axis_name="s"),
    scratch_types=[
        pltpu.VMEM((2, C), jnp.int32),
        pltpu.VMEM((2, C), jnp.int32),
        pltpu.VMEM((2, C), jnp.int32),
        pltpu.VMEM((2, C), jnp.int32),
        pltpu.VMEM((2, C), jnp.int32),
        pltpu.VMEM((2, C), jnp.int32),
        pltpu.VMEM((C, GROW_W), jnp.bfloat16),
        pltpu.VMEM((C, GROW_W), jnp.bfloat16),
        pltpu.VMEM((C, ER_W), jnp.float32),
        pltpu.VMEM((C, ER_W), jnp.float32),
        pltpu.VMEM((C, ROW_W), jnp.float32),
        pltpu.VMEM_SHARED((ACC_ROWS, ROW_W), jnp.float32),
        pltpu.SemaphoreType.DMA,
        pltpu.SemaphoreType.DMA,
        pltpu.SemaphoreType.DMA,
        pltpu.SemaphoreType.DMA,
        pltpu.SemaphoreType.DMA,
        pltpu.SemaphoreType.DMA,
    ],
    compiler_params=pltpu.CompilerParams(
        use_tc_tiling_on_sc=False, needs_layout_passes=False),
)(_sc_edge_body)


def kernel(x, edge_index, edge_type, conv_weights, attn_l, attn_r, h_bias):
    src = edge_index[0]
    dst = edge_index[1]
    pad = EP - E
    dummy_dst = N + (jnp.arange(pad, dtype=jnp.int32) % (ACC_ROWS - N))
    srcp = jnp.concatenate([src, jnp.zeros((pad,), jnp.int32)])
    dstp = jnp.concatenate([dst, dummy_dst])
    etp = jnp.concatenate([edge_type, jnp.zeros((pad,), jnp.int32)])
    srcp = srcp.reshape(NTILES, NPAIR, 2, C)
    dstp = dstp.reshape(NTILES, NPAIR, 2, C)
    etp = etp.reshape(NTILES, NPAIR, 2, C)

    wf = conv_weights.transpose(0, 2, 1, 3).reshape(R, IN, H * D)
    eye = jnp.eye(16, dtype=jnp.float32)[:H]
    al = (attn_l[:, :, :, None] * eye[None, :, None, :]).reshape(R, IN, 16)
    ar = (attn_r[:, :, :, None] * eye[None, :, None, :]).reshape(R, IN, 16)

    xt, el, er = _tc_prep(x, wf, al, ar)
    xtp = xt.reshape(R * N, H * D)
    el_bf = (lax.bitcast_convert_type(el.reshape(R * N, 16), jnp.bfloat16)
             .transpose(0, 2, 1).reshape(R * N, 32))
    xtel = jnp.concatenate([xtp, el_bf], axis=1)
    er_t = er.reshape(R * N, 16)

    zacc = jnp.zeros((ACC_ROWS, ROW_W), jnp.float32)
    accs = _sc_edge(xtel, er_t, srcp, dstp, etp, zacc)

    h = _tc_combine(accs[:, :N, :], h_bias.reshape(1, OUT))
    return h

# --- scband reference (transcript-rebuilt; emitter-appended) ---
"""Pipeline reference for scband-het-relational-att-layer-21002390078097 (READ-ONLY COPY).

The authoritative reference and input builder live on the scoring server;
editing this copy changes nothing except your own understanding.
"""

import jax, jax.numpy as jnp
import numpy as np

N_NODES = 10000
N_EDGES = 320000
IN_FEAT = 128
OUT_FEAT = 128
NUM_RELS = 4
N_HEADS = 4
D_HEAD = OUT_FEAT // N_HEADS
SLOPE = 0.2


def setup_inputs(seed: int = 0) -> dict:
    key = jax.random.key(seed)
    k = jax.random.split(key, 7)
    x = jax.random.normal(k[0], (N_NODES, IN_FEAT), dtype=jnp.float32)
    edge_index = jax.random.randint(k[1], (2, N_EDGES), 0, N_NODES, dtype=jnp.int32)
    edge_type = jax.random.randint(k[2], (N_EDGES,), 0, NUM_RELS, dtype=jnp.int32)
    gain = float(np.sqrt(2.0))
    w_std = gain * float(np.sqrt(2.0 / (IN_FEAT + D_HEAD)))
    conv_weights = jax.random.normal(k[3], (NUM_RELS, N_HEADS, IN_FEAT, D_HEAD), dtype=jnp.float32) * w_std
    a_std = gain * float(np.sqrt(2.0 / (1 + D_HEAD)))
    attn_l = jax.random.normal(k[4], (NUM_RELS, N_HEADS, D_HEAD), dtype=jnp.float32) * a_std
    attn_r = jax.random.normal(k[5], (NUM_RELS, N_HEADS, D_HEAD), dtype=jnp.float32) * a_std
    h_bias = jnp.zeros((OUT_FEAT,), dtype=jnp.float32)
    return {"x": x, "edge_index": edge_index, "edge_type": edge_type,
            "conv_weights": conv_weights, "attn_l": attn_l, "attn_r": attn_r,
            "h_bias": h_bias}


def reference(x, edge_index, edge_type, conv_weights, attn_l, attn_r, h_bias):
    src = edge_index[0]
    dst = edge_index[1]
    n = x.shape[0]
    # per-relation, per-head linear transform of all node features:
    # equivalent to B.rgnn_relational_matmul with conv_weights [R, H, in, d_head]
    xt = jnp.einsum('nd,rhdo->rnho', x, conv_weights)  # [R, N, H, d_head]
    # gather per-edge transformed src/dst features by edge relation type
    feat_src = xt[edge_type, src]  # [E, H, d_head]
    feat_dst = xt[edge_type, dst]  # [E, H, d_head]
    # attention logits (multiply_among_weights_first_flag=False branch)
    el = jnp.sum(feat_src * attn_l[edge_type], axis=-1)  # [E, H]
    er = jnp.sum(feat_dst * attn_r[edge_type], axis=-1)  # [E, H]
    e = jax.nn.leaky_relu(el + er, negative_slope=SLOPE)
    # relational fused GAT: softmax over incoming edges per dst node, per head
    emax = jax.ops.segment_max(e, dst, num_segments=n)
    emax = jnp.where(jnp.isfinite(emax), emax, 0.0)
    ee = jnp.exp(e - emax[dst])
    denom = jax.ops.segment_sum(ee, dst, num_segments=n)
    alpha = ee / (denom[dst] + 1e-16)  # [E, H]
    h = jax.ops.segment_sum(alpha[:, :, None] * feat_src, dst, num_segments=n)  # [N, H, d_head]
    h = h.reshape(n, OUT_FEAT)
    h = h + h_bias  # bias=True
    # activation=None, self_loop=False, dropout is identity in eval mode
    return h

if __name__ == "__main__":
    import jax
    _d = setup_inputs()
    print(jax.jit(kernel)(*tuple(_d.values())))

</pallas_src>

<mosaic_0001>
#map = affine_map<(d0, d1) -> (0, 0)>
#map1 = affine_map<(d0, d1) -> (0, 0, 0, 0)>
#map2 = affine_map<(d0, d1) -> (0, 0, 0)>
module attributes {stable_mosaic.version = 14 : i64} {
  func.func @_sc_edge_body(%arg0: i32, %arg1: i32, %arg2: memref<40000x160xbf16, #tpu.memory_space<hbm>>, %arg3: memref<40000x16xf32, #tpu.memory_space<hbm>>, %arg4: memref<32x50x2x104xi32, #tpu.memory_space<hbm>>, %arg5: memref<32x50x2x104xi32, #tpu.memory_space<hbm>>, %arg6: memref<32x50x2x104xi32, #tpu.memory_space<hbm>>, %arg7: memref<10112x144xf32, #tpu.memory_space<hbm>>, %arg8: memref<2x10112x144xf32, #tpu.memory_space<hbm>>, %arg9: memref<2x104xi32, #tpu.memory_space<vmem>>, %arg10: memref<2x104xi32, #tpu.memory_space<vmem>>, %arg11: memref<2x104xi32, #tpu.memory_space<vmem>>, %arg12: memref<2x104xi32, #tpu.memory_space<vmem>>, %arg13: memref<2x104xi32, #tpu.memory_space<vmem>>, %arg14: memref<2x104xi32, #tpu.memory_space<vmem>>, %arg15: memref<104x160xbf16, #tpu.memory_space<vmem>>, %arg16: memref<104x160xbf16, #tpu.memory_space<vmem>>, %arg17: memref<104x16xf32, #tpu.memory_space<vmem>>, %arg18: memref<104x16xf32, #tpu.memory_space<vmem>>, %arg19: memref<104x144xf32, #tpu.memory_space<vmem>>, %arg20: memref<10112x144xf32, #tpu.memory_space<vmem_shared>>, %arg21: memref<!tpu.dma_semaphore, #tpu.memory_space<semaphore_mem>>, %arg22: memref<!tpu.dma_semaphore, #tpu.memory_space<semaphore_mem>>, %arg23: memref<!tpu.dma_semaphore, #tpu.memory_space<semaphore_mem>>, %arg24: memref<!tpu.dma_semaphore, #tpu.memory_space<semaphore_mem>>, %arg25: memref<!tpu.dma_semaphore, #tpu.memory_space<semaphore_mem>>, %arg26: memref<!tpu.dma_semaphore, #tpu.memory_space<semaphore_mem>>) attributes {dimension_semantics = [#tpu.dimension_semantics<core_parallel>, #tpu.dimension_semantics<subcore_parallel>], iteration_bounds = array<i64: 2, 16>, scalar_prefetch = 0 : i64, scratch_operands = 18 : i64, tpu.core_type = #tpu.core_type<sc_vector_subcore>, window_params = [{transform_indices = #map}, {transform_indices = #map}, {transform_indices = #map1}, {transform_indices = #map1}, {transform_indices = #map1}, {transform_indices = #map}, {transform_indices = #map2}]} {
    %mul3A = arith.constant 2 : i32
    %mul3A_0 = arith.muli %arg1, %mul3A : i32
    %add3A = arith.addi %mul3A_0, %arg0 : i32
    %mul3A_1 = arith.constant 632 : i32
    %mul3A_2 = arith.muli %arg1, %mul3A_1 : i32
    %mul3A_3 = arith.constant 632 : i32
    %mul3A_4 = arith.muli %arg1, %mul3A_3 : i32
    "tpu.region"() ({
      %run_scoped3A = tpu.sem_alloc : memref<!tpu.dma_semaphore, #tpu.memory_space<semaphore_mem>>
      %dma_start3A_302 = arith.constant 0 : i32
      %dma_start3A_303 = tpu.memref_slice %arg20[%mul3A_4, %dma_start3A_302] : memref<10112x144xf32, #tpu.memory_space<vmem_shared>> -> memref<632x144xf32, #tpu.memory_space<vmem_shared>>
      %dma_start3A_304 = arith.constant 0 : i32
      %dma_start3A_305 = tpu.memref_slice %arg7[%mul3A_2, %dma_start3A_304] : memref<10112x144xf32, #tpu.memory_space<hbm>> -> memref<632x144xf32, #tpu.memory_space<hbm>>
      tpu.enqueue_dma source(%dma_start3A_305 : memref<632x144xf32, #tpu.memory_space<hbm>>) target(%dma_start3A_303 : memref<632x144xf32, #tpu.memory_space<vmem_shared>>) target_semaphore(%run_scoped3A : memref<!tpu.dma_semaphore, #tpu.memory_space<semaphore_mem>>)
      %dma_wait3A_306 = arith.constant 0 : i32
      %dma_wait3A_307 = tpu.memref_slice %arg20[%mul3A_4, %dma_wait3A_306] : memref<10112x144xf32, #tpu.memory_space<vmem_shared>> -> memref<632x144xf32, #tpu.memory_space<vmem_shared>>
      %dma_wait3A_308 = arith.constant 0 : i32
      %dma_wait3A_309 = tpu.memref_slice %arg7[%mul3A_2, %dma_wait3A_308] : memref<10112x144xf32, #tpu.memory_space<hbm>> -> memref<632x144xf32, #tpu.memory_space<hbm>>
      tpu.wait_dma2 semaphore(%run_scoped3A : memref<!tpu.dma_semaphore, #tpu.memory_space<semaphore_mem>>) src(%dma_wait3A_309 : memref<632x144xf32, #tpu.memory_space<hbm>>) dst(%dma_wait3A_307 : memref<632x144xf32, #tpu.memory_space<vmem_shared>>)
      tpu.yield
    }) : () -> ()
    %iota3A = tpu.iota {dimensions = array<i32: 0>} : vector<16xi32>
    %min3A = arith.constant 0 : i32
    %min3A_5 = arith.constant 49 : i32
    %min3A_6 = arith.minsi %min3A, %min3A_5 : i32
    %dma_start3A = arith.constant 0 : i32
    %dma_start3A_7 = arith.constant 0 : i32
    %dma_start3A_8 = tpu.memref_slice %arg4[%add3A, %min3A_6, %dma_start3A, %dma_start3A_7] : memref<32x50x2x104xi32, #tpu.memory_space<hbm>> -> memref<1x1x2x104xi32, #tpu.memory_space<hbm>>
    %dma_start3A_9 = tpu.memref_squeeze %dma_start3A_8 : memref<1x1x2x104xi32, #tpu.memory_space<hbm>> -> memref<2x104xi32, #tpu.memory_space<hbm>>
    %dma_start3A_10 = arith.constant 0 : i32
    %dma_start3A_11 = arith.constant 0 : i32
    %dma_start3A_12 = tpu.memref_slice %arg4[%add3A, %min3A_6, %dma_start3A_10, %dma_start3A_11] : memref<32x50x2x104xi32, #tpu.memory_space<hbm>> -> memref<1x1x2x104xi32, #tpu.memory_space<hbm>>
    %dma_start3A_13 = tpu.memref_squeeze %dma_start3A_12 : memref<1x1x2x104xi32, #tpu.memory_space<hbm>> -> memref<2x104xi32, #tpu.memory_space<hbm>>
    tpu.enqueue_dma source(%dma_start3A_13 : memref<2x104xi32, #tpu.memory_space<hbm>>) target(%arg9 : memref<2x104xi32, #tpu.memory_space<vmem>>) target_semaphore(%arg25 : memref<!tpu.dma_semaphore, #tpu.memory_space<semaphore_mem>>)
    %dma_start3A_14 = arith.constant 0 : i32
    %dma_start3A_15 = arith.constant 0 : i32
    %dma_start3A_16 = tpu.memref_slice %arg5[%add3A, %min3A_6, %dma_start3A_14, %dma_start3A_15] : memref<32x50x2x104xi32, #tpu.memory_space<hbm>> -> memref<1x1x2x104xi32, #tpu.memory_space<hbm>>
    %dma_start3A_17 = tpu.memref_squeeze %dma_start3A_16 : memref<1x1x2x104xi32, #tpu.memory_space<hbm>> -> memref<2x104xi32, #tpu.memory_space<hbm>>
    %dma_start3A_18 = arith.constant 0 : i32
    %dma_start3A_19 = arith.constant 0 : i32
    %dma_start3A_20 = tpu.memref_slice %arg5[%add3A, %min3A_6, %dma_start3A_18, %dma_start3A_19] : memref<32x50x2x104xi32, #tpu.memory_space<hbm>> -> memref<1x1x2x104xi32, #tpu.memory_space<hbm>>
    %dma_start3A_21 = tpu.memref_squeeze %dma_start3A_20 : memref<1x1x2x104xi32, #tpu.memory_space<hbm>> -> memref<2x104xi32, #tpu.memory_space<hbm>>
    tpu.enqueue_dma source(%dma_start3A_21 : memref<2x104xi32, #tpu.memory_space<hbm>>) target(%arg10 : memref<2x104xi32, #tpu.memory_space<vmem>>) target_semaphore(%arg25 : memref<!tpu.dma_semaphore, #tpu.memory_space<semaphore_mem>>)
    %dma_start3A_22 = arith.constant 0 : i32
    %dma_start3A_23 = arith.constant 0 : i32
    %dma_start3A_24 = tpu.memref_slice %arg6[%add3A, %min3A_6, %dma_start3A_22, %dma_start3A_23] : memref<32x50x2x104xi32, #tpu.memory_space<hbm>> -> memref<1x1x2x104xi32, #tpu.memory_space<hbm>>
    %dma_start3A_25 = tpu.memref_squeeze %dma_start3A_24 : memref<1x1x2x104xi32, #tpu.memory_space<hbm>> -> memref<2x104xi32, #tpu.memory_space<hbm>>
    %dma_start3A_26 = arith.constant 0 : i32
    %dma_start3A_27 = arith.constant 0 : i32
    %dma_start3A_28 = tpu.memref_slice %arg6[%add3A, %min3A_6, %dma_start3A_26, %dma_start3A_27] : memref<32x50x2x104xi32, #tpu.memory_space<hbm>> -> memref<1x1x2x104xi32, #tpu.memory_space<hbm>>
    %dma_start3A_29 = tpu.memref_squeeze %dma_start3A_28 : memref<1x1x2x104xi32, #tpu.memory_space<hbm>> -> memref<2x104xi32, #tpu.memory_space<hbm>>
    tpu.enqueue_dma source(%dma_start3A_29 : memref<2x104xi32, #tpu.memory_space<hbm>>) target(%arg11 : memref<2x104xi32, #tpu.memory_space<vmem>>) target_semaphore(%arg25 : memref<!tpu.dma_semaphore, #tpu.memory_space<semaphore_mem>>)
    %dma_wait3A = arith.constant 0 : i32
    %dma_wait3A_30 = arith.constant 0 : i32
    %dma_wait3A_31 = arith.constant 0 : i32
    %dma_wait3A_32 = arith.constant 0 : i32
    %dma_wait3A_33 = tpu.memref_slice %arg4[%dma_wait3A, %dma_wait3A_30, %dma_wait3A_31, %dma_wait3A_32] : memref<32x50x2x104xi32, #tpu.memory_space<hbm>> -> memref<1x1x2x104xi32, #tpu.memory_space<hbm>>
    %dma_wait3A_34 = tpu.memref_squeeze %dma_wait3A_33 : memref<1x1x2x104xi32, #tpu.memory_space<hbm>> -> memref<2x104xi32, #tpu.memory_space<hbm>>
    %dma_wait3A_35 = arith.constant 0 : i32
    %dma_wait3A_36 = arith.constant 0 : i32
    %dma_wait3A_37 = tpu.memref_slice %arg4[%dma_wait3A, %dma_wait3A_30, %dma_wait3A_35, %dma_wait3A_36] : memref<32x50x2x104xi32, #tpu.memory_space<hbm>> -> memref<1x1x2x104xi32, #tpu.memory_space<hbm>>
    %dma_wait3A_38 = tpu.memref_squeeze %dma_wait3A_37 : memref<1x1x2x104xi32, #tpu.memory_space<hbm>> -> memref<2x104xi32, #tpu.memory_space<hbm>>
    tpu.wait_dma2 semaphore(%arg25 : memref<!tpu.dma_semaphore, #tpu.memory_space<semaphore_mem>>) src(%dma_wait3A_38 : memref<2x104xi32, #tpu.memory_space<hbm>>) dst(%arg9 : memref<2x104xi32, #tpu.memory_space<vmem>>)
    %dma_wait3A_39 = arith.constant 0 : i32
    %dma_wait3A_40 = arith.constant 0 : i32
    %dma_wait3A_41 = arith.constant 0 : i32
    %dma_wait3A_42 = arith.constant 0 : i32
    %dma_wait3A_43 = tpu.memref_slice %arg5[%dma_wait3A_39, %dma_wait3A_40, %dma_wait3A_41, %dma_wait3A_42] : memref<32x50x2x104xi32, #tpu.memory_space<hbm>> -> memref<1x1x2x104xi32, #tpu.memory_space<hbm>>
    %dma_wait3A_44 = tpu.memref_squeeze %dma_wait3A_43 : memref<1x1x2x104xi32, #tpu.memory_space<hbm>> -> memref<2x104xi32, #tpu.memory_space<hbm>>
    %dma_wait3A_45 = arith.constant 0 : i32
    %dma_wait3A_46 = arith.constant 0 : i32
    %dma_wait3A_47 = tpu.memref_slice %arg5[%dma_wait3A_39, %dma_wait3A_40, %dma_wait3A_45, %dma_wait3A_46] : memref<32x50x2x104xi32, #tpu.memory_space<hbm>> -> memref<1x1x2x104xi32, #tpu.memory_space<hbm>>
    %dma_wait3A_48 = tpu.memref_squeeze %dma_wait3A_47 : memref<1x1x2x104xi32, #tpu.memory_space<hbm>> -> memref<2x104xi32, #tpu.memory_space<hbm>>
    tpu.wait_dma2 semaphore(%arg25 : memref<!tpu.dma_semaphore, #tpu.memory_space<semaphore_mem>>) src(%dma_wait3A_48 : memref<2x104xi32, #tpu.memory_space<hbm>>) dst(%arg10 : memref<2x104xi32, #tpu.memory_space<vmem>>)
    %dma_wait3A_49 = arith.constant 0 : i32
    %dma_wait3A_50 = arith.constant 0 : i32
    %dma_wait3A_51 = arith.constant 0 : i32
    %dma_wait3A_52 = arith.constant 0 : i32
    %dma_wait3A_53 = tpu.memref_slice %arg6[%dma_wait3A_49, %dma_wait3A_50, %dma_wait3A_51, %dma_wait3A_52] : memref<32x50x2x104xi32, #tpu.memory_space<hbm>> -> memref<1x1x2x104xi32, #tpu.memory_space<hbm>>
    %dma_wait3A_54 = tpu.memref_squeeze %dma_wait3A_53 : memref<1x1x2x104xi32, #tpu.memory_space<hbm>> -> memref<2x104xi32, #tpu.memory_space<hbm>>
    %dma_wait3A_55 = arith.constant 0 : i32
    %dma_wait3A_56 = arith.constant 0 : i32
    %dma_wait3A_57 = tpu.memref_slice %arg6[%dma_wait3A_49, %dma_wait3A_50, %dma_wait3A_55, %dma_wait3A_56] : memref<32x50x2x104xi32, #tpu.memory_space<hbm>> -> memref<1x1x2x104xi32, #tpu.memory_space<hbm>>
    %dma_wait3A_58 = tpu.memref_squeeze %dma_wait3A_57 : memref<1x1x2x104xi32, #tpu.memory_space<hbm>> -> memref<2x104xi32, #tpu.memory_space<hbm>>
    tpu.wait_dma2 semaphore(%arg25 : memref<!tpu.dma_semaphore, #tpu.memory_space<semaphore_mem>>) src(%dma_wait3A_58 : memref<2x104xi32, #tpu.memory_space<hbm>>) dst(%arg11 : memref<2x104xi32, #tpu.memory_space<vmem>>)
    %get3A = arith.constant 0 : i32
    %get3A_59 = arith.index_cast %get3A : i32 to index
    %get3A_60 = arith.constant 0 : index
    %get3A_61 = tpu.vector_load %arg11[%get3A_59, %get3A_60] {strides = array<i32>} : memref<2x104xi32, #tpu.memory_space<vmem>>, vector<16xi32>,
    %mul3A_62 = arith.constant 10000 : i32
    %mul3A_63 = vector.broadcast %mul3A_62 : i32 to vector<16xi32>
    %mul3A_64 = arith.muli %get3A_61, %mul3A_63 : vector<16xi32>
    %get3A_65 = arith.constant 0 : i32
    %get3A_66 = arith.index_cast %get3A_65 : i32 to index
    %get3A_67 = arith.constant 0 : index
    %get3A_68 = tpu.vector_load %arg9[%get3A_66, %get3A_67] {strides = array<i32>} : memref<2x104xi32, #tpu.memory_space<vmem>>, vector<16xi32>,
    %add3A_69 = arith.addi %mul3A_64, %get3A_68 : vector<16xi32>
    %swap3A = arith.constant 0 : i32
    %swap3A_70 = arith.index_cast %swap3A : i32 to index
    %swap3A_71 = arith.constant 0 : index
    %swap3A_72 = tpu.vector_load %arg9[%swap3A_70, %swap3A_71] {strides = array<i32>} : memref<2x104xi32, #tpu.memory_space<vmem>>, vector<16xi32>,
    tpu.vector_store %arg9[%swap3A_70, %swap3A_71], %add3A_69 {strides = array<i32>} : memref<2x104xi32, #tpu.memory_space<vmem>>, vector<16xi32>,
    %get3A_73 = arith.constant 0 : i32
    %get3A_74 = arith.index_cast %get3A_73 : i32 to index
    %get3A_75 = arith.constant 0 : index
    %get3A_76 = tpu.vector_load %arg10[%get3A_74, %get3A_75] {strides = array<i32>} : memref<2x104xi32, #tpu.memory_space<vmem>>, vector<16xi32>,
    %add3A_77 = arith.addi %mul3A_64, %get3A_76 : vector<16xi32>
    %swap3A_78 = arith.constant 0 : i32
    %swap3A_79 = arith.index_cast %swap3A_78 : i32 to index
    %swap3A_80 = arith.constant 0 : index
    %swap3A_81 = tpu.vector_load %arg11[%swap3A_79, %swap3A_80] {strides = array<i32>} : memref<2x104xi32, #tpu.memory_space<vmem>>, vector<16xi32>,
    tpu.vector_store %arg11[%swap3A_79, %swap3A_80], %add3A_77 {strides = array<i32>} : memref<2x104xi32, #tpu.memory_space<vmem>>, vector<16xi32>,
    %get3A_82 = arith.constant 0 : i32
    %get3A_83 = arith.index_cast %get3A_82 : i32 to index
    %get3A_84 = arith.constant 16 : index
    %get3A_85 = tpu.vector_load %arg11[%get3A_83, %get3A_84] {strides = array<i32>} : memref<2x104xi32, #tpu.memory_space<vmem>>, vector<16xi32>,
    %mul3A_86 = arith.constant 10000 : i32
    %mul3A_87 = vector.broadcast %mul3A_86 : i32 to vector<16xi32>
    %mul3A_88 = arith.muli %get3A_85, %mul3A_87 : vector<16xi32>
    %get3A_89 = arith.constant 0 : i32
    %get3A_90 = arith.index_cast %get3A_89 : i32 to index
    %get3A_91 = arith.constant 16 : index
    %get3A_92 = tpu.vector_load %arg9[%get3A_90, %get3A_91] {strides = array<i32>} : memref<2x104xi32, #tpu.memory_space<vmem>>, vector<16xi32>,
    %add3A_93 = arith.addi %mul3A_88, %get3A_92 : vector<16xi32>
    %swap3A_94 = arith.constant 0 : i32
    %swap3A_95 = arith.index_cast %swap3A_94 : i32 to index
    %swap3A_96 = arith.constant 16 : index
    %swap3A_97 = tpu.vector_load %arg9[%swap3A_95, %swap3A_96] {strides = array<i32>} : memref<2x104xi32, #tpu.memory_space<vmem>>, vector<16xi32>,
    tpu.vector_store %arg9[%swap3A_95, %swap3A_96], %add3A_93 {strides = array<i32>} : memref<2x104xi32, #tpu.memory_space<vmem>>, vector<16xi32>,
    %get3A_98 = arith.constant 0 : i32
    %get3A_99 = arith.index_cast %get3A_98 : i32 to index
    %get3A_100 = arith.constant 16 : index
    %get3A_101 = tpu.vector_load %arg10[%get3A_99, %get3A_100] {strides = array<i32>} : memref<2x104xi32, #tpu.memory_space<vmem>>, vector<16xi32>,
    %add3A_102 = arith.addi %mul3A_88, %get3A_101 : vector<16xi32>
    %swap3A_103 = arith.constant 0 : i32
    %swap3A_104 = arith.index_cast %swap3A_103 : i32 to index
    %swap3A_105 = arith.constant 16 : index
    %swap3A_106 = tpu.vector_load %arg11[%swap3A_104, %swap3A_105] {strides = array<i32>} : memref<2x104xi32, #tpu.memory_space<vmem>>, vector<16xi32>,
    tpu.vector_store %arg11[%swap3A_104, %swap3A_105], %add3A_102 {strides = array<i32>} : memref<2x104xi32, #tpu.memory_space<vmem>>, vector<16xi32>,
    %get3A_107 = arith.constant 0 : i32
    %get3A_108 = arith.index_cast %get3A_107 : i32 to index
    %get3A_109 = arith.constant 32 : index
    %get3A_110 = tpu.vector_load %arg11[%get3A_108, %get3A_109] {strides = array<i32>} : memref<2x104xi32, #tpu.memory_space<vmem>>, vector<16xi32>,
    %mul3A_111 = arith.constant 10000 : i32
    %mul3A_112 = vector.broadcast %mul3A_111 : i32 to vector<16xi32>
    %mul3A_113 = arith.muli %get3A_110, %mul3A_112 : vector<16xi32>
    %get3A_114 = arith.constant 0 : i32
    %get3A_115 = arith.index_cast %get3A_114 : i32 to index
    %get3A_116 = arith.constant 32 : index
    %get3A_117 = tpu.vector_load %arg9[%get3A_115, %get3A_116] {strides = array<i32>} : memref<2x104xi32, #tpu.memory_space<vmem>>, vector<16xi32>,
    %add3A_118 = arith.addi %mul3A_113, %get3A_117 : vector<16xi32>
    %swap3A_119 = arith.constant 0 : i32
    %swap3A_120 = arith.index_cast %swap3A_119 : i32 to index
    %swap3A_121 = arith.constant 32 : index
    %swap3A_122 = tpu.vector_load %arg9[%swap3A_120, %swap3A_121] {strides = array<i32>} : memref<2x104xi32, #tpu.memory_space<vmem>>, vector<16xi32>,
    tpu.vector_store %arg9[%swap3A_120, %swap3A_121], %add3A_118 {strides = array<i32>} : memref<2x104xi32, #tpu.memory_space<vmem>>, vector<16xi32>,
    %get3A_123 = arith.constant 0 : i32
    %get3A_124 = arith.index_cast %get3A_123 : i32 to index
    %get3A_125 = arith.constant 32 : index
    %get3A_126 = tpu.vector_load %arg10[%get3A_124, %get3A_125] {strides = array<i32>} : memref<2x104xi32, #tpu.memory_space<vmem>>, vector<16xi32>,
    %add3A_127 = arith.addi %mul3A_113, %get3A_126 : vector<16xi32>
    %swap3A_128 = arith.constant 0 : i32
    %swap3A_129 = arith.index_cast %swap3A_128 : i32 to index
    %swap3A_130 = arith.constant 32 : index
    %swap3A_131 = tpu.vector_load %arg11[%swap3A_129, %swap3A_130] {strides = array<i32>} : memref<2x104xi32, #tpu.memory_space<vmem>>, vector<16xi32>,
    tpu.vector_store %arg11[%swap3A_129, %swap3A_130], %add3A_127 {strides = array<i32>} : memref<2x104xi32, #tpu.memory_space<vmem>>, vector<16xi32>,
    %get3A_132 = arith.constant 0 : i32
    %get3A_133 = arith.index_cast %get3A_132 : i32 to index
    %get3A_134 = arith.constant 48 : index
    %get3A_135 = tpu.vector_load %arg11[%get3A_133, %get3A_134] {strides = array<i32>} : memref<2x104xi32, #tpu.memory_space<vmem>>, vector<16xi32>,
    %mul3A_136 = arith.constant 10000 : i32
    %mul3A_137 = vector.broadcast %mul3A_136 : i32 to vector<16xi32>
    %mul3A_138 = arith.muli %get3A_135, %mul3A_137 : vector<16xi32>
    %get3A_139 = arith.constant 0 : i32
    %get3A_140 = arith.index_cast %get3A_139 : i32 to index
    %get3A_141 = arith.constant 48 : index
    %get3A_142 = tpu.vector_load %arg9[%get3A_140, %get3A_141] {strides = array<i32>} : memref<2x104xi32, #tpu.memory_space<vmem>>, vector<16xi32>,
    %add3A_143 = arith.addi %mul3A_138, %get3A_142 : vector<16xi32>
    %swap3A_144 = arith.constant 0 : i32
    %swap3A_145 = arith.index_cast %swap3A_144 : i32 to index
    %swap3A_146 = arith.constant 48 : index
    %swap3A_147 = tpu.vector_load %arg9[%swap3A_145, %swap3A_146] {strides = array<i32>} : memref<2x104xi32, #tpu.memory_space<vmem>>, vector<16xi32>,
    tpu.vector_store %arg9[%swap3A_145, %swap3A_146], %add3A_143 {strides = array<i32>} : memref<2x104xi32, #tpu.memory_space<vmem>>, vector<16xi32>,
    %get3A_148 = arith.constant 0 : i32
    %get3A_149 = arith.index_cast %get3A_148 : i32 to index
    %get3A_150 = arith.constant 48 : index
    %get3A_151 = tpu.vector_load %arg10[%get3A_149, %get3A_150] {strides = array<i32>} : memref<2x104xi32, #tpu.memory_space<vmem>>, vector<16xi32>,
    %add3A_152 = arith.addi %mul3A_138, %get3A_151 : vector<16xi32>
    %swap3A_153 = arith.constant 0 : i32
    %swap3A_154 = arith.index_cast %swap3A_153 : i32 to index
    %swap3A_155 = arith.constant 48 : index
    %swap3A_156 = tpu.vector_load %arg11[%swap3A_154, %swap3A_155] {strides = array<i32>} : memref<2x104xi32, #tpu.memory_space<vmem>>, vector<16xi32>,
    tpu.vector_store %arg11[%swap3A_154, %swap3A_155], %add3A_152 {strides = array<i32>} : memref<2x104xi32, #tpu.memory_space<vmem>>, vector<16xi32>,
    %get3A_157 = arith.constant 0 : i32
    %get3A_158 = arith.index_cast %get3A_157 : i32 to index
    %get3A_159 = arith.constant 64 : index
    %get3A_160 = tpu.vector_load %arg11[%get3A_158, %get3A_159] {strides = array<i32>} : memref<2x104xi32, #tpu.memory_space<vmem>>, vector<16xi32>,
    %mul3A_161 = arith.constant 10000 : i32
    %mul3A_162 = vector.broadcast %mul3A_161 : i32 to vector<16xi32>
    %mul3A_163 = arith.muli %get3A_160, %mul3A_162 : vector<16xi32>
    %get3A_164 = arith.constant 0 : i32
    %get3A_165 = arith.index_cast %get3A_164 : i32 to index
    %get3A_166 = arith.constant 64 : index
    %get3A_167 = tpu.vector_load %arg9[%get3A_165, %get3A_166] {strides = array<i32>} : memref<2x104xi32, #tpu.memory_space<vmem>>, vector<16xi32>,
    %add3A_168 = arith.addi %mul3A_163, %get3A_167 : vector<16xi32>
    %swap3A_169 = arith.constant 0 : i32
    %swap3A_170 = arith.index_cast %swap3A_169 : i32 to index
    %swap3A_171 = arith.constant 64 : index
    %swap3A_172 = tpu.vector_load %arg9[%swap3A_170, %swap3A_171] {strides = array<i32>} : memref<2x104xi32, #tpu.memory_space<vmem>>, vector<16xi32>,
    tpu.vector_store %arg9[%swap3A_170, %swap3A_171], %add3A_168 {strides = array<i32>} : memref<2x104xi32, #tpu.memory_space<vmem>>, vector<16xi32>,
    %get3A_173 = arith.constant 0 : i32
    %get3A_174 = arith.index_cast %get3A_173 : i32 to index
    %get3A_175 = arith.constant 64 : index
    %get3A_176 = tpu.vector_load %arg10[%get3A_174, %get3A_175] {strides = array<i32>} : memref<2x104xi32, #tpu.memory_space<vmem>>, vector<16xi32>,
    %add3A_177 = arith.addi %mul3A_163, %get3A_176 : vector<16xi32>
    %swap3A_178 = arith.constant 0 : i32
    %swap3A_179 = arith.index_cast %swap3A_178 : i32 to index
    %swap3A_180 = arith.constant 64 : index
    %swap3A_181 = tpu.vector_load %arg11[%swap3A_179, %swap3A_180] {strides = array<i32>} : memref<2x104xi32, #tpu.memory_space<vmem>>, vector<16xi32>,
    tpu.vector_store %arg11[%swap3A_179, %swap3A_180], %add3A_177 {strides = array<i32>} : memref<2x104xi32, #tpu.memory_space<vmem>>, vector<16xi32>,
    %get3A_182 = arith.constant 0 : i32
    %get3A_183 = arith.index_cast %get3A_182 : i32 to index
    %get3A_184 = arith.constant 80 : index
    %get3A_185 = tpu.vector_load %arg11[%get3A_183, %get3A_184] {strides = array<i32>} : memref<2x104xi32, #tpu.memory_space<vmem>>, vector<16xi32>,
    %mul3A_186 = arith.constant 10000 : i32
    %mul3A_187 = vector.broadcast %mul3A_186 : i32 to vector<16xi32>
    %mul3A_188 = arith.muli %get3A_185, %mul3A_187 : vector<16xi32>
    %get3A_189 = arith.constant 0 : i32
    %get3A_190 = arith.index_cast %get3A_189 : i32 to index
    %get3A_191 = arith.constant 80 : index
    %get3A_192 = tpu.vector_load %arg9[%get3A_190, %get3A_191] {strides = array<i32>} : memref<2x104xi32, #tpu.memory_space<vmem>>, vector<16xi32>,
    %add3A_193 = arith.addi %mul3A_188, %get3A_192 : vector<16xi32>
    %swap3A_194 = arith.constant 0 : i32
    %swap3A_195 = arith.index_cast %swap3A_194 : i32 to index
    %swap3A_196 = arith.constant 80 : index
    %swap3A_197 = tpu.vector_load %arg9[%swap3A_195, %swap3A_196] {strides = array<i32>} : memref<2x104xi32, #tpu.memory_space<vmem>>, vector<16xi32>,
    tpu.vector_store %arg9[%swap3A_195, %swap3A_196], %add3A_193 {strides = array<i32>} : memref<2x104xi32, #tpu.memory_space<vmem>>, vector<16xi32>,
    %get3A_198 = arith.constant 0 : i32
    %get3A_199 = arith.index_cast %get3A_198 : i32 to index
    %get3A_200 = arith.constant 80 : index
    %get3A_201 = tpu.vector_load %arg10[%get3A_199, %get3A_200] {strides = array<i32>} : memref<2x104xi32, #tpu.memory_space<vmem>>, vector<16xi32>,
    %add3A_202 = arith.addi %mul3A_188, %get3A_201 : vector<16xi32>
    %swap3A_203 = arith.constant 0 : i32
    %swap3A_204 = arith.index_cast %swap3A_203 : i32 to index
    %swap3A_205 = arith.constant 80 : index
    %swap3A_206 = tpu.vector_load %arg11[%swap3A_204, %swap3A_205] {strides = array<i32>} : memref<2x104xi32, #tpu.memory_space<vmem>>, vector<16xi32>,
    tpu.vector_store %arg11[%swap3A_204, %swap3A_205], %add3A_202 {strides = array<i32>} : memref<2x104xi32, #tpu.memory_space<vmem>>, vector<16xi32>,
    %dma_start3A_207 = arith.constant 0 : i32
    %dma_start3A_208 = arith.constant 0 : i32
    %dma_start3A_209 = tpu.memref_slice %arg9[%dma_start3A_207, %dma_start3A_208] : memref<2x104xi32, #tpu.memory_space<vmem>> -> memref<1x104xi32, #tpu.memory_space<vmem>>
    %dma_start3A_210 = tpu.memref_squeeze %dma_start3A_209 : memref<1x104xi32, #tpu.memory_space<vmem>> -> memref<104xi32, #tpu.memory_space<vmem>>
    %dma_start3A_211 = arith.constant 0 : i32
    %dma_start3A_212 = arith.constant 0 : i32
    %dma_start3A_213 = tpu.memref_slice %arg2[%dma_start3A_211, %dma_start3A_212] : memref<40000x160xbf16, #tpu.memory_space<hbm>> -> memref<40000x160xbf16, #tpu.memory_space<hbm>>
    tpu.enqueue_indirect_dma source(%dma_start3A_213 : memref<40000x160xbf16, #tpu.memory_space<hbm>>) target(%arg15 : memref<104x160xbf16, #tpu.memory_space<vmem>>) offsets(%dma_start3A_210 : memref<104xi32, #tpu.memory_space<vmem>>) semaphore(%arg21 : memref<!tpu.dma_semaphore, #tpu.memory_space<semaphore_mem>>)
    %dma_start3A_214 = arith.constant 0 : i32
    %dma_start3A_215 = arith.constant 0 : i32
    %dma_start3A_216 = tpu.memref_slice %arg11[%dma_start3A_214, %dma_start3A_215] : memref<2x104xi32, #tpu.memory_space<vmem>> -> memref<1x104xi32, #tpu.memory_space<vmem>>
    %dma_start3A_217 = tpu.memref_squeeze %dma_start3A_216 : memref<1x104xi32, #tpu.memory_space<vmem>> -> memref<104xi32, #tpu.memory_space<vmem>>
    %dma_start3A_218 = arith.constant 0 : i32
    %dma_start3A_219 = arith.constant 0 : i32
    %dma_start3A_220 = tpu.memref_slice %arg3[%dma_start3A_218, %dma_start3A_219] : memref<40000x16xf32, #tpu.memory_space<hbm>> -> memref<40000x16xf32, #tpu.memory_space<hbm>>
    tpu.enqueue_indirect_dma source(%dma_start3A_220 : memref<40000x16xf32, #tpu.memory_space<hbm>>) target(%arg17 : memref<104x16xf32, #tpu.memory_space<vmem>>) offsets(%dma_start3A_217 : memref<104xi32, #tpu.memory_space<vmem>>) semaphore(%arg23 : memref<!tpu.dma_semaphore, #tpu.memory_space<semaphore_mem>>)
    %min3A_221 = arith.constant 1 : i32
    %min3A_222 = arith.constant 49 : i32
    %min3A_223 = arith.minsi %min3A_221, %min3A_222 : i32
    %dma_start3A_224 = arith.constant 0 : i32
    %dma_start3A_225 = arith.constant 0 : i32
    %dma_start3A_226 = tpu.memref_slice %arg4[%add3A, %min3A_223, %dma_start3A_224, %dma_start3A_225] : memref<32x50x2x104xi32, #tpu.memory_space<hbm>> -> memref<1x1x2x104xi32, #tpu.memory_space<hbm>>
    %dma_start3A_227 = tpu.memref_squeeze %dma_start3A_226 : memref<1x1x2x104xi32, #tpu.memory_space<hbm>> -> memref<2x104xi32, #tpu.memory_space<hbm>>
    %dma_start3A_228 = arith.constant 0 : i32
    %dma_start3A_229 = arith.constant 0 : i32
    %dma_start3A_230 = tpu.memref_slice %arg4[%add3A, %min3A_223, %dma_start3A_228, %dma_start3A_229] : memref<32x50x2x104xi32, #tpu.memory_space<hbm>> -> memref<1x1x2x104xi32, #tpu.memory_space<hbm>>
    %dma_start3A_231 = tpu.memref_squeeze %dma_start3A_230 : memref<1x1x2x104xi32, #tpu.memory_space<hbm>> -> memref<2x104xi32, #tpu.memory_space<hbm>>
    tpu.enqueue_dma source(%dma_start3A_231 : memref<2x104xi32, #tpu.memory_space<hbm>>) target(%arg12 : memref<2x104xi32, #tpu.memory_space<vmem>>) target_semaphore(%arg26 : memref<!tpu.dma_semaphore, #tpu.memory_space<semaphore_mem>>)
    %dma_start3A_232 = arith.constant 0 : i32
    %dma_start3A_233 = arith.constant 0 : i32
    %dma_start3A_234 = tpu.memref_slice %arg5[%add3A, %min3A_223, %dma_start3A_232, %dma_start3A_233] : memref<32x50x2x104xi32, #tpu.memory_space<hbm>> -> memref<1x1x2x104xi32, #tpu.memory_space<hbm>>
    %dma_start3A_235 = tpu.memref_squeeze %dma_start3A_234 : memref<1x1x2x104xi32, #tpu.memory_space<hbm>> -> memref<2x104xi32, #tpu.memory_space<hbm>>
    %dma_start3A_236 = arith.constant 0 : i32
    %dma_start3A_237 = arith.constant 0 : i32
    %dma_start3A_238 = tpu.memref_slice %arg5[%add3A, %min3A_223, %dma_start3A_236, %dma_start3A_237] : memref<32x50x2x104xi32, #tpu.memory_space<hbm>> -> memref<1x1x2x104xi32, #tpu.memory_space<hbm>>
    %dma_start3A_239 = tpu.memref_squeeze %dma_start3A_238 : memref<1x1x2x104xi32, #tpu.memory_space<hbm>> -> memref<2x104xi32, #tpu.memory_space<hbm>>
    tpu.enqueue_dma source(%dma_start3A_239 : memref<2x104xi32, #tpu.memory_space<hbm>>) target(%arg13 : memref<2x104xi32, #tpu.memory_space<vmem>>) target_semaphore(%arg26 : memref<!tpu.dma_semaphore, #tpu.memory_space<semaphore_mem>>)
    %dma_start3A_240 = arith.constant 0 : i32
    %dma_start3A_241 = arith.constant 0 : i32
    %dma_start3A_242 = tpu.memref_slice %arg6[%add3A, %min3A_223, %dma_start3A_240, %dma_start3A_241] : memref<32x50x2x104xi32, #tpu.memory_space<hbm>> -> memref<1x1x2x104xi32, #tpu.memory_space<hbm>>
    %dma_start3A_243 = tpu.memref_squeeze %dma_start3A_242 : memref<1x1x2x104xi32, #tpu.memory_space<hbm>> -> memref<2x104xi32, #tpu.memory_space<hbm>>
    %dma_start3A_244 = arith.constant 0 : i32
    %dma_start3A_245 = arith.constant 0 : i32
    %dma_start3A_246 = tpu.memref_slice %arg6[%add3A, %min3A_223, %dma_start3A_244, %dma_start3A_245] : memref<32x50x2x104xi32, #tpu.memory_space<hbm>> -> memref<1x1x2x104xi32, #tpu.memory_space<hbm>>
    %dma_start3A_247 = tpu.memref_squeeze %dma_start3A_246 : memref<1x1x2x104xi32, #tpu.memory_space<hbm>> -> memref<2x104xi32, #tpu.memory_space<hbm>>
    tpu.enqueue_dma source(%dma_start3A_247 : memref<2x104xi32, #tpu.memory_space<hbm>>) target(%arg14 : memref<2x104xi32, #tpu.memory_space<vmem>>) target_semaphore(%arg26 : memref<!tpu.dma_semaphore, #tpu.memory_space<semaphore_mem>>)
    %barrier3A = arith.constant 0 : index
    tpu.barrier barrier_id(%barrier3A)
    %scan3A = arith.constant 0 : i32
    %scan3A_248 = arith.constant 0 : i32
    %scan3A_249 = arith.constant 25 : i32
    %scan3A_250 = arith.addi %scan3A_248, %scan3A_249 : i32
    %scan3A_251 = arith.constant 1 : i32
    scf.for %scan3A_302 = %scan3A_248 to %scan3A_250 step %scan3A_251  : i32 {
      %get3A_303 = arith.constant 1 : i32
      %get3A_304 = arith.index_cast %get3A_303 : i32 to index
      %get3A_305 = arith.constant 0 : index
      %get3A_306 = tpu.vector_load %arg11[%get3A_304, %get3A_305] {strides = array<i32>} : memref<2x104xi32, #tpu.memory_space<vmem>>, vector<16xi32>,
      %mul3A_307 = arith.constant 10000 : i32
      %mul3A_308 = vector.broadcast %mul3A_307 : i32 to vector<16xi32>
      %mul3A_309 = arith.muli %get3A_306, %mul3A_308 : vector<16xi32>
      %get3A_310 = arith.constant 1 : i32
      %get3A_311 = arith.index_cast %get3A_310 : i32 to index
      %get3A_312 = arith.constant 0 : index
      %get3A_313 = tpu.vector_load %arg9[%get3A_311, %get3A_312] {strides = array<i32>} : memref<2x104xi32, #tpu.memory_space<vmem>>, vector<16xi32>,
      %add3A_314 = arith.addi %mul3A_309, %get3A_313 : vector<16xi32>
      %swap3A_315 = arith.constant 1 : i32
      %swap3A_316 = arith.index_cast %swap3A_315 : i32 to index
      %swap3A_317 = arith.constant 0 : index
      %swap3A_318 = tpu.vector_load %arg9[%swap3A_316, %swap3A_317] {strides = array<i32>} : memref<2x104xi32, #tpu.memory_space<vmem>>, vector<16xi32>,
      tpu.vector_store %arg9[%swap3A_316, %swap3A_317], %add3A_314 {strides = array<i32>} : memref<2x104xi32, #tpu.memory_space<vmem>>, vector<16xi32>,
      %get3A_319 = arith.constant 1 : i32
      %get3A_320 = arith.index_cast %get3A_319 : i32 to index
      %get3A_321 = arith.constant 0 : index
      %get3A_322 = tpu.vector_load %arg10[%get3A_320, %get3A_321] {strides = array<i32>} : memref<2x104xi32, #tpu.memory_space<vmem>>, vector<16xi32>,
      %add3A_323 = arith.addi %mul3A_309, %get3A_322 : vector<16xi32>
      %swap3A_324 = arith.constant 1 : i32
      %swap3A_325 = arith.index_cast %swap3A_324 : i32 to index
      %swap3A_326 = arith.constant 0 : index
      %swap3A_327 = tpu.vector_load %arg11[%swap3A_325, %swap3A_326] {strides = array<i32>} : memref<2x104xi32, #tpu.memory_space<vmem>>, vector<16xi32>,
      tpu.vector_store %arg11[%swap3A_325, %swap3A_326], %add3A_323 {strides = array<i32>} : memref<2x104xi32, #tpu.memory_space<vmem>>, vector<16xi32>,
      %get3A_328 = arith.constant 1 : i32
      %get3A_329 = arith.index_cast %get3A_328 : i32 to index
      %get3A_330 = arith.constant 16 : index
      %get3A_331 = tpu.vector_load %arg11[%get3A_329, %get3A_330] {strides = array<i32>} : memref<2x104xi32, #tpu.memory_space<vmem>>, vector<16xi32>,
      %mul3A_332 = arith.constant 10000 : i32
      %mul3A_333 = vector.broadcast %mul3A_332 : i32 to vector<16xi32>
      %mul3A_334 = arith.muli %get3A_331, %mul3A_333 : vector<16xi32>
      %get3A_335 = arith.constant 1 : i32
      %get3A_336 = arith.index_cast %get3A_335 : i32 to index
      %get3A_337 = arith.constant 16 : index
      %get3A_338 = tpu.vector_load %arg9[%get3A_336, %get3A_337] {strides = array<i32>} : memref<2x104xi32, #tpu.memory_space<vmem>>, vector<16xi32>,
      %add3A_339 = arith.addi %mul3A_334, %get3A_338 : vector<16xi32>
      %swap3A_340 = arith.constant 1 : i32
      %swap3A_341 = arith.index_cast %swap3A_340 : i32 to index
      %swap3A_342 = arith.constant 16 : index
      %swap3A_343 = tpu.vector_load %arg9[%swap3A_341, %swap3A_342] {strides = array<i32>} : memref<2x104xi32, #tpu.memory_space<vmem>>, vector<16xi32>,
      tpu.vector_store %arg9[%swap3A_341, %swap3A_342], %add3A_339 {strides = array<i32>} : memref<2x104xi32, #tpu.memory_space<vmem>>, vector<16xi32>,
      %get3A_344 = arith.constant 1 : i32
      %get3A_345 = arith.index_cast %get3A_344 : i32 to index
      %get3A_346 = arith.constant 16 : index
      %get3A_347 = tpu.vector_load %arg10[%get3A_345, %get3A_346] {strides = array<i32>} : memref<2x104xi32, #tpu.memory_space<vmem>>, vector<16xi32>,
      %add3A_348 = arith.addi %mul3A_334, %get3A_347 : vector<16xi32>
      %swap3A_349 = arith.constant 1 : i32
      %swap3A_350 = arith.index_cast %swap3A_349 : i32 to index
      %swap3A_351 = arith.constant 16 : index
      %swap3A_352 = tpu.vector_load %arg11[%swap3A_350, %swap3A_351] {strides = array<i32>} : memref<2x104xi32, #tpu.memory_space<vmem>>, vector<16xi32>,
      tpu.vector_store %arg11[%swap3A_350, %swap3A_351], %add3A_348 {strides = array<i32>} : memref<2x104xi32, #tpu.memory_space<vmem>>, vector<16xi32>,
      %get3A_353 = arith.constant 1 : i32
      %get3A_354 = arith.index_cast %get3A_353 : i32 to index
      %get3A_355 = arith.constant 32 : index
      %get3A_356 = tpu.vector_load %arg11[%get3A_354, %get3A_355] {strides = array<i32>} : memref<2x104xi32, #tpu.memory_space<vmem>>, vector<16xi32>,
      %mul3A_357 = arith.constant 10000 : i32
      %mul3A_358 = vector.broadcast %mul3A_357 : i32 to vector<16xi32>
      %mul3A_359 = arith.muli %get3A_356, %mul3A_358 : vector<16xi32>
      %get3A_360 = arith.constant 1 : i32
      %get3A_361 = arith.index_cast %get3A_360 : i32 to index
      %get3A_362 = arith.constant 32 : index
      %get3A_363 = tpu.vector_load %arg9[%get3A_361, %get3A_362] {strides = array<i32>} : memref<2x104xi32, #tpu.memory_space<vmem>>, vector<16xi32>,
      %add3A_364 = arith.addi %mul3A_359, %get3A_363 : vector<16xi32>
      %swap3A_365 = arith.constant 1 : i32
      %swap3A_366 = arith.index_cast %swap3A_365 : i32 to index
      %swap3A_367 = arith.constant 32 : index
      %swap3A_368 = tpu.vector_load %arg9[%swap3A_366, %swap3A_367] {strides = array<i32>} : memref<2x104xi32, #tpu.memory_space<vmem>>, vector<16xi32>,
      tpu.vector_store %arg9[%swap3A_366, %swap3A_367], %add3A_364 {strides = array<i32>} : memref<2x104xi32, #tpu.memory_space<vmem>>, vector<16xi32>,
      %get3A_369 = arith.constant 1 : i32
      %get3A_370 = arith.index_cast %get3A_369 : i32 to index
      %get3A_371 = arith.constant 32 : index
      %get3A_372 = tpu.vector_load %arg10[%get3A_370, %get3A_371] {strides = array<i32>} : memref<2x104xi32, #tpu.memory_space<vmem>>, vector<16xi32>,
      %add3A_373 = arith.addi %mul3A_359, %get3A_372 : vector<16xi32>
      %swap3A_374 = arith.constant 1 : i32
      %swap3A_375 = arith.index_cast %swap3A_374 : i32 to index
      %swap3A_376 = arith.constant 32 : index
      %swap3A_377 = tpu.vector_load %arg11[%swap3A_375, %swap3A_376] {strides = array<i32>} : memref<2x104xi32, #tpu.memory_space<vmem>>, vector<16xi32>,
      tpu.vector_store %arg11[%swap3A_375, %swap3A_376], %add3A_373 {strides = array<i32>} : memref<2x104xi32, #tpu.memory_space<vmem>>, vector<16xi32>,
      %get3A_378 = arith.constant 1 : i32
      %get3A_379 = arith.index_cast %get3A_378 : i32 to index
      %get3A_380 = arith.constant 48 : index
      %get3A_381 = tpu.vector_load %arg11[%get3A_379, %get3A_380] {strides = array<i32>} : memref<2x104xi32, #tpu.memory_space<vmem>>, vector<16xi32>,
      %mul3A_382 = arith.constant 10000 : i32
      %mul3A_383 = vector.broadcast %mul3A_382 : i32 to vector<16xi32>
      %mul3A_384 = arith.muli %get3A_381, %mul3A_383 : vector<16xi32>
      %get3A_385 = arith.constant 1 : i32
      %get3A_386 = arith.index_cast %get3A_385 : i32 to index
      %get3A_387 = arith.constant 48 : index
      %get3A_388 = tpu.vector_load %arg9[%get3A_386, %get3A_387] {strides = array<i32>} : memref<2x104xi32, #tpu.memory_space<vmem>>, vector<16xi32>,
      %add3A_389 = arith.addi %mul3A_384, %get3A_388 : vector<16xi32>
      %swap3A_390 = arith.constant 1 : i32
      %swap3A_391 = arith.index_cast %swap3A_390 : i32 to index
      %swap3A_392 = arith.constant 48 : index
      %swap3A_393 = tpu.vector_load %arg9[%swap3A_391, %swap3A_392] {strides = array<i32>} : memref<2x104xi32, #tpu.memory_space<vmem>>, vector<16xi32>,
      tpu.vector_store %arg9[%swap3A_391, %swap3A_392], %add3A_389 {strides = array<i32>} : memref<2x104xi32, #tpu.memory_space<vmem>>, vector<16xi32>,
      %get3A_394 = arith.constant 1 : i32
      %get3A_395 = arith.index_cast %get3A_394 : i32 to index
      %get3A_396 = arith.constant 48 : index
      %get3A_397 = tpu.vector_load %arg10[%get3A_395, %get3A_396] {strides = array<i32>} : memref<2x104xi32, #tpu.memory_space<vmem>>, vector<16xi32>,
      %add3A_398 = arith.addi %mul3A_384, %get3A_397 : vector<16xi32>
      %swap3A_399 = arith.constant 1 : i32
      %swap3A_400 = arith.index_cast %swap3A_399 : i32 to index
      %swap3A_401 = arith.constant 48 : index
      %swap3A_402 = tpu.vector_load %arg11[%swap3A_400, %swap3A_401] {strides = array<i32>} : memref<2x104xi32, #tpu.memory_space<vmem>>, vector<16xi32>,
      tpu.vector_store %arg11[%swap3A_400, %swap3A_401], %add3A_398 {strides = array<i32>} : memref<2x104xi32, #tpu.memory_space<vmem>>, vector<16xi32>,
      %get3A_403 = arith.constant 1 : i32
      %get3A_404 = arith.index_cast %get3A_403 : i32 to index
      %get3A_405 = arith.constant 64 : index
      %get3A_406 = tpu.vector_load %arg11[%get3A_404, %get3A_405] {strides = array<i32>} : memref<2x104xi32, #tpu.memory_space<vmem>>, vector<16xi32>,
      %mul3A_407 = arith.constant 10000 : i32
      %mul3A_408 = vector.broadcast %mul3A_407 : i32 to vector<16xi32>
      %mul3A_409 = arith.muli %get3A_406, %mul3A_408 : vector<16xi32>
      %get3A_410 = arith.constant 1 : i32
      %get3A_411 = arith.index_cast %get3A_410 : i32 to index
      %get3A_412 = arith.constant 64 : index
      %get3A_413 = tpu.vector_load %arg9[%get3A_411, %get3A_412] {strides = array<i32>} : memref<2x104xi32, #tpu.memory_space<vmem>>, vector<16xi32>,
      %add3A_414 = arith.addi %mul3A_409, %get3A_413 : vector<16xi32>
      %swap3A_415 = arith.constant 1 : i32
      %swap3A_416 = arith.index_cast %swap3A_415 : i32 to index
      %swap3A_417 = arith.constant 64 : index
      %swap3A_418 = tpu.vector_load %arg9[%swap3A_416, %swap3A_417] {strides = array<i32>} : memref<2x104xi32, #tpu.memory_space<vmem>>, vector<16xi32>,
      tpu.vector_store %arg9[%swap3A_416, %swap3A_417], %add3A_414 {strides = array<i32>} : memref<2x104xi32, #tpu.memory_space<vmem>>, vector<16xi32>,
      %get3A_419 = arith.constant 1 : i32
      %get3A_420 = arith.index_cast %get3A_419 : i32 to index
      %get3A_421 = arith.constant 64 : index
      %get3A_422 = tpu.vector_load %arg10[%get3A_420, %get3A_421] {strides = array<i32>} : memref<2x104xi32, #tpu.memory_space<vmem>>, vector<16xi32>,
      %add3A_423 = arith.addi %mul3A_409, %get3A_422 : vector<16xi32>
      %swap3A_424 = arith.constant 1 : i32
      %swap3A_425 = arith.index_cast %swap3A_424 : i32 to index
      %swap3A_426 = arith.constant 64 : index
      %swap3A_427 = tpu.vector_load %arg11[%swap3A_425, %swap3A_426] {strides = array<i32>} : memref<2x104xi32, #tpu.memory_space<vmem>>, vector<16xi32>,
      tpu.vector_store %arg11[%swap3A_425, %swap3A_426], %add3A_423 {strides = array<i32>} : memref<2x104xi32, #tpu.memory_space<vmem>>, vector<16xi32>,
      %get3A_428 = arith.constant 1 : i32
      %get3A_429 = arith.index_cast %get3A_428 : i32 to index
      %get3A_430 = arith.constant 80 : index
      %get3A_431 = tpu.vector_load %arg11[%get3A_429, %get3A_430] {strides = array<i32>} : memref<2x104xi32, #tpu.memory_space<vmem>>, vector<16xi32>,
      %mul3A_432 = arith.constant 10000 : i32
      %mul3A_433 = vector.broadcast %mul3A_432 : i32 to vector<16xi32>
      %mul3A_434 = arith.muli %get3A_431, %mul3A_433 : vector<16xi32>
      %get3A_435 = arith.constant 1 : i32
      %get3A_436 = arith.index_cast %get3A_435 : i32 to index
      %get3A_437 = arith.constant 80 : index
      %get3A_438 = tpu.vector_load %arg9[%get3A_436, %get3A_437] {strides = array<i32>} : memref<2x104xi32, #tpu.memory_space<vmem>>, vector<16xi32>,
      %add3A_439 = arith.addi %mul3A_434, %get3A_438 : vector<16xi32>
      %swap3A_440 = arith.constant 1 : i32
      %swap3A_441 = arith.index_cast %swap3A_440 : i32 to index
      %swap3A_442 = arith.constant 80 : index
      %swap3A_443 = tpu.vector_load %arg9[%swap3A_441, %swap3A_442] {strides = array<i32>} : memref<2x104xi32, #tpu.memory_space<vmem>>, vector<16xi32>,
      tpu.vector_store %arg9[%swap3A_441, %swap3A_442], %add3A_439 {strides = array<i32>} : memref<2x104xi32, #tpu.memory_space<vmem>>, vector<16xi32>,
      %get3A_444 = arith.constant 1 : i32
      %get3A_445 = arith.index_cast %get3A_444 : i32 to index
      %get3A_446 = arith.constant 80 : index
      %get3A_447 = tpu.vector_load %arg10[%get3A_445, %get3A_446] {strides = array<i32>} : memref<2x104xi32, #tpu.memory_space<vmem>>, vector<16xi32>,
      %add3A_448 = arith.addi %mul3A_434, %get3A_447 : vector<16xi32>
      %swap3A_449 = arith.constant 1 : i32
      %swap3A_450 = arith.index_cast %swap3A_449 : i32 to index
      %swap3A_451 = arith.constant 80 : index
      %swap3A_452 = tpu.vector_load %arg11[%swap3A_450, %swap3A_451] {strides = array<i32>} : memref<2x104xi32, #tpu.memory_space<vmem>>, vector<16xi32>,
      tpu.vector_store %arg11[%swap3A_450, %swap3A_451], %add3A_448 {strides = array<i32>} : memref<2x104xi32, #tpu.memory_space<vmem>>, vector<16xi32>,
      %dma_start3A_453 = arith.constant 1 : i32
      %dma_start3A_454 = arith.constant 0 : i32
      %dma_start3A_455 = tpu.memref_slice %arg9[%dma_start3A_453, %dma_start3A_454] : memref<2x104xi32, #tpu.memory_space<vmem>> -> memref<1x104xi32, #tpu.memory_space<vmem>>
      %dma_start3A_456 = tpu.memref_squeeze %dma_start3A_455 : memref<1x104xi32, #tpu.memory_space<vmem>> -> memref<104xi32, #tpu.memory_space<vmem>>
      %dma_start3A_457 = arith.constant 0 : i32
      %dma_start3A_458 = arith.constant 0 : i32
      %dma_start3A_459 = tpu.memref_slice %arg2[%dma_start3A_457, %dma_start3A_458] : memref<40000x160xbf16, #tpu.memory_space<hbm>> -> memref<40000x160xbf16, #tpu.memory_space<hbm>>
      tpu.enqueue_indirect_dma source(%dma_start3A_459 : memref<40000x160xbf16, #tpu.memory_space<hbm>>) target(%arg16 : memref<104x160xbf16, #tpu.memory_space<vmem>>) offsets(%dma_start3A_456 : memref<104xi32, #tpu.memory_space<vmem>>) semaphore(%arg22 : memref<!tpu.dma_semaphore, #tpu.memory_space<semaphore_mem>>)
      %dma_start3A_460 = arith.constant 1 : i32
      %dma_start3A_461 = arith.constant 0 : i32
      %dma_start3A_462 = tpu.memref_slice %arg11[%dma_start3A_460, %dma_start3A_461] : memref<2x104xi32, #tpu.memory_space<vmem>> -> memref<1x104xi32, #tpu.memory_space<vmem>>
      %dma_start3A_463 = tpu.memref_squeeze %dma_start3A_462 : memref<1x104xi32, #tpu.memory_space<vmem>> -> memref<104xi32, #tpu.memory_space<vmem>>
      %dma_start3A_464 = arith.constant 0 : i32
      %dma_start3A_465 = arith.constant 0 : i32
      %dma_start3A_466 = tpu.memref_slice %arg3[%dma_start3A_464, %dma_start3A_465] : memref<40000x16xf32, #tpu.memory_space<hbm>> -> memref<40000x16xf32, #tpu.memory_space<hbm>>
      tpu.enqueue_indirect_dma source(%dma_start3A_466 : memref<40000x16xf32, #tpu.memory_space<hbm>>) target(%arg18 : memref<104x16xf32, #tpu.memory_space<vmem>>) offsets(%dma_start3A_463 : memref<104xi32, #tpu.memory_space<vmem>>) semaphore(%arg24 : memref<!tpu.dma_semaphore, #tpu.memory_space<semaphore_mem>>)
      %dma_wait3A_467 = arith.constant 0 : i32
      %dma_wait3A_468 = arith.constant 0 : i32
      %dma_wait3A_469 = tpu.memref_slice %arg9[%dma_wait3A_467, %dma_wait3A_468] : memref<2x104xi32, #tpu.memory_space<vmem>> -> memref<1x104xi32, #tpu.memory_space<vmem>>
      %dma_wait3A_470 = tpu.memref_squeeze %dma_wait3A_469 : memref<1x104xi32, #tpu.memory_space<vmem>> -> memref<104xi32, #tpu.memory_space<vmem>>
      %dma_wait3A_471 = arith.constant 0 : i32
      %dma_wait3A_472 = arith.constant 0 : i32
      %dma_wait3A_473 = tpu.memref_slice %arg2[%dma_wait3A_471, %dma_wait3A_472] : memref<40000x160xbf16, #tpu.memory_space<hbm>> -> memref<40000x160xbf16, #tpu.memory_space<hbm>>
      tpu.wait_indirect_dma semaphore(%arg21 : memref<!tpu.dma_semaphore, #tpu.memory_space<semaphore_mem>>) src(%dma_wait3A_473 : memref<40000x160xbf16, #tpu.memory_space<hbm>>) dst(%arg15 : memref<104x160xbf16, #tpu.memory_space<vmem>>)
      %dma_wait3A_474 = arith.constant 0 : i32
      %dma_wait3A_475 = arith.constant 0 : i32
      %dma_wait3A_476 = tpu.memref_slice %arg11[%dma_wait3A_474, %dma_wait3A_475] : memref<2x104xi32, #tpu.memory_space<vmem>> -> memref<1x104xi32, #tpu.memory_space<vmem>>
      %dma_wait3A_477 = tpu.memref_squeeze %dma_wait3A_476 : memref<1x104xi32, #tpu.memory_space<vmem>> -> memref<104xi32, #tpu.memory_space<vmem>>
      %dma_wait3A_478 = arith.constant 0 : i32
      %dma_wait3A_479 = arith.constant 0 : i32
      %dma_wait3A_480 = tpu.memref_slice %arg3[%dma_wait3A_478, %dma_wait3A_479] : memref<40000x16xf32, #tpu.memory_space<hbm>> -> memref<40000x16xf32, #tpu.memory_space<hbm>>
      tpu.wait_indirect_dma semaphore(%arg23 : memref<!tpu.dma_semaphore, #tpu.memory_space<semaphore_mem>>) src(%dma_wait3A_480 : memref<40000x16xf32, #tpu.memory_space<hbm>>) dst(%arg17 : memref<104x16xf32, #tpu.memory_space<vmem>>)
      %broadcast_in_dim3A = arith.constant -65536 : i32
      %broadcast_in_dim3A_481 = vector.broadcast %broadcast_in_dim3A : i32 to vector<16xi32>
      %scan3A_482 = arith.constant 0 : i32
      %scan3A_483 = arith.constant 0 : i32
      %scan3A_484 = arith.constant 104 : i32
      %scan3A_485 = arith.addi %scan3A_483, %scan3A_484 : i32
      %scan3A_486 = arith.constant 1 : i32
      scf.for %scan3A_1169 = %scan3A_483 to %scan3A_485 step %scan3A_486  : i32 {
        %get3A_1170 = arith.index_cast %scan3A_1169 : i32 to index
        %get3A_1171 = arith.constant 128 : index
        %get3A_1172 = tpu.vector_load %arg15[%get3A_1170, %get3A_1171] {strides = array<i32>} : memref<104x160xbf16, #tpu.memory_space<vmem>>, vector<32xbf16>,
        %bitcast3A = vector.bitcast %get3A_1172 : vector<32xbf16> to vector<16xf32>
        %get3A_1173 = arith.index_cast %scan3A_1169 : i32 to index
        %get3A_1174 = arith.constant 0 : index
        %get3A_1175 = tpu.vector_load %arg17[%get3A_1173, %get3A_1174] {strides = array<i32>} : memref<104x16xf32, #tpu.memory_space<vmem>>, vector<16xf32>,
        %add3A_1176 = arith.addf %bitcast3A, %get3A_1175 : vector<16xf32>
        %ge3A = arith.constant 0.000000e+00 : f32
        %ge3A_1177 = vector.broadcast %ge3A : f32 to vector<16xf32>
        %ge3A_1178 = arith.cmpf oge, %add3A_1176, %ge3A_1177 : vector<16xf32>
        %mul3A_1179 = arith.constant 2.000000e-01 : f32
        %mul3A_1180 = vector.broadcast %mul3A_1179 : f32 to vector<16xf32>
        %mul3A_1181 = arith.mulf %mul3A_1180, %add3A_1176 : vector<16xf32>
        %select_n3A = arith.select %ge3A_1178, %add3A_1176, %mul3A_1181 : vector<16xi1>, vector<16xf32>
        %exp3A = math.exp %select_n3A : vector<16xf32>
        %lt3A = arith.constant 4 : i32
        %lt3A_1182 = vector.broadcast %lt3A : i32 to vector<16xi32>
        %lt3A_1183 = arith.cmpi slt, %iota3A, %lt3A_1182 : vector<16xi32>
        %jit3A = arith.constant 0.000000e+00 : f32
        %broadcast_in_dim3A_1184 = vector.broadcast %jit3A : f32 to vector<16xf32>
        %select_n3A_1185 = arith.select %lt3A_1183, %exp3A, %broadcast_in_dim3A_1184 : vector<16xi1>, vector<16xf32>
        %broadcast_in_dim3A_1186 = arith.constant 0 : i32
        %broadcast_in_dim3A_1187 = vector.broadcast %broadcast_in_dim3A_1186 : i32 to vector<16x1xi32>
        %gather3A = vector.shape_cast %broadcast_in_dim3A_1187 : vector<16x1xi32> to vector<16xi32>
        %gather3A_1188 = tpu.dynamic_gather %exp3A[%gather3A] in [0] : vector<16xf32>, vector<16xi32> -> vector<16xf32>
        %get3A_1189 = arith.index_cast %scan3A_1169 : i32 to index
        %get3A_1190 = arith.constant 0 : index
        %get3A_1191 = tpu.vector_load %arg15[%get3A_1189, %get3A_1190] {strides = array<i32>} : memref<104x160xbf16, #tpu.memory_space<vmem>>, vector<32xbf16>,
        %bitcast3A_1192 = vector.bitcast %get3A_1191 : vector<32xbf16> to vector<16xi32>
        %shift_left3A = arith.constant 16 : i32
        %shift_left3A_1193 = vector.broadcast %shift_left3A : i32 to vector<16xi32>
        %shift_left3A_1194 = arith.shli %bitcast3A_1192, %shift_left3A_1193 : vector<16xi32>
        %bitcast3A_1195 = vector.bitcast %shift_left3A_1194 : vector<16xi32> to vector<16xf32>
        %and3A = arith.andi %bitcast3A_1192, %broadcast_in_dim3A_481 : vector<16xi32>
        %bitcast3A_1196 = vector.bitcast %and3A : vector<16xi32> to vector<16xf32>
        %mul3A_1197 = arith.mulf %bitcast3A_1195, %gather3A_1188 : vector<16xf32>
        %swap3A_1198 = arith.index_cast %scan3A_1169 : i32 to index
        %swap3A_1199 = arith.constant 0 : index
        %swap3A_1200 = tpu.vector_load %arg19[%swap3A_1198, %swap3A_1199] {strides = array<i32>} : memref<104x144xf32, #tpu.memory_space<vmem>>, vector<16xf32>,
        tpu.vector_store %arg19[%swap3A_1198, %swap3A_1199], %mul3A_1197 {strides = array<i32>} : memref<104x144xf32, #tpu.memory_space<vmem>>, vector<16xf32>,
        %mul3A_1201 = arith.mulf %bitcast3A_1196, %gather3A_1188 : vector<16xf32>
        %swap3A_1202 = arith.index_cast %scan3A_1169 : i32 to index
        %swap3A_1203 = arith.constant 16 : index
        %swap3A_1204 = tpu.vector_load %arg19[%swap3A_1202, %swap3A_1203] {strides = array<i32>} : memref<104x144xf32, #tpu.memory_space<vmem>>, vector<16xf32>,
        tpu.vector_store %arg19[%swap3A_1202, %swap3A_1203], %mul3A_1201 {strides = array<i32>} : memref<104x144xf32, #tpu.memory_space<vmem>>, vector<16xf32>,
        %broadcast_in_dim3A_1205 = arith.constant 1 : i32
        %broadcast_in_dim3A_1206 = vector.broadcast %broadcast_in_dim3A_1205 : i32 to vector<16x1xi32>
        %gather3A_1207 = vector.shape_cast %broadcast_in_dim3A_1206 : vector<16x1xi32> to vector<16xi32>
        %gather3A_1208 = tpu.dynamic_gather %exp3A[%gather3A_1207] in [0] : vector<16xf32>, vector<16xi32> -> vector<16xf32>
        %get3A_1209 = arith.index_cast %scan3A_1169 : i32 to index
        %get3A_1210 = arith.constant 32 : index
        %get3A_1211 = tpu.vector_load %arg15[%get3A_1209, %get3A_1210] {strides = array<i32>} : memref<104x160xbf16, #tpu.memory_space<vmem>>, vector<32xbf16>,
        %bitcast3A_1212 = vector.bitcast %get3A_1211 : vector<32xbf16> to vector<16xi32>
        %shift_left3A_1213 = arith.constant 16 : i32
        %shift_left3A_1214 = vector.broadcast %shift_left3A_1213 : i32 to vector<16xi32>
        %shift_left3A_1215 = arith.shli %bitcast3A_1212, %shift_left3A_1214 : vector<16xi32>
        %bitcast3A_1216 = vector.bitcast %shift_left3A_1215 : vector<16xi32> to vector<16xf32>
        %and3A_1217 = arith.andi %bitcast3A_1212, %broadcast_in_dim3A_481 : vector<16xi32>
        %bitcast3A_1218 = vector.bitcast %and3A_1217 : vector<16xi32> to vector<16xf32>
        %mul3A_1219 = arith.mulf %bitcast3A_1216, %gather3A_1208 : vector<16xf32>
        %swap3A_1220 = arith.index_cast %scan3A_1169 : i32 to index
        %swap3A_1221 = arith.constant 32 : index
        %swap3A_1222 = tpu.vector_load %arg19[%swap3A_1220, %swap3A_1221] {strides = array<i32>} : memref<104x144xf32, #tpu.memory_space<vmem>>, vector<16xf32>,
        tpu.vector_store %arg19[%swap3A_1220, %swap3A_1221], %mul3A_1219 {strides = array<i32>} : memref<104x144xf32, #tpu.memory_space<vmem>>, vector<16xf32>,
        %mul3A_1223 = arith.mulf %bitcast3A_1218, %gather3A_1208 : vector<16xf32>
        %swap3A_1224 = arith.index_cast %scan3A_1169 : i32 to index
        %swap3A_1225 = arith.constant 48 : index
        %swap3A_1226 = tpu.vector_load %arg19[%swap3A_1224, %swap3A_1225] {strides = array<i32>} : memref<104x144xf32, #tpu.memory_space<vmem>>, vector<16xf32>,
        tpu.vector_store %arg19[%swap3A_1224, %swap3A_1225], %mul3A_1223 {strides = array<i32>} : memref<104x144xf32, #tpu.memory_space<vmem>>, vector<16xf32>,
        %broadcast_in_dim3A_1227 = arith.constant 2 : i32
        %broadcast_in_dim3A_1228 = vector.broadcast %broadcast_in_dim3A_1227 : i32 to vector<16x1xi32>
        %gather3A_1229 = vector.shape_cast %broadcast_in_dim3A_1228 : vector<16x1xi32> to vector<16xi32>
        %gather3A_1230 = tpu.dynamic_gather %exp3A[%gather3A_1229] in [0] : vector<16xf32>, vector<16xi32> -> vector<16xf32>
        %get3A_1231 = arith.index_cast %scan3A_1169 : i32 to index
        %get3A_1232 = arith.constant 64 : index
        %get3A_1233 = tpu.vector_load %arg15[%get3A_1231, %get3A_1232] {strides = array<i32>} : memref<104x160xbf16, #tpu.memory_space<vmem>>, vector<32xbf16>,
        %bitcast3A_1234 = vector.bitcast %get3A_1233 : vector<32xbf16> to vector<16xi32>
        %shift_left3A_1235 = arith.constant 16 : i32
        %shift_left3A_1236 = vector.broadcast %shift_left3A_1235 : i32 to vector<16xi32>
        %shift_left3A_1237 = arith.shli %bitcast3A_1234, %shift_left3A_1236 : vector<16xi32>
        %bitcast3A_1238 = vector.bitcast %shift_left3A_1237 : vector<16xi32> to vector<16xf32>
        %and3A_1239 = arith.andi %bitcast3A_1234, %broadcast_in_dim3A_481 : vector<16xi32>
        %bitcast3A_1240 = vector.bitcast %and3A_1239 : vector<16xi32> to vector<16xf32>
        %mul3A_1241 = arith.mulf %bitcast3A_1238, %gather3A_1230 : vector<16xf32>
        %swap3A_1242 = arith.index_cast %scan3A_1169 : i32 to index
        %swap3A_1243 = arith.constant 64 : index
        %swap3A_1244 = tpu.vector_load %arg19[%swap3A_1242, %swap3A_1243] {strides = array<i32>} : memref<104x144xf32, #tpu.memory_space<vmem>>, vector<16xf32>,
        tpu.vector_store %arg19[%swap3A_1242, %swap3A_1243], %mul3A_1241 {strides = array<i32>} : memref<104x144xf32, #tpu.memory_space<vmem>>, vector<16xf32>,
        %mul3A_1245 = arith.mulf %bitcast3A_1240, %gather3A_1230 : vector<16xf32>
        %swap3A_1246 = arith.index_cast %scan3A_1169 : i32 to index
        %swap3A_1247 = arith.constant 80 : index
        %swap3A_1248 = tpu.vector_load %arg19[%swap3A_1246, %swap3A_1247] {strides = array<i32>} : memref<104x144xf32, #tpu.memory_space<vmem>>, vector<16xf32>,
        tpu.vector_store %arg19[%swap3A_1246, %swap3A_1247], %mul3A_1245 {strides = array<i32>} : memref<104x144xf32, #tpu.memory_space<vmem>>, vector<16xf32>,
        %broadcast_in_dim3A_1249 = arith.constant 3 : i32
        %broadcast_in_dim3A_1250 = vector.broadcast %broadcast_in_dim3A_1249 : i32 to vector<16x1xi32>
        %gather3A_1251 = vector.shape_cast %broadcast_in_dim3A_1250 : vector<16x1xi32> to vector<16xi32>
        %gather3A_1252 = tpu.dynamic_gather %exp3A[%gather3A_1251] in [0] : vector<16xf32>, vector<16xi32> -> vector<16xf32>
        %get3A_1253 = arith.index_cast %scan3A_1169 : i32 to index
        %get3A_1254 = arith.constant 96 : index
        %get3A_1255 = tpu.vector_load %arg15[%get3A_1253, %get3A_1254] {strides = array<i32>} : memref<104x160xbf16, #tpu.memory_space<vmem>>, vector<32xbf16>,
        %bitcast3A_1256 = vector.bitcast %get3A_1255 : vector<32xbf16> to vector<16xi32>
        %shift_left3A_1257 = arith.constant 16 : i32
        %shift_left3A_1258 = vector.broadcast %shift_left3A_1257 : i32 to vector<16xi32>
        %shift_left3A_1259 = arith.shli %bitcast3A_1256, %shift_left3A_1258 : vector<16xi32>
        %bitcast3A_1260 = vector.bitcast %shift_left3A_1259 : vector<16xi32> to vector<16xf32>
        %and3A_1261 = arith.andi %bitcast3A_1256, %broadcast_in_dim3A_481 : vector<16xi32>
        %bitcast3A_1262 = vector.bitcast %and3A_1261 : vector<16xi32> to vector<16xf32>
        %mul3A_1263 = arith.mulf %bitcast3A_1260, %gather3A_1252 : vector<16xf32>
        %swap3A_1264 = arith.index_cast %scan3A_1169 : i32 to index
        %swap3A_1265 = arith.constant 96 : index
        %swap3A_1266 = tpu.vector_load %arg19[%swap3A_1264, %swap3A_1265] {strides = array<i32>} : memref<104x144xf32, #tpu.memory_space<vmem>>, vector<16xf32>,
        tpu.vector_store %arg19[%swap3A_1264, %swap3A_1265], %mul3A_1263 {strides = array<i32>} : memref<104x144xf32, #tpu.memory_space<vmem>>, vector<16xf32>,
        %mul3A_1267 = arith.mulf %bitcast3A_1262, %gather3A_1252 : vector<16xf32>
        %swap3A_1268 = arith.index_cast %scan3A_1169 : i32 to index
        %swap3A_1269 = arith.constant 112 : index
        %swap3A_1270 = tpu.vector_load %arg19[%swap3A_1268, %swap3A_1269] {strides = array<i32>} : memref<104x144xf32, #tpu.memory_space<vmem>>, vector<16xf32>,
        tpu.vector_store %arg19[%swap3A_1268, %swap3A_1269], %mul3A_1267 {strides = array<i32>} : memref<104x144xf32, #tpu.memory_space<vmem>>, vector<16xf32>,
        %swap3A_1271 = arith.index_cast %scan3A_1169 : i32 to index
        %swap3A_1272 = arith.constant 128 : index
        %swap3A_1273 = tpu.vector_load %arg19[%swap3A_1271, %swap3A_1272] {strides = array<i32>} : memref<104x144xf32, #tpu.memory_space<vmem>>, vector<16xf32>,
        tpu.vector_store %arg19[%swap3A_1271, %swap3A_1272], %select_n3A_1185 {strides = array<i32>} : memref<104x144xf32, #tpu.memory_space<vmem>>, vector<16xf32>,
      }
      %scan3A_487 = arith.constant 104 : i32
      %run_scoped3A = arith.constant 0 : i32
      "tpu.region"() ({
        %run_scoped3A_1169 = tpu.sem_alloc : memref<!tpu.dma_semaphore, #tpu.memory_space<semaphore_mem>>
        %dma_start3A_1170 = arith.constant 0 : i32
        %dma_start3A_1171 = tpu.memref_slice %arg10[%run_scoped3A, %dma_start3A_1170] : memref<2x104xi32, #tpu.memory_space<vmem>> -> memref<1x104xi32, #tpu.memory_space<vmem>>
        %dma_start3A_1172 = tpu.memref_squeeze %dma_start3A_1171 : memref<1x104xi32, #tpu.memory_space<vmem>> -> memref<104xi32, #tpu.memory_space<vmem>>
        %dma_start3A_1173 = arith.constant 0 : i32
        %dma_start3A_1174 = arith.constant 0 : i32
        %dma_start3A_1175 = tpu.memref_slice %arg20[%dma_start3A_1173, %dma_start3A_1174] : memref<10112x144xf32, #tpu.memory_space<vmem_shared>> -> memref<10112x144xf32, #tpu.memory_space<vmem_shared>>
        tpu.enqueue_indirect_dma source(%arg19 : memref<104x144xf32, #tpu.memory_space<vmem>>) target(%dma_start3A_1175 : memref<10112x144xf32, #tpu.memory_space<vmem_shared>>) offsets(%dma_start3A_1172 : memref<104xi32, #tpu.memory_space<vmem>>) semaphore(%run_scoped3A_1169 : memref<!tpu.dma_semaphore, #tpu.memory_space<semaphore_mem>>) {add = true}
        %dma_wait3A_1176 = arith.constant 0 : i32
        %dma_wait3A_1177 = tpu.memref_slice %arg10[%run_scoped3A, %dma_wait3A_1176] : memref<2x104xi32, #tpu.memory_space<vmem>> -> memref<1x104xi32, #tpu.memory_space<vmem>>
        %dma_wait3A_1178 = tpu.memref_squeeze %dma_wait3A_1177 : memref<1x104xi32, #tpu.memory_space<vmem>> -> memref<104xi32, #tpu.memory_space<vmem>>
        %dma_wait3A_1179 = arith.constant 0 : i32
        %dma_wait3A_1180 = arith.constant 0 : i32
        %dma_wait3A_1181 = tpu.memref_slice %arg20[%dma_wait3A_1179, %dma_wait3A_1180] : memref<10112x144xf32, #tpu.memory_space<vmem_shared>> -> memref<10112x144xf32, #tpu.memory_space<vmem_shared>>
        tpu.wait_indirect_dma semaphore(%run_scoped3A_1169 : memref<!tpu.dma_semaphore, #tpu.memory_space<semaphore_mem>>) src(%arg19 : memref<104x144xf32, #tpu.memory_space<vmem>>) dst(%dma_wait3A_1181 : memref<10112x144xf32, #tpu.memory_space<vmem_shared>>)
        tpu.yield
      }) : () -> ()
      %dma_wait3A_488 = arith.constant 0 : i32
      %dma_wait3A_489 = arith.constant 0 : i32
      %dma_wait3A_490 = arith.constant 0 : i32
      %dma_wait3A_491 = arith.constant 0 : i32
      %dma_wait3A_492 = tpu.memref_slice %arg4[%dma_wait3A_488, %dma_wait3A_489, %dma_wait3A_490, %dma_wait3A_491] : memref<32x50x2x104xi32, #tpu.memory_space<hbm>> -> memref<1x1x2x104xi32, #tpu.memory_space<hbm>>
      %dma_wait3A_493 = tpu.memref_squeeze %dma_wait3A_492 : memref<1x1x2x104xi32, #tpu.memory_space<hbm>> -> memref<2x104xi32, #tpu.memory_space<hbm>>
      %dma_wait3A_494 = arith.constant 0 : i32
      %dma_wait3A_495 = arith.constant 0 : i32
      %dma_wait3A_496 = tpu.memref_slice %arg4[%dma_wait3A_488, %dma_wait3A_489, %dma_wait3A_494, %dma_wait3A_495] : memref<32x50x2x104xi32, #tpu.memory_space<hbm>> -> memref<1x1x2x104xi32, #tpu.memory_space<hbm>>
      %dma_wait3A_497 = tpu.memref_squeeze %dma_wait3A_496 : memref<1x1x2x104xi32, #tpu.memory_space<hbm>> -> memref<2x104xi32, #tpu.memory_space<hbm>>
      tpu.wait_dma2 semaphore(%arg26 : memref<!tpu.dma_semaphore, #tpu.memory_space<semaphore_mem>>) src(%dma_wait3A_497 : memref<2x104xi32, #tpu.memory_space<hbm>>) dst(%arg12 : memref<2x104xi32, #tpu.memory_space<vmem>>)
      %dma_wait3A_498 = arith.constant 0 : i32
      %dma_wait3A_499 = arith.constant 0 : i32
      %dma_wait3A_500 = arith.constant 0 : i32
      %dma_wait3A_501 = arith.constant 0 : i32
      %dma_wait3A_502 = tpu.memref_slice %arg5[%dma_wait3A_498, %dma_wait3A_499, %dma_wait3A_500, %dma_wait3A_501] : memref<32x50x2x104xi32, #tpu.memory_space<hbm>> -> memref<1x1x2x104xi32, #tpu.memory_space<hbm>>
      %dma_wait3A_503 = tpu.memref_squeeze %dma_wait3A_502 : memref<1x1x2x104xi32, #tpu.memory_space<hbm>> -> memref<2x104xi32, #tpu.memory_space<hbm>>
      %dma_wait3A_504 = arith.constant 0 : i32
      %dma_wait3A_505 = arith.constant 0 : i32
      %dma_wait3A_506 = tpu.memref_slice %arg5[%dma_wait3A_498, %dma_wait3A_499, %dma_wait3A_504, %dma_wait3A_505] : memref<32x50x2x104xi32, #tpu.memory_space<hbm>> -> memref<1x1x2x104xi32, #tpu.memory_space<hbm>>
      %dma_wait3A_507 = tpu.memref_squeeze %dma_wait3A_506 : memref<1x1x2x104xi32, #tpu.memory_space<hbm>> -> memref<2x104xi32, #tpu.memory_space<hbm>>
      tpu.wait_dma2 semaphore(%arg26 : memref<!tpu.dma_semaphore, #tpu.memory_space<semaphore_mem>>) src(%dma_wait3A_507 : memref<2x104xi32, #tpu.memory_space<hbm>>) dst(%arg13 : memref<2x104xi32, #tpu.memory_space<vmem>>)
      %dma_wait3A_508 = arith.constant 0 : i32
      %dma_wait3A_509 = arith.constant 0 : i32
      %dma_wait3A_510 = arith.constant 0 : i32
      %dma_wait3A_511 = arith.constant 0 : i32
      %dma_wait3A_512 = tpu.memref_slice %arg6[%dma_wait3A_508, %dma_wait3A_509, %dma_wait3A_510, %dma_wait3A_511] : memref<32x50x2x104xi32, #tpu.memory_space<hbm>> -> memref<1x1x2x104xi32, #tpu.memory_space<hbm>>
      %dma_wait3A_513 = tpu.memref_squeeze %dma_wait3A_512 : memref<1x1x2x104xi32, #tpu.memory_space<hbm>> -> memref<2x104xi32, #tpu.memory_space<hbm>>
      %dma_wait3A_514 = arith.constant 0 : i32
      %dma_wait3A_515 = arith.constant 0 : i32
      %dma_wait3A_516 = tpu.memref_slice %arg6[%dma_wait3A_508, %dma_wait3A_509, %dma_wait3A_514, %dma_wait3A_515] : memref<32x50x2x104xi32, #tpu.memory_space<hbm>> -> memref<1x1x2x104xi32, #tpu.memory_space<hbm>>
      %dma_wait3A_517 = tpu.memref_squeeze %dma_wait3A_516 : memref<1x1x2x104xi32, #tpu.memory_space<hbm>> -> memref<2x104xi32, #tpu.memory_space<hbm>>
      tpu.wait_dma2 semaphore(%arg26 : memref<!tpu.dma_semaphore, #tpu.memory_space<semaphore_mem>>) src(%dma_wait3A_517 : memref<2x104xi32, #tpu.memory_space<hbm>>) dst(%arg14 : memref<2x104xi32, #tpu.memory_space<vmem>>)
      %get3A_518 = arith.constant 0 : i32
      %get3A_519 = arith.index_cast %get3A_518 : i32 to index
      %get3A_520 = arith.constant 0 : index
      %get3A_521 = tpu.vector_load %arg14[%get3A_519, %get3A_520] {strides = array<i32>} : memref<2x104xi32, #tpu.memory_space<vmem>>, vector<16xi32>,
      %mul3A_522 = arith.constant 10000 : i32
      %mul3A_523 = vector.broadcast %mul3A_522 : i32 to vector<16xi32>
      %mul3A_524 = arith.muli %get3A_521, %mul3A_523 : vector<16xi32>
      %get3A_525 = arith.constant 0 : i32
      %get3A_526 = arith.index_cast %get3A_525 : i32 to index
      %get3A_527 = arith.constant 0 : index
      %get3A_528 = tpu.vector_load %arg12[%get3A_526, %get3A_527] {strides = array<i32>} : memref<2x104xi32, #tpu.memory_space<vmem>>, vector<16xi32>,
      %add3A_529 = arith.addi %mul3A_524, %get3A_528 : vector<16xi32>
      %swap3A_530 = arith.constant 0 : i32
      %swap3A_531 = arith.index_cast %swap3A_530 : i32 to index
      %swap3A_532 = arith.constant 0 : index
      %swap3A_533 = tpu.vector_load %arg12[%swap3A_531, %swap3A_532] {strides = array<i32>} : memref<2x104xi32, #tpu.memory_space<vmem>>, vector<16xi32>,
      tpu.vector_store %arg12[%swap3A_531, %swap3A_532], %add3A_529 {strides = array<i32>} : memref<2x104xi32, #tpu.memory_space<vmem>>, vector<16xi32>,
      %get3A_534 = arith.constant 0 : i32
      %get3A_535 = arith.index_cast %get3A_534 : i32 to index
      %get3A_536 = arith.constant 0 : index
      %get3A_537 = tpu.vector_load %arg13[%get3A_535, %get3A_536] {strides = array<i32>} : memref<2x104xi32, #tpu.memory_space<vmem>>, vector<16xi32>,
      %add3A_538 = arith.addi %mul3A_524, %get3A_537 : vector<16xi32>
      %swap3A_539 = arith.constant 0 : i32
      %swap3A_540 = arith.index_cast %swap3A_539 : i32 to index
      %swap3A_541 = arith.constant 0 : index
      %swap3A_542 = tpu.vector_load %arg14[%swap3A_540, %swap3A_541] {strides = array<i32>} : memref<2x104xi32, #tpu.memory_space<vmem>>, vector<16xi32>,
      tpu.vector_store %arg14[%swap3A_540, %swap3A_541], %add3A_538 {strides = array<i32>} : memref<2x104xi32, #tpu.memory_space<vmem>>, vector<16xi32>,
      %get3A_543 = arith.constant 0 : i32
      %get3A_544 = arith.index_cast %get3A_543 : i32 to index
      %get3A_545 = arith.constant 16 : index
      %get3A_546 = tpu.vector_load %arg14[%get3A_544, %get3A_545] {strides = array<i32>} : memref<2x104xi32, #tpu.memory_space<vmem>>, vector<16xi32>,
      %mul3A_547 = arith.constant 10000 : i32
      %mul3A_548 = vector.broadcast %mul3A_547 : i32 to vector<16xi32>
      %mul3A_549 = arith.muli %get3A_546, %mul3A_548 : vector<16xi32>
      %get3A_550 = arith.constant 0 : i32
      %get3A_551 = arith.index_cast %get3A_550 : i32 to index
      %get3A_552 = arith.constant 16 : index
      %get3A_553 = tpu.vector_load %arg12[%get3A_551, %get3A_552] {strides = array<i32>} : memref<2x104xi32, #tpu.memory_space<vmem>>, vector<16xi32>,
      %add3A_554 = arith.addi %mul3A_549, %get3A_553 : vector<16xi32>
      %swap3A_555 = arith.constant 0 : i32
      %swap3A_556 = arith.index_cast %swap3A_555 : i32 to index
      %swap3A_557 = arith.constant 16 : index
      %swap3A_558 = tpu.vector_load %arg12[%swap3A_556, %swap3A_557] {strides = array<i32>} : memref<2x104xi32, #tpu.memory_space<vmem>>, vector<16xi32>,
      tpu.vector_store %arg12[%swap3A_556, %swap3A_557], %add3A_554 {strides = array<i32>} : memref<2x104xi32, #tpu.memory_space<vmem>>, vector<16xi32>,
      %get3A_559 = arith.constant 0 : i32
      %get3A_560 = arith.index_cast %get3A_559 : i32 to index
      %get3A_561 = arith.constant 16 : index
      %get3A_562 = tpu.vector_load %arg13[%get3A_560, %get3A_561] {strides = array<i32>} : memref<2x104xi32, #tpu.memory_space<vmem>>, vector<16xi32>,
      %add3A_563 = arith.addi %mul3A_549, %get3A_562 : vector<16xi32>
      %swap3A_564 = arith.constant 0 : i32
      %swap3A_565 = arith.index_cast %swap3A_564 : i32 to index
      %swap3A_566 = arith.constant 16 : index
      %swap3A_567 = tpu.vector_load %arg14[%swap3A_565, %swap3A_566] {strides = array<i32>} : memref<2x104xi32, #tpu.memory_space<vmem>>, vector<16xi32>,
      tpu.vector_store %arg14[%swap3A_565, %swap3A_566], %add3A_563 {strides = array<i32>} : memref<2x104xi32, #tpu.memory_space<vmem>>, vector<16xi32>,
      %get3A_568 = arith.constant 0 : i32
      %get3A_569 = arith.index_cast %get3A_568 : i32 to index
      %get3A_570 = arith.constant 32 : index
      %get3A_571 = tpu.vector_load %arg14[%get3A_569, %get3A_570] {strides = array<i32>} : memref<2x104xi32, #tpu.memory_space<vmem>>, vector<16xi32>,
      %mul3A_572 = arith.constant 10000 : i32
      %mul3A_573 = vector.broadcast %mul3A_572 : i32 to vector<16xi32>
      %mul3A_574 = arith.muli %get3A_571, %mul3A_573 : vector<16xi32>
      %get3A_575 = arith.constant 0 : i32
      %get3A_576 = arith.index_cast %get3A_575 : i32 to index
      %get3A_577 = arith.constant 32 : index
      %get3A_578 = tpu.vector_load %arg12[%get3A_576, %get3A_577] {strides = array<i32>} : memref<2x104xi32, #tpu.memory_space<vmem>>, vector<16xi32>,
      %add3A_579 = arith.addi %mul3A_574, %get3A_578 : vector<16xi32>
      %swap3A_580 = arith.constant 0 : i32
      %swap3A_581 = arith.index_cast %swap3A_580 : i32 to index
      %swap3A_582 = arith.constant 32 : index
      %swap3A_583 = tpu.vector_load %arg12[%swap3A_581, %swap3A_582] {strides = array<i32>} : memref<2x104xi32, #tpu.memory_space<vmem>>, vector<16xi32>,
      tpu.vector_store %arg12[%swap3A_581, %swap3A_582], %add3A_579 {strides = array<i32>} : memref<2x104xi32, #tpu.memory_space<vmem>>, vector<16xi32>,
      %get3A_584 = arith.constant 0 : i32
      %get3A_585 = arith.index_cast %get3A_584 : i32 to index
      %get3A_586 = arith.constant 32 : index
      %get3A_587 = tpu.vector_load %arg13[%get3A_585, %get3A_586] {strides = array<i32>} : memref<2x104xi32, #tpu.memory_space<vmem>>, vector<16xi32>,
      %add3A_588 = arith.addi %mul3A_574, %get3A_587 : vector<16xi32>
      %swap3A_589 = arith.constant 0 : i32
      %swap3A_590 = arith.index_cast %swap3A_589 : i32 to index
      %swap3A_591 = arith.constant 32 : index
      %swap3A_592 = tpu.vector_load %arg14[%swap3A_590, %swap3A_591] {strides = array<i32>} : memref<2x104xi32, #tpu.memory_space<vmem>>, vector<16xi32>,
      tpu.vector_store %arg14[%swap3A_590, %swap3A_591], %add3A_588 {strides = array<i32>} : memref<2x104xi32, #tpu.memory_space<vmem>>, vector<16xi32>,
      %get3A_593 = arith.constant 0 : i32
      %get3A_594 = arith.index_cast %get3A_593 : i32 to index
      %get3A_595 = arith.constant 48 : index
      %get3A_596 = tpu.vector_load %arg14[%get3A_594, %get3A_595] {strides = array<i32>} : memref<2x104xi32, #tpu.memory_space<vmem>>, vector<16xi32>,
      %mul3A_597 = arith.constant 10000 : i32
      %mul3A_598 = vector.broadcast %mul3A_597 : i32 to vector<16xi32>
      %mul3A_599 = arith.muli %get3A_596, %mul3A_598 : vector<16xi32>
      %get3A_600 = arith.constant 0 : i32
      %get3A_601 = arith.index_cast %get3A_600 : i32 to index
      %get3A_602 = arith.constant 48 : index
      %get3A_603 = tpu.vector_load %arg12[%get3A_601, %get3A_602] {strides = array<i32>} : memref<2x104xi32, #tpu.memory_space<vmem>>, vector<16xi32>,
      %add3A_604 = arith.addi %mul3A_599, %get3A_603 : vector<16xi32>
      %swap3A_605 = arith.constant 0 : i32
      %swap3A_606 = arith.index_cast %swap3A_605 : i32 to index
      %swap3A_607 = arith.constant 48 : index
      %swap3A_608 = tpu.vector_load %arg12[%swap3A_606, %swap3A_607] {strides = array<i32>} : memref<2x104xi32, #tpu.memory_space<vmem>>, vector<16xi32>,
      tpu.vector_store %arg12[%swap3A_606, %swap3A_607], %add3A_604 {strides = array<i32>} : memref<2x104xi32, #tpu.memory_space<vmem>>, vector<16xi32>,
      %get3A_609 = arith.constant 0 : i32
      %get3A_610 = arith.index_cast %get3A_609 : i32 to index
      %get3A_611 = arith.constant 48 : index
      %get3A_612 = tpu.vector_load %arg13[%get3A_610, %get3A_611] {strides = array<i32>} : memref<2x104xi32, #tpu.memory_space<vmem>>, vector<16xi32>,
      %add3A_613 = arith.addi %mul3A_599, %get3A_612 : vector<16xi32>
      %swap3A_614 = arith.constant 0 : i32
      %swap3A_615 = arith.index_cast %swap3A_614 : i32 to index
      %swap3A_616 = arith.constant 48 : index
      %swap3A_617 = tpu.vector_load %arg14[%swap3A_615, %swap3A_616] {strides = array<i32>} : memref<2x104xi32, #tpu.memory_space<vmem>>, vector<16xi32>,
      tpu.vector_store %arg14[%swap3A_615, %swap3A_616], %add3A_613 {strides = array<i32>} : memref<2x104xi32, #tpu.memory_space<vmem>>, vector<16xi32>,
      %get3A_618 = arith.constant 0 : i32
      %get3A_619 = arith.index_cast %get3A_618 : i32 to index
      %get3A_620 = arith.constant 64 : index
      %get3A_621 = tpu.vector_load %arg14[%get3A_619, %get3A_620] {strides = array<i32>} : memref<2x104xi32, #tpu.memory_space<vmem>>, vector<16xi32>,
      %mul3A_622 = arith.constant 10000 : i32
      %mul3A_623 = vector.broadcast %mul3A_622 : i32 to vector<16xi32>
      %mul3A_624 = arith.muli %get3A_621, %mul3A_623 : vector<16xi32>
      %get3A_625 = arith.constant 0 : i32
      %get3A_626 = arith.index_cast %get3A_625 : i32 to index
      %get3A_627 = arith.constant 64 : index
      %get3A_628 = tpu.vector_load %arg12[%get3A_626, %get3A_627] {strides = array<i32>} : memref<2x104xi32, #tpu.memory_space<vmem>>, vector<16xi32>,
      %add3A_629 = arith.addi %mul3A_624, %get3A_628 : vector<16xi32>
      %swap3A_630 = arith.constant 0 : i32
      %swap3A_631 = arith.index_cast %swap3A_630 : i32 to index
      %swap3A_632 = arith.constant 64 : index
      %swap3A_633 = tpu.vector_load %arg12[%swap3A_631, %swap3A_632] {strides = array<i32>} : memref<2x104xi32, #tpu.memory_space<vmem>>, vector<16xi32>,
      tpu.vector_store %arg12[%swap3A_631, %swap3A_632], %add3A_629 {strides = array<i32>} : memref<2x104xi32, #tpu.memory_space<vmem>>, vector<16xi32>,
      %get3A_634 = arith.constant 0 : i32
      %get3A_635 = arith.index_cast %get3A_634 : i32 to index
      %get3A_636 = arith.constant 64 : index
      %get3A_637 = tpu.vector_load %arg13[%get3A_635, %get3A_636] {strides = array<i32>} : memref<2x104xi32, #tpu.memory_space<vmem>>, vector<16xi32>,
      %add3A_638 = arith.addi %mul3A_624, %get3A_637 : vector<16xi32>
      %swap3A_639 = arith.constant 0 : i32
      %swap3A_640 = arith.index_cast %swap3A_639 : i32 to index
      %swap3A_641 = arith.constant 64 : index
      %swap3A_642 = tpu.vector_load %arg14[%swap3A_640, %swap3A_641] {strides = array<i32>} : memref<2x104xi32, #tpu.memory_space<vmem>>, vector<16xi32>,
      tpu.vector_store %arg14[%swap3A_640, %swap3A_641], %add3A_638 {strides = array<i32>} : memref<2x104xi32, #tpu.memory_space<vmem>>, vector<16xi32>,
      %get3A_643 = arith.constant 0 : i32
      %get3A_644 = arith.index_cast %get3A_643 : i32 to index
      %get3A_645 = arith.constant 80 : index
      %get3A_646 = tpu.vector_load %arg14[%get3A_644, %get3A_645] {strides = array<i32>} : memref<2x104xi32, #tpu.memory_space<vmem>>, vector<16xi32>,
      %mul3A_647 = arith.constant 10000 : i32
      %mul3A_648 = vector.broadcast %mul3A_647 : i32 to vector<16xi32>
      %mul3A_649 = arith.muli %get3A_646, %mul3A_648 : vector<16xi32>
      %get3A_650 = arith.constant 0 : i32
      %get3A_651 = arith.index_cast %get3A_650 : i32 to index
      %get3A_652 = arith.constant 80 : index
      %get3A_653 = tpu.vector_load %arg12[%get3A_651, %get3A_652] {strides = array<i32>} : memref<2x104xi32, #tpu.memory_space<vmem>>, vector<16xi32>,
      %add3A_654 = arith.addi %mul3A_649, %get3A_653 : vector<16xi32>
      %swap3A_655 = arith.constant 0 : i32
      %swap3A_656 = arith.index_cast %swap3A_655 : i32 to index
      %swap3A_657 = arith.constant 80 : index
      %swap3A_658 = tpu.vector_load %arg12[%swap3A_656, %swap3A_657] {strides = array<i32>} : memref<2x104xi32, #tpu.memory_space<vmem>>, vector<16xi32>,
      tpu.vector_store %arg12[%swap3A_656, %swap3A_657], %add3A_654 {strides = array<i32>} : memref<2x104xi32, #tpu.memory_space<vmem>>, vector<16xi32>,
      %get3A_659 = arith.constant 0 : i32
      %get3A_660 = arith.index_cast %get3A_659 : i32 to index
      %get3A_661 = arith.constant 80 : index
      %get3A_662 = tpu.vector_load %arg13[%get3A_660, %get3A_661] {strides = array<i32>} : memref<2x104xi32, #tpu.memory_space<vmem>>, vector<16xi32>,
      %add3A_663 = arith.addi %mul3A_649, %get3A_662 : vector<16xi32>
      %swap3A_664 = arith.constant 0 : i32
      %swap3A_665 = arith.index_cast %swap3A_664 : i32 to index
      %swap3A_666 = arith.constant 80 : index
      %swap3A_667 = tpu.vector_load %arg14[%swap3A_665, %swap3A_666] {strides = array<i32>} : memref<2x104xi32, #tpu.memory_space<vmem>>, vector<16xi32>,
      tpu.vector_store %arg14[%swap3A_665, %swap3A_666], %add3A_663 {strides = array<i32>} : memref<2x104xi32, #tpu.memory_space<vmem>>, vector<16xi32>,
      %dma_start3A_668 = arith.constant 0 : i32
      %dma_start3A_669 = arith.constant 0 : i32
      %dma_start3A_670 = tpu.memref_slice %arg12[%dma_start3A_668, %dma_start3A_669] : memref<2x104xi32, #tpu.memory_space<vmem>> -> memref<1x104xi32, #tpu.memory_space<vmem>>
      %dma_start3A_671 = tpu.memref_squeeze %dma_start3A_670 : memref<1x104xi32, #tpu.memory_space<vmem>> -> memref<104xi32, #tpu.memory_space<vmem>>
      %dma_start3A_672 = arith.constant 0 : i32
      %dma_start3A_673 = arith.constant 0 : i32
      %dma_start3A_674 = tpu.memref_slice %arg2[%dma_start3A_672, %dma_start3A_673] : memref<40000x160xbf16, #tpu.memory_space<hbm>> -> memref<40000x160xbf16, #tpu.memory_space<hbm>>
      tpu.enqueue_indirect_dma source(%dma_start3A_674 : memref<40000x160xbf16, #tpu.memory_space<hbm>>) target(%arg15 : memref<104x160xbf16, #tpu.memory_space<vmem>>) offsets(%dma_start3A_671 : memref<104xi32, #tpu.memory_space<vmem>>) semaphore(%arg21 : memref<!tpu.dma_semaphore, #tpu.memory_space<semaphore_mem>>)
      %dma_start3A_675 = arith.constant 0 : i32
      %dma_start3A_676 = arith.constant 0 : i32
      %dma_start3A_677 = tpu.memref_slice %arg14[%dma_start3A_675, %dma_start3A_676] : memref<2x104xi32, #tpu.memory_space<vmem>> -> memref<1x104xi32, #tpu.memory_space<vmem>>
      %dma_start3A_678 = tpu.memref_squeeze %dma_start3A_677 : memref<1x104xi32, #tpu.memory_space<vmem>> -> memref<104xi32, #tpu.memory_space<vmem>>
      %dma_start3A_679 = arith.constant 0 : i32
      %dma_start3A_680 = arith.constant 0 : i32
      %dma_start3A_681 = tpu.memref_slice %arg3[%dma_start3A_679, %dma_start3A_680] : memref<40000x16xf32, #tpu.memory_space<hbm>> -> memref<40000x16xf32, #tpu.memory_space<hbm>>
      tpu.enqueue_indirect_dma source(%dma_start3A_681 : memref<40000x16xf32, #tpu.memory_space<hbm>>) target(%arg17 : memref<104x16xf32, #tpu.memory_space<vmem>>) offsets(%dma_start3A_678 : memref<104xi32, #tpu.memory_space<vmem>>) semaphore(%arg23 : memref<!tpu.dma_semaphore, #tpu.memory_space<semaphore_mem>>)
      %dma_wait3A_682 = arith.constant 0 : i32
      %dma_wait3A_683 = arith.constant 0 : i32
      %dma_wait3A_684 = tpu.memref_slice %arg9[%dma_wait3A_682, %dma_wait3A_683] : memref<2x104xi32, #tpu.memory_space<vmem>> -> memref<1x104xi32, #tpu.memory_space<vmem>>
      %dma_wait3A_685 = tpu.memref_squeeze %dma_wait3A_684 : memref<1x104xi32, #tpu.memory_space<vmem>> -> memref<104xi32, #tpu.memory_space<vmem>>
      %dma_wait3A_686 = arith.constant 0 : i32
      %dma_wait3A_687 = arith.constant 0 : i32
      %dma_wait3A_688 = tpu.memref_slice %arg2[%dma_wait3A_686, %dma_wait3A_687] : memref<40000x160xbf16, #tpu.memory_space<hbm>> -> memref<40000x160xbf16, #tpu.memory_space<hbm>>
      tpu.wait_indirect_dma semaphore(%arg22 : memref<!tpu.dma_semaphore, #tpu.memory_space<semaphore_mem>>) src(%dma_wait3A_688 : memref<40000x160xbf16, #tpu.memory_space<hbm>>) dst(%arg16 : memref<104x160xbf16, #tpu.memory_space<vmem>>)
      %dma_wait3A_689 = arith.constant 0 : i32
      %dma_wait3A_690 = arith.constant 0 : i32
      %dma_wait3A_691 = tpu.memref_slice %arg11[%dma_wait3A_689, %dma_wait3A_690] : memref<2x104xi32, #tpu.memory_space<vmem>> -> memref<1x104xi32, #tpu.memory_space<vmem>>
      %dma_wait3A_692 = tpu.memref_squeeze %dma_wait3A_691 : memref<1x104xi32, #tpu.memory_space<vmem>> -> memref<104xi32, #tpu.memory_space<vmem>>
      %dma_wait3A_693 = arith.constant 0 : i32
      %dma_wait3A_694 = arith.constant 0 : i32
      %dma_wait3A_695 = tpu.memref_slice %arg3[%dma_wait3A_693, %dma_wait3A_694] : memref<40000x16xf32, #tpu.memory_space<hbm>> -> memref<40000x16xf32, #tpu.memory_space<hbm>>
      tpu.wait_indirect_dma semaphore(%arg24 : memref<!tpu.dma_semaphore, #tpu.memory_space<semaphore_mem>>) src(%dma_wait3A_695 : memref<40000x16xf32, #tpu.memory_space<hbm>>) dst(%arg18 : memref<104x16xf32, #tpu.memory_space<vmem>>)
      %broadcast_in_dim3A_696 = arith.constant -65536 : i32
      %broadcast_in_dim3A_697 = vector.broadcast %broadcast_in_dim3A_696 : i32 to vector<16xi32>
      %scan3A_698 = arith.constant 0 : i32
      %scan3A_699 = arith.constant 0 : i32
      %scan3A_700 = arith.constant 104 : i32
      %scan3A_701 = arith.addi %scan3A_699, %scan3A_700 : i32
      %scan3A_702 = arith.constant 1 : i32
      scf.for %scan3A_1169 = %scan3A_699 to %scan3A_701 step %scan3A_702  : i32 {
        %get3A_1170 = arith.index_cast %scan3A_1169 : i32 to index
        %get3A_1171 = arith.constant 128 : index
        %get3A_1172 = tpu.vector_load %arg16[%get3A_1170, %get3A_1171] {strides = array<i32>} : memref<104x160xbf16, #tpu.memory_space<vmem>>, vector<32xbf16>,
        %bitcast3A = vector.bitcast %get3A_1172 : vector<32xbf16> to vector<16xf32>
        %get3A_1173 = arith.index_cast %scan3A_1169 : i32 to index
        %get3A_1174 = arith.constant 0 : index
        %get3A_1175 = tpu.vector_load %arg18[%get3A_1173, %get3A_1174] {strides = array<i32>} : memref<104x16xf32, #tpu.memory_space<vmem>>, vector<16xf32>,
        %add3A_1176 = arith.addf %bitcast3A, %get3A_1175 : vector<16xf32>
        %ge3A = arith.constant 0.000000e+00 : f32
        %ge3A_1177 = vector.broadcast %ge3A : f32 to vector<16xf32>
        %ge3A_1178 = arith.cmpf oge, %add3A_1176, %ge3A_1177 : vector<16xf32>
        %mul3A_1179 = arith.constant 2.000000e-01 : f32
        %mul3A_1180 = vector.broadcast %mul3A_1179 : f32 to vector<16xf32>
        %mul3A_1181 = arith.mulf %mul3A_1180, %add3A_1176 : vector<16xf32>
        %select_n3A = arith.select %ge3A_1178, %add3A_1176, %mul3A_1181 : vector<16xi1>, vector<16xf32>
        %exp3A = math.exp %select_n3A : vector<16xf32>
        %lt3A = arith.constant 4 : i32
        %lt3A_1182 = vector.broadcast %lt3A : i32 to vector<16xi32>
        %lt3A_1183 = arith.cmpi slt, %iota3A, %lt3A_1182 : vector<16xi32>
        %jit3A = arith.constant 0.000000e+00 : f32
        %broadcast_in_dim3A_1184 = vector.broadcast %jit3A : f32 to vector<16xf32>
        %select_n3A_1185 = arith.select %lt3A_1183, %exp3A, %broadcast_in_dim3A_1184 : vector<16xi1>, vector<16xf32>
        %broadcast_in_dim3A_1186 = arith.constant 0 : i32
        %broadcast_in_dim3A_1187 = vector.broadcast %broadcast_in_dim3A_1186 : i32 to vector<16x1xi32>
        %gather3A = vector.shape_cast %broadcast_in_dim3A_1187 : vector<16x1xi32> to vector<16xi32>
        %gather3A_1188 = tpu.dynamic_gather %exp3A[%gather3A] in [0] : vector<16xf32>, vector<16xi32> -> vector<16xf32>
        %get3A_1189 = arith.index_cast %scan3A_1169 : i32 to index
        %get3A_1190 = arith.constant 0 : index
        %get3A_1191 = tpu.vector_load %arg16[%get3A_1189, %get3A_1190] {strides = array<i32>} : memref<104x160xbf16, #tpu.memory_space<vmem>>, vector<32xbf16>,
        %bitcast3A_1192 = vector.bitcast %get3A_1191 : vector<32xbf16> to vector<16xi32>
        %shift_left3A = arith.constant 16 : i32
        %shift_left3A_1193 = vector.broadcast %shift_left3A : i32 to vector<16xi32>
        %shift_left3A_1194 = arith.shli %bitcast3A_1192, %shift_left3A_1193 : vector<16xi32>
        %bitcast3A_1195 = vector.bitcast %shift_left3A_1194 : vector<16xi32> to vector<16xf32>
        %and3A = arith.andi %bitcast3A_1192, %broadcast_in_dim3A_697 : vector<16xi32>
        %bitcast3A_1196 = vector.bitcast %and3A : vector<16xi32> to vector<16xf32>
        %mul3A_1197 = arith.mulf %bitcast3A_1195, %gather3A_1188 : vector<16xf32>
        %swap3A_1198 = arith.index_cast %scan3A_1169 : i32 to index
        %swap3A_1199 = arith.constant 0 : index
        %swap3A_1200 = tpu.vector_load %arg19[%swap3A_1198, %swap3A_1199] {strides = array<i32>} : memref<104x144xf32, #tpu.memory_space<vmem>>, vector<16xf32>,
        tpu.vector_store %arg19[%swap3A_1198, %swap3A_1199], %mul3A_1197 {strides = array<i32>} : memref<104x144xf32, #tpu.memory_space<vmem>>, vector<16xf32>,
        %mul3A_1201 = arith.mulf %bitcast3A_1196, %gather3A_1188 : vector<16xf32>
        %swap3A_1202 = arith.index_cast %scan3A_1169 : i32 to index
        %swap3A_1203 = arith.constant 16 : index
        %swap3A_1204 = tpu.vector_load %arg19[%swap3A_1202, %swap3A_1203] {strides = array<i32>} : memref<104x144xf32, #tpu.memory_space<vmem>>, vector<16xf32>,
        tpu.vector_store %arg19[%swap3A_1202, %swap3A_1203], %mul3A_1201 {strides = array<i32>} : memref<104x144xf32, #tpu.memory_space<vmem>>, vector<16xf32>,
        %broadcast_in_dim3A_1205 = arith.constant 1 : i32
        %broadcast_in_dim3A_1206 = vector.broadcast %broadcast_in_dim3A_1205 : i32 to vector<16x1xi32>
        %gather3A_1207 = vector.shape_cast %broadcast_in_dim3A_1206 : vector<16x1xi32> to vector<16xi32>
        %gather3A_1208 = tpu.dynamic_gather %exp3A[%gather3A_1207] in [0] : vector<16xf32>, vector<16xi32> -> vector<16xf32>
        %get3A_1209 = arith.index_cast %scan3A_1169 : i32 to index
        %get3A_1210 = arith.constant 32 : index
        %get3A_1211 = tpu.vector_load %arg16[%get3A_1209, %get3A_1210] {strides = array<i32>} : memref<104x160xbf16, #tpu.memory_space<vmem>>, vector<32xbf16>,
        %bitcast3A_1212 = vector.bitcast %get3A_1211 : vector<32xbf16> to vector<16xi32>
        %shift_left3A_1213 = arith.constant 16 : i32
        %shift_left3A_1214 = vector.broadcast %shift_left3A_1213 : i32 to vector<16xi32>
        %shift_left3A_1215 = arith.shli %bitcast3A_1212, %shift_left3A_1214 : vector<16xi32>
        %bitcast3A_1216 = vector.bitcast %shift_left3A_1215 : vector<16xi32> to vector<16xf32>
        %and3A_1217 = arith.andi %bitcast3A_1212, %broadcast_in_dim3A_697 : vector<16xi32>
        %bitcast3A_1218 = vector.bitcast %and3A_1217 : vector<16xi32> to vector<16xf32>
        %mul3A_1219 = arith.mulf %bitcast3A_1216, %gather3A_1208 : vector<16xf32>
        %swap3A_1220 = arith.index_cast %scan3A_1169 : i32 to index
        %swap3A_1221 = arith.constant 32 : index
        %swap3A_1222 = tpu.vector_load %arg19[%swap3A_1220, %swap3A_1221] {strides = array<i32>} : memref<104x144xf32, #tpu.memory_space<vmem>>, vector<16xf32>,
        tpu.vector_store %arg19[%swap3A_1220, %swap3A_1221], %mul3A_1219 {strides = array<i32>} : memref<104x144xf32, #tpu.memory_space<vmem>>, vector<16xf32>,
        %mul3A_1223 = arith.mulf %bitcast3A_1218, %gather3A_1208 : vector<16xf32>
        %swap3A_1224 = arith.index_cast %scan3A_1169 : i32 to index
        %swap3A_1225 = arith.constant 48 : index
        %swap3A_1226 = tpu.vector_load %arg19[%swap3A_1224, %swap3A_1225] {strides = array<i32>} : memref<104x144xf32, #tpu.memory_space<vmem>>, vector<16xf32>,
        tpu.vector_store %arg19[%swap3A_1224, %swap3A_1225], %mul3A_1223 {strides = array<i32>} : memref<104x144xf32, #tpu.memory_space<vmem>>, vector<16xf32>,
        %broadcast_in_dim3A_1227 = arith.constant 2 : i32
        %broadcast_in_dim3A_1228 = vector.broadcast %broadcast_in_dim3A_1227 : i32 to vector<16x1xi32>
        %gather3A_1229 = vector.shape_cast %broadcast_in_dim3A_1228 : vector<16x1xi32> to vector<16xi32>
        %gather3A_1230 = tpu.dynamic_gather %exp3A[%gather3A_1229] in [0] : vector<16xf32>, vector<16xi32> -> vector<16xf32>
        %get3A_1231 = arith.index_cast %scan3A_1169 : i32 to index
        %get3A_1232 = arith.constant 64 : index
        %get3A_1233 = tpu.vector_load %arg16[%get3A_1231, %get3A_1232] {strides = array<i32>} : memref<104x160xbf16, #tpu.memory_space<vmem>>, vector<32xbf16>,
        %bitcast3A_1234 = vector.bitcast %get3A_1233 : vector<32xbf16> to vector<16xi32>
        %shift_left3A_1235 = arith.constant 16 : i32
        %shift_left3A_1236 = vector.broadcast %shift_left3A_1235 : i32 to vector<16xi32>
        %shift_left3A_1237 = arith.shli %bitcast3A_1234, %shift_left3A_1236 : vector<16xi32>
        %bitcast3A_1238 = vector.bitcast %shift_left3A_1237 : vector<16xi32> to vector<16xf32>
        %and3A_1239 = arith.andi %bitcast3A_1234, %broadcast_in_dim3A_697 : vector<16xi32>
        %bitcast3A_1240 = vector.bitcast %and3A_1239 : vector<16xi32> to vector<16xf32>
        %mul3A_1241 = arith.mulf %bitcast3A_1238, %gather3A_1230 : vector<16xf32>
        %swap3A_1242 = arith.index_cast %scan3A_1169 : i32 to index
        %swap3A_1243 = arith.constant 64 : index
        %swap3A_1244 = tpu.vector_load %arg19[%swap3A_1242, %swap3A_1243] {strides = array<i32>} : memref<104x144xf32, #tpu.memory_space<vmem>>, vector<16xf32>,
        tpu.vector_store %arg19[%swap3A_1242, %swap3A_1243], %mul3A_1241 {strides = array<i32>} : memref<104x144xf32, #tpu.memory_space<vmem>>, vector<16xf32>,
        %mul3A_1245 = arith.mulf %bitcast3A_1240, %gather3A_1230 : vector<16xf32>
        %swap3A_1246 = arith.index_cast %scan3A_1169 : i32 to index
        %swap3A_1247 = arith.constant 80 : index
        %swap3A_1248 = tpu.vector_load %arg19[%swap3A_1246, %swap3A_1247] {strides = array<i32>} : memref<104x144xf32, #tpu.memory_space<vmem>>, vector<16xf32>,
        tpu.vector_store %arg19[%swap3A_1246, %swap3A_1247], %mul3A_1245 {strides = array<i32>} : memref<104x144xf32, #tpu.memory_space<vmem>>, vector<16xf32>,
        %broadcast_in_dim3A_1249 = arith.constant 3 : i32
        %broadcast_in_dim3A_1250 = vector.broadcast %broadcast_in_dim3A_1249 : i32 to vector<16x1xi32>
        %gather3A_1251 = vector.shape_cast %broadcast_in_dim3A_1250 : vector<16x1xi32> to vector<16xi32>
        %gather3A_1252 = tpu.dynamic_gather %exp3A[%gather3A_1251] in [0] : vector<16xf32>, vector<16xi32> -> vector<16xf32>
        %get3A_1253 = arith.index_cast %scan3A_1169 : i32 to index
        %get3A_1254 = arith.constant 96 : index
        %get3A_1255 = tpu.vector_load %arg16[%get3A_1253, %get3A_1254] {strides = array<i32>} : memref<104x160xbf16, #tpu.memory_space<vmem>>, vector<32xbf16>,
        %bitcast3A_1256 = vector.bitcast %get3A_1255 : vector<32xbf16> to vector<16xi32>
        %shift_left3A_1257 = arith.constant 16 : i32
        %shift_left3A_1258 = vector.broadcast %shift_left3A_1257 : i32 to vector<16xi32>
        %shift_left3A_1259 = arith.shli %bitcast3A_1256, %shift_left3A_1258 : vector<16xi32>
        %bitcast3A_1260 = vector.bitcast %shift_left3A_1259 : vector<16xi32> to vector<16xf32>
        %and3A_1261 = arith.andi %bitcast3A_1256, %broadcast_in_dim3A_697 : vector<16xi32>
        %bitcast3A_1262 = vector.bitcast %and3A_1261 : vector<16xi32> to vector<16xf32>
        %mul3A_1263 = arith.mulf %bitcast3A_1260, %gather3A_1252 : vector<16xf32>
        %swap3A_1264 = arith.index_cast %scan3A_1169 : i32 to index
        %swap3A_1265 = arith.constant 96 : index
        %swap3A_1266 = tpu.vector_load %arg19[%swap3A_1264, %swap3A_1265] {strides = array<i32>} : memref<104x144xf32, #tpu.memory_space<vmem>>, vector<16xf32>,
        tpu.vector_store %arg19[%swap3A_1264, %swap3A_1265], %mul3A_1263 {strides = array<i32>} : memref<104x144xf32, #tpu.memory_space<vmem>>, vector<16xf32>,
        %mul3A_1267 = arith.mulf %bitcast3A_1262, %gather3A_1252 : vector<16xf32>
        %swap3A_1268 = arith.index_cast %scan3A_1169 : i32 to index
        %swap3A_1269 = arith.constant 112 : index
        %swap3A_1270 = tpu.vector_load %arg19[%swap3A_1268, %swap3A_1269] {strides = array<i32>} : memref<104x144xf32, #tpu.memory_space<vmem>>, vector<16xf32>,
        tpu.vector_store %arg19[%swap3A_1268, %swap3A_1269], %mul3A_1267 {strides = array<i32>} : memref<104x144xf32, #tpu.memory_space<vmem>>, vector<16xf32>,
        %swap3A_1271 = arith.index_cast %scan3A_1169 : i32 to index
        %swap3A_1272 = arith.constant 128 : index
        %swap3A_1273 = tpu.vector_load %arg19[%swap3A_1271, %swap3A_1272] {strides = array<i32>} : memref<104x144xf32, #tpu.memory_space<vmem>>, vector<16xf32>,
        tpu.vector_store %arg19[%swap3A_1271, %swap3A_1272], %select_n3A_1185 {strides = array<i32>} : memref<104x144xf32, #tpu.memory_space<vmem>>, vector<16xf32>,
      }
      %scan3A_703 = arith.constant 104 : i32
      %run_scoped3A_704 = arith.constant 1 : i32
      "tpu.region"() ({
        %run_scoped3A_1169 = tpu.sem_alloc : memref<!tpu.dma_semaphore, #tpu.memory_space<semaphore_mem>>
        %dma_start3A_1170 = arith.constant 0 : i32
        %dma_start3A_1171 = tpu.memref_slice %arg10[%run_scoped3A_704, %dma_start3A_1170] : memref<2x104xi32, #tpu.memory_space<vmem>> -> memref<1x104xi32, #tpu.memory_space<vmem>>
        %dma_start3A_1172 = tpu.memref_squeeze %dma_start3A_1171 : memref<1x104xi32, #tpu.memory_space<vmem>> -> memref<104xi32, #tpu.memory_space<vmem>>
        %dma_start3A_1173 = arith.constant 0 : i32
        %dma_start3A_1174 = arith.constant 0 : i32
        %dma_start3A_1175 = tpu.memref_slice %arg20[%dma_start3A_1173, %dma_start3A_1174] : memref<10112x144xf32, #tpu.memory_space<vmem_shared>> -> memref<10112x144xf32, #tpu.memory_space<vmem_shared>>
        tpu.enqueue_indirect_dma source(%arg19 : memref<104x144xf32, #tpu.memory_space<vmem>>) target(%dma_start3A_1175 : memref<10112x144xf32, #tpu.memory_space<vmem_shared>>) offsets(%dma_start3A_1172 : memref<104xi32, #tpu.memory_space<vmem>>) semaphore(%run_scoped3A_1169 : memref<!tpu.dma_semaphore, #tpu.memory_space<semaphore_mem>>) {add = true}
        %dma_wait3A_1176 = arith.constant 0 : i32
        %dma_wait3A_1177 = tpu.memref_slice %arg10[%run_scoped3A_704, %dma_wait3A_1176] : memref<2x104xi32, #tpu.memory_space<vmem>> -> memref<1x104xi32, #tpu.memory_space<vmem>>
        %dma_wait3A_1178 = tpu.memref_squeeze %dma_wait3A_1177 : memref<1x104xi32, #tpu.memory_space<vmem>> -> memref<104xi32, #tpu.memory_space<vmem>>
        %dma_wait3A_1179 = arith.constant 0 : i32
        %dma_wait3A_1180 = arith.constant 0 : i32
        %dma_wait3A_1181 = tpu.memref_slice %arg20[%dma_wait3A_1179, %dma_wait3A_1180] : memref<10112x144xf32, #tpu.memory_space<vmem_shared>> -> memref<10112x144xf32, #tpu.memory_space<vmem_shared>>
        tpu.wait_indirect_dma semaphore(%run_scoped3A_1169 : memref<!tpu.dma_semaphore, #tpu.memory_space<semaphore_mem>>) src(%arg19 : memref<104x144xf32, #tpu.memory_space<vmem>>) dst(%dma_wait3A_1181 : memref<10112x144xf32, #tpu.memory_space<vmem_shared>>)
        tpu.yield
      }) : () -> ()
      %mul3A_705 = arith.constant 2 : i32
      %mul3A_706 = arith.muli %mul3A_705, %scan3A_302 : i32
      %add3A_707 = arith.constant 2 : i32
      %add3A_708 = arith.addi %mul3A_706, %add3A_707 : i32
      %min3A_709 = arith.constant 49 : i32
      %min3A_710 = arith.minsi %add3A_708, %min3A_709 : i32
      %dma_start3A_711 = arith.constant 0 : i32
      %dma_start3A_712 = arith.constant 0 : i32
      %dma_start3A_713 = tpu.memref_slice %arg4[%add3A, %min3A_710, %dma_start3A_711, %dma_start3A_712] : memref<32x50x2x104xi32, #tpu.memory_space<hbm>> -> memref<1x1x2x104xi32, #tpu.memory_space<hbm>>
      %dma_start3A_714 = tpu.memref_squeeze %dma_start3A_713 : memref<1x1x2x104xi32, #tpu.memory_space<hbm>> -> memref<2x104xi32, #tpu.memory_space<hbm>>
      %dma_start3A_715 = arith.constant 0 : i32
      %dma_start3A_716 = arith.constant 0 : i32
      %dma_start3A_717 = tpu.memref_slice %arg4[%add3A, %min3A_710, %dma_start3A_715, %dma_start3A_716] : memref<32x50x2x104xi32, #tpu.memory_space<hbm>> -> memref<1x1x2x104xi32, #tpu.memory_space<hbm>>
      %dma_start3A_718 = tpu.memref_squeeze %dma_start3A_717 : memref<1x1x2x104xi32, #tpu.memory_space<hbm>> -> memref<2x104xi32, #tpu.memory_space<hbm>>
      tpu.enqueue_dma source(%dma_start3A_718 : memref<2x104xi32, #tpu.memory_space<hbm>>) target(%arg9 : memref<2x104xi32, #tpu.memory_space<vmem>>) target_semaphore(%arg25 : memref<!tpu.dma_semaphore, #tpu.memory_space<semaphore_mem>>)
      %dma_start3A_719 = arith.constant 0 : i32
      %dma_start3A_720 = arith.constant 0 : i32
      %dma_start3A_721 = tpu.memref_slice %arg5[%add3A, %min3A_710, %dma_start3A_719, %dma_start3A_720] : memref<32x50x2x104xi32, #tpu.memory_space<hbm>> -> memref<1x1x2x104xi32, #tpu.memory_space<hbm>>
      %dma_start3A_722 = tpu.memref_squeeze %dma_start3A_721 : memref<1x1x2x104xi32, #tpu.memory_space<hbm>> -> memref<2x104xi32, #tpu.memory_space<hbm>>
      %dma_start3A_723 = arith.constant 0 : i32
      %dma_start3A_724 = arith.constant 0 : i32
      %dma_start3A_725 = tpu.memref_slice %arg5[%add3A, %min3A_710, %dma_start3A_723, %dma_start3A_724] : memref<32x50x2x104xi32, #tpu.memory_space<hbm>> -> memref<1x1x2x104xi32, #tpu.memory_space<hbm>>
      %dma_start3A_726 = tpu.memref_squeeze %dma_start3A_725 : memref<1x1x2x104xi32, #tpu.memory_space<hbm>> -> memref<2x104xi32, #tpu.memory_space<hbm>>
      tpu.enqueue_dma source(%dma_start3A_726 : memref<2x104xi32, #tpu.memory_space<hbm>>) target(%arg10 : memref<2x104xi32, #tpu.memory_space<vmem>>) target_semaphore(%arg25 : memref<!tpu.dma_semaphore, #tpu.memory_space<semaphore_mem>>)
      %dma_start3A_727 = arith.constant 0 : i32
      %dma_start3A_728 = arith.constant 0 : i32
      %dma_start3A_729 = tpu.memref_slice %arg6[%add3A, %min3A_710, %dma_start3A_727, %dma_start3A_728] : memref<32x50x2x104xi32, #tpu.memory_space<hbm>> -> memref<1x1x2x104xi32, #tpu.memory_space<hbm>>
      %dma_start3A_730 = tpu.memref_squeeze %dma_start3A_729 : memref<1x1x2x104xi32, #tpu.memory_space<hbm>> -> memref<2x104xi32, #tpu.memory_space<hbm>>
      %dma_start3A_731 = arith.constant 0 : i32
      %dma_start3A_732 = arith.constant 0 : i32
      %dma_start3A_733 = tpu.memref_slice %arg6[%add3A, %min3A_710, %dma_start3A_731, %dma_start3A_732] : memref<32x50x2x104xi32, #tpu.memory_space<hbm>> -> memref<1x1x2x104xi32, #tpu.memory_space<hbm>>
      %dma_start3A_734 = tpu.memref_squeeze %dma_start3A_733 : memref<1x1x2x104xi32, #tpu.memory_space<hbm>> -> memref<2x104xi32, #tpu.memory_space<hbm>>
      tpu.enqueue_dma source(%dma_start3A_734 : memref<2x104xi32, #tpu.memory_space<hbm>>) target(%arg11 : memref<2x104xi32, #tpu.memory_space<vmem>>) target_semaphore(%arg25 : memref<!tpu.dma_semaphore, #tpu.memory_space<semaphore_mem>>)
      %get3A_735 = arith.constant 1 : i32
      %get3A_736 = arith.index_cast %get3A_735 : i32 to index
      %get3A_737 = arith.constant 0 : index
      %get3A_738 = tpu.vector_load %arg14[%get3A_736, %get3A_737] {strides = array<i32>} : memref<2x104xi32, #tpu.memory_space<vmem>>, vector<16xi32>,
      %mul3A_739 = arith.constant 10000 : i32
      %mul3A_740 = vector.broadcast %mul3A_739 : i32 to vector<16xi32>
      %mul3A_741 = arith.muli %get3A_738, %mul3A_740 : vector<16xi32>
      %get3A_742 = arith.constant 1 : i32
      %get3A_743 = arith.index_cast %get3A_742 : i32 to index
      %get3A_744 = arith.constant 0 : index
      %get3A_745 = tpu.vector_load %arg12[%get3A_743, %get3A_744] {strides = array<i32>} : memref<2x104xi32, #tpu.memory_space<vmem>>, vector<16xi32>,
      %add3A_746 = arith.addi %mul3A_741, %get3A_745 : vector<16xi32>
      %swap3A_747 = arith.constant 1 : i32
      %swap3A_748 = arith.index_cast %swap3A_747 : i32 to index
      %swap3A_749 = arith.constant 0 : index
      %swap3A_750 = tpu.vector_load %arg12[%swap3A_748, %swap3A_749] {strides = array<i32>} : memref<2x104xi32, #tpu.memory_space<vmem>>, vector<16xi32>,
      tpu.vector_store %arg12[%swap3A_748, %swap3A_749], %add3A_746 {strides = array<i32>} : memref<2x104xi32, #tpu.memory_space<vmem>>, vector<16xi32>,
      %get3A_751 = arith.constant 1 : i32
      %get3A_752 = arith.index_cast %get3A_751 : i32 to index
      %get3A_753 = arith.constant 0 : index
      %get3A_754 = tpu.vector_load %arg13[%get3A_752, %get3A_753] {strides = array<i32>} : memref<2x104xi32, #tpu.memory_space<vmem>>, vector<16xi32>,
      %add3A_755 = arith.addi %mul3A_741, %get3A_754 : vector<16xi32>
      %swap3A_756 = arith.constant 1 : i32
      %swap3A_757 = arith.index_cast %swap3A_756 : i32 to index
      %swap3A_758 = arith.constant 0 : index
      %swap3A_759 = tpu.vector_load %arg14[%swap3A_757, %swap3A_758] {strides = array<i32>} : memref<2x104xi32, #tpu.memory_space<vmem>>, vector<16xi32>,
      tpu.vector_store %arg14[%swap3A_757, %swap3A_758], %add3A_755 {strides = array<i32>} : memref<2x104xi32, #tpu.memory_space<vmem>>, vector<16xi32>,
      %get3A_760 = arith.constant 1 : i32
      %get3A_761 = arith.index_cast %get3A_760 : i32 to index
      %get3A_762 = arith.constant 16 : index
      %get3A_763 = tpu.vector_load %arg14[%get3A_761, %get3A_762] {strides = array<i32>} : memref<2x104xi32, #tpu.memory_space<vmem>>, vector<16xi32>,
      %mul3A_764 = arith.constant 10000 : i32
      %mul3A_765 = vector.broadcast %mul3A_764 : i32 to vector<16xi32>
      %mul3A_766 = arith.muli %get3A_763, %mul3A_765 : vector<16xi32>
      %get3A_767 = arith.constant 1 : i32
      %get3A_768 = arith.index_cast %get3A_767 : i32 to index
      %get3A_769 = arith.constant 16 : index
      %get3A_770 = tpu.vector_load %arg12[%get3A_768, %get3A_769] {strides = array<i32>} : memref<2x104xi32, #tpu.memory_space<vmem>>, vector<16xi32>,
      %add3A_771 = arith.addi %mul3A_766, %get3A_770 : vector<16xi32>
      %swap3A_772 = arith.constant 1 : i32
      %swap3A_773 = arith.index_cast %swap3A_772 : i32 to index
      %swap3A_774 = arith.constant 16 : index
      %swap3A_775 = tpu.vector_load %arg12[%swap3A_773, %swap3A_774] {strides = array<i32>} : memref<2x104xi32, #tpu.memory_space<vmem>>, vector<16xi32>,
      tpu.vector_store %arg12[%swap3A_773, %swap3A_774], %add3A_771 {strides = array<i32>} : memref<2x104xi32, #tpu.memory_space<vmem>>, vector<16xi32>,
      %get3A_776 = arith.constant 1 : i32
      %get3A_777 = arith.index_cast %get3A_776 : i32 to index
      %get3A_778 = arith.constant 16 : index
      %get3A_779 = tpu.vector_load %arg13[%get3A_777, %get3A_778] {strides = array<i32>} : memref<2x104xi32, #tpu.memory_space<vmem>>, vector<16xi32>,
      %add3A_780 = arith.addi %mul3A_766, %get3A_779 : vector<16xi32>
      %swap3A_781 = arith.constant 1 : i32
      %swap3A_782 = arith.index_cast %swap3A_781 : i32 to index
      %swap3A_783 = arith.constant 16 : index
      %swap3A_784 = tpu.vector_load %arg14[%swap3A_782, %swap3A_783] {strides = array<i32>} : memref<2x104xi32, #tpu.memory_space<vmem>>, vector<16xi32>,
      tpu.vector_store %arg14[%swap3A_782, %swap3A_783], %add3A_780 {strides = array<i32>} : memref<2x104xi32, #tpu.memory_space<vmem>>, vector<16xi32>,
      %get3A_785 = arith.constant 1 : i32
      %get3A_786 = arith.index_cast %get3A_785 : i32 to index
      %get3A_787 = arith.constant 32 : index
      %get3A_788 = tpu.vector_load %arg14[%get3A_786, %get3A_787] {strides = array<i32>} : memref<2x104xi32, #tpu.memory_space<vmem>>, vector<16xi32>,
      %mul3A_789 = arith.constant 10000 : i32
      %mul3A_790 = vector.broadcast %mul3A_789 : i32 to vector<16xi32>
      %mul3A_791 = arith.muli %get3A_788, %mul3A_790 : vector<16xi32>
      %get3A_792 = arith.constant 1 : i32
      %get3A_793 = arith.index_cast %get3A_792 : i32 to index
      %get3A_794 = arith.constant 32 : index
      %get3A_795 = tpu.vector_load %arg12[%get3A_793, %get3A_794] {strides = array<i32>} : memref<2x104xi32, #tpu.memory_space<vmem>>, vector<16xi32>,
      %add3A_796 = arith.addi %mul3A_791, %get3A_795 : vector<16xi32>
      %swap3A_797 = arith.constant 1 : i32
      %swap3A_798 = arith.index_cast %swap3A_797 : i32 to index
      %swap3A_799 = arith.constant 32 : index
      %swap3A_800 = tpu.vector_load %arg12[%swap3A_798, %swap3A_799] {strides = array<i32>} : memref<2x104xi32, #tpu.memory_space<vmem>>, vector<16xi32>,
      tpu.vector_store %arg12[%swap3A_798, %swap3A_799], %add3A_796 {strides = array<i32>} : memref<2x104xi32, #tpu.memory_space<vmem>>, vector<16xi32>,
      %get3A_801 = arith.constant 1 : i32
      %get3A_802 = arith.index_cast %get3A_801 : i32 to index
      %get3A_803 = arith.constant 32 : index
      %get3A_804 = tpu.vector_load %arg13[%get3A_802, %get3A_803] {strides = array<i32>} : memref<2x104xi32, #tpu.memory_space<vmem>>, vector<16xi32>,
      %add3A_805 = arith.addi %mul3A_791, %get3A_804 : vector<16xi32>
      %swap3A_806 = arith.constant 1 : i32
      %swap3A_807 = arith.index_cast %swap3A_806 : i32 to index
      %swap3A_808 = arith.constant 32 : index
      %swap3A_809 = tpu.vector_load %arg14[%swap3A_807, %swap3A_808] {strides = array<i32>} : memref<2x104xi32, #tpu.memory_space<vmem>>, vector<16xi32>,
      tpu.vector_store %arg14[%swap3A_807, %swap3A_808], %add3A_805 {strides = array<i32>} : memref<2x104xi32, #tpu.memory_space<vmem>>, vector<16xi32>,
      %get3A_810 = arith.constant 1 : i32
      %get3A_811 = arith.index_cast %get3A_810 : i32 to index
      %get3A_812 = arith.constant 48 : index
      %get3A_813 = tpu.vector_load %arg14[%get3A_811, %get3A_812] {strides = array<i32>} : memref<2x104xi32, #tpu.memory_space<vmem>>, vector<16xi32>,
      %mul3A_814 = arith.constant 10000 : i32
      %mul3A_815 = vector.broadcast %mul3A_814 : i32 to vector<16xi32>
      %mul3A_816 = arith.muli %get3A_813, %mul3A_815 : vector<16xi32>
      %get3A_817 = arith.constant 1 : i32
      %get3A_818 = arith.index_cast %get3A_817 : i32 to index
      %get3A_819 = arith.constant 48 : index
      %get3A_820 = tpu.vector_load %arg12[%get3A_818, %get3A_819] {strides = array<i32>} : memref<2x104xi32, #tpu.memory_space<vmem>>, vector<16xi32>,
      %add3A_821 = arith.addi %mul3A_816, %get3A_820 : vector<16xi32>
      %swap3A_822 = arith.constant 1 : i32
      %swap3A_823 = arith.index_cast %swap3A_822 : i32 to index
      %swap3A_824 = arith.constant 48 : index
      %swap3A_825 = tpu.vector_load %arg12[%swap3A_823, %swap3A_824] {strides = array<i32>} : memref<2x104xi32, #tpu.memory_space<vmem>>, vector<16xi32>,
      tpu.vector_store %arg12[%swap3A_823, %swap3A_824], %add3A_821 {strides = array<i32>} : memref<2x104xi32, #tpu.memory_space<vmem>>, vector<16xi32>,
      %get3A_826 = arith.constant 1 : i32
      %get3A_827 = arith.index_cast %get3A_826 : i32 to index
      %get3A_828 = arith.constant 48 : index
      %get3A_829 = tpu.vector_load %arg13[%get3A_827, %get3A_828] {strides = array<i32>} : memref<2x104xi32, #tpu.memory_space<vmem>>, vector<16xi32>,
      %add3A_830 = arith.addi %mul3A_816, %get3A_829 : vector<16xi32>
      %swap3A_831 = arith.constant 1 : i32
      %swap3A_832 = arith.index_cast %swap3A_831 : i32 to index
      %swap3A_833 = arith.constant 48 : index
      %swap3A_834 = tpu.vector_load %arg14[%swap3A_832, %swap3A_833] {strides = array<i32>} : memref<2x104xi32, #tpu.memory_space<vmem>>, vector<16xi32>,
      tpu.vector_store %arg14[%swap3A_832, %swap3A_833], %add3A_830 {strides = array<i32>} : memref<2x104xi32, #tpu.memory_space<vmem>>, vector<16xi32>,
      %get3A_835 = arith.constant 1 : i32
      %get3A_836 = arith.index_cast %get3A_835 : i32 to index
      %get3A_837 = arith.constant 64 : index
      %get3A_838 = tpu.vector_load %arg14[%get3A_836, %get3A_837] {strides = array<i32>} : memref<2x104xi32, #tpu.memory_space<vmem>>, vector<16xi32>,
      %mul3A_839 = arith.constant 10000 : i32
      %mul3A_840 = vector.broadcast %mul3A_839 : i32 to vector<16xi32>
      %mul3A_841 = arith.muli %get3A_838, %mul3A_840 : vector<16xi32>
      %get3A_842 = arith.constant 1 : i32
      %get3A_843 = arith.index_cast %get3A_842 : i32 to index
      %get3A_844 = arith.constant 64 : index
      %get3A_845 = tpu.vector_load %arg12[%get3A_843, %get3A_844] {strides = array<i32>} : memref<2x104xi32, #tpu.memory_space<vmem>>, vector<16xi32>,
      %add3A_846 = arith.addi %mul3A_841, %get3A_845 : vector<16xi32>
      %swap3A_847 = arith.constant 1 : i32
      %swap3A_848 = arith.index_cast %swap3A_847 : i32 to index
      %swap3A_849 = arith.constant 64 : index
      %swap3A_850 = tpu.vector_load %arg12[%swap3A_848, %swap3A_849] {strides = array<i32>} : memref<2x104xi32, #tpu.memory_space<vmem>>, vector<16xi32>,
      tpu.vector_store %arg12[%swap3A_848, %swap3A_849], %add3A_846 {strides = array<i32>} : memref<2x104xi32, #tpu.memory_space<vmem>>, vector<16xi32>,
      %get3A_851 = arith.constant 1 : i32
      %get3A_852 = arith.index_cast %get3A_851 : i32 to index
      %get3A_853 = arith.constant 64 : index
      %get3A_854 = tpu.vector_load %arg13[%get3A_852, %get3A_853] {strides = array<i32>} : memref<2x104xi32, #tpu.memory_space<vmem>>, vector<16xi32>,
      %add3A_855 = arith.addi %mul3A_841, %get3A_854 : vector<16xi32>
      %swap3A_856 = arith.constant 1 : i32
      %swap3A_857 = arith.index_cast %swap3A_856 : i32 to index
      %swap3A_858 = arith.constant 64 : index
      %swap3A_859 = tpu.vector_load %arg14[%swap3A_857, %swap3A_858] {strides = array<i32>} : memref<2x104xi32, #tpu.memory_space<vmem>>, vector<16xi32>,
      tpu.vector_store %arg14[%swap3A_857, %swap3A_858], %add3A_855 {strides = array<i32>} : memref<2x104xi32, #tpu.memory_space<vmem>>, vector<16xi32>,
      %get3A_860 = arith.constant 1 : i32
      %get3A_861 = arith.index_cast %get3A_860 : i32 to index
      %get3A_862 = arith.constant 80 : index
      %get3A_863 = tpu.vector_load %arg14[%get3A_861, %get3A_862] {strides = array<i32>} : memref<2x104xi32, #tpu.memory_space<vmem>>, vector<16xi32>,
      %mul3A_864 = arith.constant 10000 : i32
      %mul3A_865 = vector.broadcast %mul3A_864 : i32 to vector<16xi32>
      %mul3A_866 = arith.muli %get3A_863, %mul3A_865 : vector<16xi32>
      %get3A_867 = arith.constant 1 : i32
      %get3A_868 = arith.index_cast %get3A_867 : i32 to index
      %get3A_869 = arith.constant 80 : index
      %get3A_870 = tpu.vector_load %arg12[%get3A_868, %get3A_869] {strides = array<i32>} : memref<2x104xi32, #tpu.memory_space<vmem>>, vector<16xi32>,
      %add3A_871 = arith.addi %mul3A_866, %get3A_870 : vector<16xi32>
      %swap3A_872 = arith.constant 1 : i32
      %swap3A_873 = arith.index_cast %swap3A_872 : i32 to index
      %swap3A_874 = arith.constant 80 : index
      %swap3A_875 = tpu.vector_load %arg12[%swap3A_873, %swap3A_874] {strides = array<i32>} : memref<2x104xi32, #tpu.memory_space<vmem>>, vector<16xi32>,
      tpu.vector_store %arg12[%swap3A_873, %swap3A_874], %add3A_871 {strides = array<i32>} : memref<2x104xi32, #tpu.memory_space<vmem>>, vector<16xi32>,
      %get3A_876 = arith.constant 1 : i32
      %get3A_877 = arith.index_cast %get3A_876 : i32 to index
      %get3A_878 = arith.constant 80 : index
      %get3A_879 = tpu.vector_load %arg13[%get3A_877, %get3A_878] {strides = array<i32>} : memref<2x104xi32, #tpu.memory_space<vmem>>, vector<16xi32>,
      %add3A_880 = arith.addi %mul3A_866, %get3A_879 : vector<16xi32>
      %swap3A_881 = arith.constant 1 : i32
      %swap3A_882 = arith.index_cast %swap3A_881 : i32 to index
      %swap3A_883 = arith.constant 80 : index
      %swap3A_884 = tpu.vector_load %arg14[%swap3A_882, %swap3A_883] {strides = array<i32>} : memref<2x104xi32, #tpu.memory_space<vmem>>, vector<16xi32>,
      tpu.vector_store %arg14[%swap3A_882, %swap3A_883], %add3A_880 {strides = array<i32>} : memref<2x104xi32, #tpu.memory_space<vmem>>, vector<16xi32>,
      %dma_start3A_885 = arith.constant 1 : i32
      %dma_start3A_886 = arith.constant 0 : i32
      %dma_start3A_887 = tpu.memref_slice %arg12[%dma_start3A_885, %dma_start3A_886] : memref<2x104xi32, #tpu.memory_space<vmem>> -> memref<1x104xi32, #tpu.memory_space<vmem>>
      %dma_start3A_888 = tpu.memref_squeeze %dma_start3A_887 : memref<1x104xi32, #tpu.memory_space<vmem>> -> memref<104xi32, #tpu.memory_space<vmem>>
      %dma_start3A_889 = arith.constant 0 : i32
      %dma_start3A_890 = arith.constant 0 : i32
      %dma_start3A_891 = tpu.memref_slice %arg2[%dma_start3A_889, %dma_start3A_890] : memref<40000x160xbf16, #tpu.memory_space<hbm>> -> memref<40000x160xbf16, #tpu.memory_space<hbm>>
      tpu.enqueue_indirect_dma source(%dma_start3A_891 : memref<40000x160xbf16, #tpu.memory_space<hbm>>) target(%arg16 : memref<104x160xbf16, #tpu.memory_space<vmem>>) offsets(%dma_start3A_888 : memref<104xi32, #tpu.memory_space<vmem>>) semaphore(%arg22 : memref<!tpu.dma_semaphore, #tpu.memory_space<semaphore_mem>>)
      %dma_start3A_892 = arith.constant 1 : i32
      %dma_start3A_893 = arith.constant 0 : i32
      %dma_start3A_894 = tpu.memref_slice %arg14[%dma_start3A_892, %dma_start3A_893] : memref<2x104xi32, #tpu.memory_space<vmem>> -> memref<1x104xi32, #tpu.memory_space<vmem>>
      %dma_start3A_895 = tpu.memref_squeeze %dma_start3A_894 : memref<1x104xi32, #tpu.memory_space<vmem>> -> memref<104xi32, #tpu.memory_space<vmem>>
      %dma_start3A_896 = arith.constant 0 : i32
      %dma_start3A_897 = arith.constant 0 : i32
      %dma_start3A_898 = tpu.memref_slice %arg3[%dma_start3A_896, %dma_start3A_897] : memref<40000x16xf32, #tpu.memory_space<hbm>> -> memref<40000x16xf32, #tpu.memory_space<hbm>>
      tpu.enqueue_indirect_dma source(%dma_start3A_898 : memref<40000x16xf32, #tpu.memory_space<hbm>>) target(%arg18 : memref<104x16xf32, #tpu.memory_space<vmem>>) offsets(%dma_start3A_895 : memref<104xi32, #tpu.memory_space<vmem>>) semaphore(%arg24 : memref<!tpu.dma_semaphore, #tpu.memory_space<semaphore_mem>>)
      %dma_wait3A_899 = arith.constant 0 : i32
      %dma_wait3A_900 = arith.constant 0 : i32
      %dma_wait3A_901 = tpu.memref_slice %arg9[%dma_wait3A_899, %dma_wait3A_900] : memref<2x104xi32, #tpu.memory_space<vmem>> -> memref<1x104xi32, #tpu.memory_space<vmem>>
      %dma_wait3A_902 = tpu.memref_squeeze %dma_wait3A_901 : memref<1x104xi32, #tpu.memory_space<vmem>> -> memref<104xi32, #tpu.memory_space<vmem>>
      %dma_wait3A_903 = arith.constant 0 : i32
      %dma_wait3A_904 = arith.constant 0 : i32
      %dma_wait3A_905 = tpu.memref_slice %arg2[%dma_wait3A_903, %dma_wait3A_904] : memref<40000x160xbf16, #tpu.memory_space<hbm>> -> memref<40000x160xbf16, #tpu.memory_space<hbm>>
      tpu.wait_indirect_dma semaphore(%arg21 : memref<!tpu.dma_semaphore, #tpu.memory_space<semaphore_mem>>) src(%dma_wait3A_905 : memref<40000x160xbf16, #tpu.memory_space<hbm>>) dst(%arg15 : memref<104x160xbf16, #tpu.memory_space<vmem>>)
      %dma_wait3A_906 = arith.constant 0 : i32
      %dma_wait3A_907 = arith.constant 0 : i32
      %dma_wait3A_908 = tpu.memref_slice %arg11[%dma_wait3A_906, %dma_wait3A_907] : memref<2x104xi32, #tpu.memory_space<vmem>> -> memref<1x104xi32, #tpu.memory_space<vmem>>
      %dma_wait3A_909 = tpu.memref_squeeze %dma_wait3A_908 : memref<1x104xi32, #tpu.memory_space<vmem>> -> memref<104xi32, #tpu.memory_space<vmem>>
      %dma_wait3A_910 = arith.constant 0 : i32
      %dma_wait3A_911 = arith.constant 0 : i32
      %dma_wait3A_912 = tpu.memref_slice %arg3[%dma_wait3A_910, %dma_wait3A_911] : memref<40000x16xf32, #tpu.memory_space<hbm>> -> memref<40000x16xf32, #tpu.memory_space<hbm>>
      tpu.wait_indirect_dma semaphore(%arg23 : memref<!tpu.dma_semaphore, #tpu.memory_space<semaphore_mem>>) src(%dma_wait3A_912 : memref<40000x16xf32, #tpu.memory_space<hbm>>) dst(%arg17 : memref<104x16xf32, #tpu.memory_space<vmem>>)
      %broadcast_in_dim3A_913 = arith.constant -65536 : i32
      %broadcast_in_dim3A_914 = vector.broadcast %broadcast_in_dim3A_913 : i32 to vector<16xi32>
      %scan3A_915 = arith.constant 0 : i32
      %scan3A_916 = arith.constant 0 : i32
      %scan3A_917 = arith.constant 104 : i32
      %scan3A_918 = arith.addi %scan3A_916, %scan3A_917 : i32
      %scan3A_919 = arith.constant 1 : i32
      scf.for %scan3A_1169 = %scan3A_916 to %scan3A_918 step %scan3A_919  : i32 {
        %get3A_1170 = arith.index_cast %scan3A_1169 : i32 to index
        %get3A_1171 = arith.constant 128 : index
        %get3A_1172 = tpu.vector_load %arg15[%get3A_1170, %get3A_1171] {strides = array<i32>} : memref<104x160xbf16, #tpu.memory_space<vmem>>, vector<32xbf16>,
        %bitcast3A = vector.bitcast %get3A_1172 : vector<32xbf16> to vector<16xf32>
        %get3A_1173 = arith.index_cast %scan3A_1169 : i32 to index
        %get3A_1174 = arith.constant 0 : index
        %get3A_1175 = tpu.vector_load %arg17[%get3A_1173, %get3A_1174] {strides = array<i32>} : memref<104x16xf32, #tpu.memory_space<vmem>>, vector<16xf32>,
        %add3A_1176 = arith.addf %bitcast3A, %get3A_1175 : vector<16xf32>
        %ge3A = arith.constant 0.000000e+00 : f32
        %ge3A_1177 = vector.broadcast %ge3A : f32 to vector<16xf32>
        %ge3A_1178 = arith.cmpf oge, %add3A_1176, %ge3A_1177 : vector<16xf32>
        %mul3A_1179 = arith.constant 2.000000e-01 : f32
        %mul3A_1180 = vector.broadcast %mul3A_1179 : f32 to vector<16xf32>
        %mul3A_1181 = arith.mulf %mul3A_1180, %add3A_1176 : vector<16xf32>
        %select_n3A = arith.select %ge3A_1178, %add3A_1176, %mul3A_1181 : vector<16xi1>, vector<16xf32>
        %exp3A = math.exp %select_n3A : vector<16xf32>
        %lt3A = arith.constant 4 : i32
        %lt3A_1182 = vector.broadcast %lt3A : i32 to vector<16xi32>
        %lt3A_1183 = arith.cmpi slt, %iota3A, %lt3A_1182 : vector<16xi32>
        %jit3A = arith.constant 0.000000e+00 : f32
        %broadcast_in_dim3A_1184 = vector.broadcast %jit3A : f32 to vector<16xf32>
        %select_n3A_1185 = arith.select %lt3A_1183, %exp3A, %broadcast_in_dim3A_1184 : vector<16xi1>, vector<16xf32>
        %broadcast_in_dim3A_1186 = arith.constant 0 : i32
        %broadcast_in_dim3A_1187 = vector.broadcast %broadcast_in_dim3A_1186 : i32 to vector<16x1xi32>
        %gather3A = vector.shape_cast %broadcast_in_dim3A_1187 : vector<16x1xi32> to vector<16xi32>
        %gather3A_1188 = tpu.dynamic_gather %exp3A[%gather3A] in [0] : vector<16xf32>, vector<16xi32> -> vector<16xf32>
        %get3A_1189 = arith.index_cast %scan3A_1169 : i32 to index
        %get3A_1190 = arith.constant 0 : index
        %get3A_1191 = tpu.vector_load %arg15[%get3A_1189, %get3A_1190] {strides = array<i32>} : memref<104x160xbf16, #tpu.memory_space<vmem>>, vector<32xbf16>,
        %bitcast3A_1192 = vector.bitcast %get3A_1191 : vector<32xbf16> to vector<16xi32>
        %shift_left3A = arith.constant 16 : i32
        %shift_left3A_1193 = vector.broadcast %shift_left3A : i32 to vector<16xi32>
        %shift_left3A_1194 = arith.shli %bitcast3A_1192, %shift_left3A_1193 : vector<16xi32>
        %bitcast3A_1195 = vector.bitcast %shift_left3A_1194 : vector<16xi32> to vector<16xf32>
        %and3A = arith.andi %bitcast3A_1192, %broadcast_in_dim3A_914 : vector<16xi32>
        %bitcast3A_1196 = vector.bitcast %and3A : vector<16xi32> to vector<16xf32>
        %mul3A_1197 = arith.mulf %bitcast3A_1195, %gather3A_1188 : vector<16xf32>
        %swap3A_1198 = arith.index_cast %scan3A_1169 : i32 to index
        %swap3A_1199 = arith.constant 0 : index
        %swap3A_1200 = tpu.vector_load %arg19[%swap3A_1198, %swap3A_1199] {strides = array<i32>} : memref<104x144xf32, #tpu.memory_space<vmem>>, vector<16xf32>,
        tpu.vector_store %arg19[%swap3A_1198, %swap3A_1199], %mul3A_1197 {strides = array<i32>} : memref<104x144xf32, #tpu.memory_space<vmem>>, vector<16xf32>,
        %mul3A_1201 = arith.mulf %bitcast3A_1196, %gather3A_1188 : vector<16xf32>
        %swap3A_1202 = arith.index_cast %scan3A_1169 : i32 to index
        %swap3A_1203 = arith.constant 16 : index
        %swap3A_1204 = tpu.vector_load %arg19[%swap3A_1202, %swap3A_1203] {strides = array<i32>} : memref<104x144xf32, #tpu.memory_space<vmem>>, vector<16xf32>,
        tpu.vector_store %arg19[%swap3A_1202, %swap3A_1203], %mul3A_1201 {strides = array<i32>} : memref<104x144xf32, #tpu.memory_space<vmem>>, vector<16xf32>,
        %broadcast_in_dim3A_1205 = arith.constant 1 : i32
        %broadcast_in_dim3A_1206 = vector.broadcast %broadcast_in_dim3A_1205 : i32 to vector<16x1xi32>
        %gather3A_1207 = vector.shape_cast %broadcast_in_dim3A_1206 : vector<16x1xi32> to vector<16xi32>
        %gather3A_1208 = tpu.dynamic_gather %exp3A[%gather3A_1207] in [0] : vector<16xf32>, vector<16xi32> -> vector<16xf32>
        %get3A_1209 = arith.index_cast %scan3A_1169 : i32 to index
        %get3A_1210 = arith.constant 32 : index
        %get3A_1211 = tpu.vector_load %arg15[%get3A_1209, %get3A_1210] {strides = array<i32>} : memref<104x160xbf16, #tpu.memory_space<vmem>>, vector<32xbf16>,
        %bitcast3A_1212 = vector.bitcast %get3A_1211 : vector<32xbf16> to vector<16xi32>
        %shift_left3A_1213 = arith.constant 16 : i32
        %shift_left3A_1214 = vector.broadcast %shift_left3A_1213 : i32 to vector<16xi32>
        %shift_left3A_1215 = arith.shli %bitcast3A_1212, %shift_left3A_1214 : vector<16xi32>
        %bitcast3A_1216 = vector.bitcast %shift_left3A_1215 : vector<16xi32> to vector<16xf32>
        %and3A_1217 = arith.andi %bitcast3A_1212, %broadcast_in_dim3A_914 : vector<16xi32>
        %bitcast3A_1218 = vector.bitcast %and3A_1217 : vector<16xi32> to vector<16xf32>
        %mul3A_1219 = arith.mulf %bitcast3A_1216, %gather3A_1208 : vector<16xf32>
        %swap3A_1220 = arith.index_cast %scan3A_1169 : i32 to index
        %swap3A_1221 = arith.constant 32 : index
        %swap3A_1222 = tpu.vector_load %arg19[%swap3A_1220, %swap3A_1221] {strides = array<i32>} : memref<104x144xf32, #tpu.memory_space<vmem>>, vector<16xf32>,
        tpu.vector_store %arg19[%swap3A_1220, %swap3A_1221], %mul3A_1219 {strides = array<i32>} : memref<104x144xf32, #tpu.memory_space<vmem>>, vector<16xf32>,
        %mul3A_1223 = arith.mulf %bitcast3A_1218, %gather3A_1208 : vector<16xf32>
        %swap3A_1224 = arith.index_cast %scan3A_1169 : i32 to index
        %swap3A_1225 = arith.constant 48 : index
        %swap3A_1226 = tpu.vector_load %arg19[%swap3A_1224, %swap3A_1225] {strides = array<i32>} : memref<104x144xf32, #tpu.memory_space<vmem>>, vector<16xf32>,
        tpu.vector_store %arg19[%swap3A_1224, %swap3A_1225], %mul3A_1223 {strides = array<i32>} : memref<104x144xf32, #tpu.memory_space<vmem>>, vector<16xf32>,
        %broadcast_in_dim3A_1227 = arith.constant 2 : i32
        %broadcast_in_dim3A_1228 = vector.broadcast %broadcast_in_dim3A_1227 : i32 to vector<16x1xi32>
        %gather3A_1229 = vector.shape_cast %broadcast_in_dim3A_1228 : vector<16x1xi32> to vector<16xi32>
        %gather3A_1230 = tpu.dynamic_gather %exp3A[%gather3A_1229] in [0] : vector<16xf32>, vector<16xi32> -> vector<16xf32>
        %get3A_1231 = arith.index_cast %scan3A_1169 : i32 to index
        %get3A_1232 = arith.constant 64 : index
        %get3A_1233 = tpu.vector_load %arg15[%get3A_1231, %get3A_1232] {strides = array<i32>} : memref<104x160xbf16, #tpu.memory_space<vmem>>, vector<32xbf16>,
        %bitcast3A_1234 = vector.bitcast %get3A_1233 : vector<32xbf16> to vector<16xi32>
        %shift_left3A_1235 = arith.constant 16 : i32
        %shift_left3A_1236 = vector.broadcast %shift_left3A_1235 : i32 to vector<16xi32>
        %shift_left3A_1237 = arith.shli %bitcast3A_1234, %shift_left3A_1236 : vector<16xi32>
        %bitcast3A_1238 = vector.bitcast %shift_left3A_1237 : vector<16xi32> to vector<16xf32>
        %and3A_1239 = arith.andi %bitcast3A_1234, %broadcast_in_dim3A_914 : vector<16xi32>
        %bitcast3A_1240 = vector.bitcast %and3A_1239 : vector<16xi32> to vector<16xf32>
        %mul3A_1241 = arith.mulf %bitcast3A_1238, %gather3A_1230 : vector<16xf32>
        %swap3A_1242 = arith.index_cast %scan3A_1169 : i32 to index
        %swap3A_1243 = arith.constant 64 : index
        %swap3A_1244 = tpu.vector_load %arg19[%swap3A_1242, %swap3A_1243] {strides = array<i32>} : memref<104x144xf32, #tpu.memory_space<vmem>>, vector<16xf32>,
        tpu.vector_store %arg19[%swap3A_1242, %swap3A_1243], %mul3A_1241 {strides = array<i32>} : memref<104x144xf32, #tpu.memory_space<vmem>>, vector<16xf32>,
        %mul3A_1245 = arith.mulf %bitcast3A_1240, %gather3A_1230 : vector<16xf32>
        %swap3A_1246 = arith.index_cast %scan3A_1169 : i32 to index
        %swap3A_1247 = arith.constant 80 : index
        %swap3A_1248 = tpu.vector_load %arg19[%swap3A_1246, %swap3A_1247] {strides = array<i32>} : memref<104x144xf32, #tpu.memory_space<vmem>>, vector<16xf32>,
        tpu.vector_store %arg19[%swap3A_1246, %swap3A_1247], %mul3A_1245 {strides = array<i32>} : memref<104x144xf32, #tpu.memory_space<vmem>>, vector<16xf32>,
        %broadcast_in_dim3A_1249 = arith.constant 3 : i32
        %broadcast_in_dim3A_1250 = vector.broadcast %broadcast_in_dim3A_1249 : i32 to vector<16x1xi32>
        %gather3A_1251 = vector.shape_cast %broadcast_in_dim3A_1250 : vector<16x1xi32> to vector<16xi32>
        %gather3A_1252 = tpu.dynamic_gather %exp3A[%gather3A_1251] in [0] : vector<16xf32>, vector<16xi32> -> vector<16xf32>
        %get3A_1253 = arith.index_cast %scan3A_1169 : i32 to index
        %get3A_1254 = arith.constant 96 : index
        %get3A_1255 = tpu.vector_load %arg15[%get3A_1253, %get3A_1254] {strides = array<i32>} : memref<104x160xbf16, #tpu.memory_space<vmem>>, vector<32xbf16>,
        %bitcast3A_1256 = vector.bitcast %get3A_1255 : vector<32xbf16> to vector<16xi32>
        %shift_left3A_1257 = arith.constant 16 : i32
        %shift_left3A_1258 = vector.broadcast %shift_left3A_1257 : i32 to vector<16xi32>
        %shift_left3A_1259 = arith.shli %bitcast3A_1256, %shift_left3A_1258 : vector<16xi32>
        %bitcast3A_1260 = vector.bitcast %shift_left3A_1259 : vector<16xi32> to vector<16xf32>
        %and3A_1261 = arith.andi %bitcast3A_1256, %broadcast_in_dim3A_914 : vector<16xi32>
        %bitcast3A_1262 = vector.bitcast %and3A_1261 : vector<16xi32> to vector<16xf32>
        %mul3A_1263 = arith.mulf %bitcast3A_1260, %gather3A_1252 : vector<16xf32>
        %swap3A_1264 = arith.index_cast %scan3A_1169 : i32 to index
        %swap3A_1265 = arith.constant 96 : index
        %swap3A_1266 = tpu.vector_load %arg19[%swap3A_1264, %swap3A_1265] {strides = array<i32>} : memref<104x144xf32, #tpu.memory_space<vmem>>, vector<16xf32>,
        tpu.vector_store %arg19[%swap3A_1264, %swap3A_1265], %mul3A_1263 {strides = array<i32>} : memref<104x144xf32, #tpu.memory_space<vmem>>, vector<16xf32>,
        %mul3A_1267 = arith.mulf %bitcast3A_1262, %gather3A_1252 : vector<16xf32>
        %swap3A_1268 = arith.index_cast %scan3A_1169 : i32 to index
        %swap3A_1269 = arith.constant 112 : index
        %swap3A_1270 = tpu.vector_load %arg19[%swap3A_1268, %swap3A_1269] {strides = array<i32>} : memref<104x144xf32, #tpu.memory_space<vmem>>, vector<16xf32>,
        tpu.vector_store %arg19[%swap3A_1268, %swap3A_1269], %mul3A_1267 {strides = array<i32>} : memref<104x144xf32, #tpu.memory_space<vmem>>, vector<16xf32>,
        %swap3A_1271 = arith.index_cast %scan3A_1169 : i32 to index
        %swap3A_1272 = arith.constant 128 : index
        %swap3A_1273 = tpu.vector_load %arg19[%swap3A_1271, %swap3A_1272] {strides = array<i32>} : memref<104x144xf32, #tpu.memory_space<vmem>>, vector<16xf32>,
        tpu.vector_store %arg19[%swap3A_1271, %swap3A_1272], %select_n3A_1185 {strides = array<i32>} : memref<104x144xf32, #tpu.memory_space<vmem>>, vector<16xf32>,
      }
      %scan3A_920 = arith.constant 104 : i32
      %run_scoped3A_921 = arith.constant 0 : i32
      "tpu.region"() ({
        %run_scoped3A_1169 = tpu.sem_alloc : memref<!tpu.dma_semaphore, #tpu.memory_space<semaphore_mem>>
        %dma_start3A_1170 = arith.constant 0 : i32
        %dma_start3A_1171 = tpu.memref_slice %arg13[%run_scoped3A_921, %dma_start3A_1170] : memref<2x104xi32, #tpu.memory_space<vmem>> -> memref<1x104xi32, #tpu.memory_space<vmem>>
        %dma_start3A_1172 = tpu.memref_squeeze %dma_start3A_1171 : memref<1x104xi32, #tpu.memory_space<vmem>> -> memref<104xi32, #tpu.memory_space<vmem>>
        %dma_start3A_1173 = arith.constant 0 : i32
        %dma_start3A_1174 = arith.constant 0 : i32
        %dma_start3A_1175 = tpu.memref_slice %arg20[%dma_start3A_1173, %dma_start3A_1174] : memref<10112x144xf32, #tpu.memory_space<vmem_shared>> -> memref<10112x144xf32, #tpu.memory_space<vmem_shared>>
        tpu.enqueue_indirect_dma source(%arg19 : memref<104x144xf32, #tpu.memory_space<vmem>>) target(%dma_start3A_1175 : memref<10112x144xf32, #tpu.memory_space<vmem_shared>>) offsets(%dma_start3A_1172 : memref<104xi32, #tpu.memory_space<vmem>>) semaphore(%run_scoped3A_1169 : memref<!tpu.dma_semaphore, #tpu.memory_space<semaphore_mem>>) {add = true}
        %dma_wait3A_1176 = arith.constant 0 : i32
        %dma_wait3A_1177 = tpu.memref_slice %arg13[%run_scoped3A_921, %dma_wait3A_1176] : memref<2x104xi32, #tpu.memory_space<vmem>> -> memref<1x104xi32, #tpu.memory_space<vmem>>
        %dma_wait3A_1178 = tpu.memref_squeeze %dma_wait3A_1177 : memref<1x104xi32, #tpu.memory_space<vmem>> -> memref<104xi32, #tpu.memory_space<vmem>>
        %dma_wait3A_1179 = arith.constant 0 : i32
        %dma_wait3A_1180 = arith.constant 0 : i32
        %dma_wait3A_1181 = tpu.memref_slice %arg20[%dma_wait3A_1179, %dma_wait3A_1180] : memref<10112x144xf32, #tpu.memory_space<vmem_shared>> -> memref<10112x144xf32, #tpu.memory_space<vmem_shared>>
        tpu.wait_indirect_dma semaphore(%run_scoped3A_1169 : memref<!tpu.dma_semaphore, #tpu.memory_space<semaphore_mem>>) src(%arg19 : memref<104x144xf32, #tpu.memory_space<vmem>>) dst(%dma_wait3A_1181 : memref<10112x144xf32, #tpu.memory_space<vmem_shared>>)
        tpu.yield
      }) : () -> ()
      %dma_wait3A_922 = arith.constant 0 : i32
      %dma_wait3A_923 = arith.constant 0 : i32
      %dma_wait3A_924 = arith.constant 0 : i32
      %dma_wait3A_925 = arith.constant 0 : i32
      %dma_wait3A_926 = tpu.memref_slice %arg4[%dma_wait3A_922, %dma_wait3A_923, %dma_wait3A_924, %dma_wait3A_925] : memref<32x50x2x104xi32, #tpu.memory_space<hbm>> -> memref<1x1x2x104xi32, #tpu.memory_space<hbm>>
      %dma_wait3A_927 = tpu.memref_squeeze %dma_wait3A_926 : memref<1x1x2x104xi32, #tpu.memory_space<hbm>> -> memref<2x104xi32, #tpu.memory_space<hbm>>
      %dma_wait3A_928 = arith.constant 0 : i32
      %dma_wait3A_929 = arith.constant 0 : i32
      %dma_wait3A_930 = tpu.memref_slice %arg4[%dma_wait3A_922, %dma_wait3A_923, %dma_wait3A_928, %dma_wait3A_929] : memref<32x50x2x104xi32, #tpu.memory_space<hbm>> -> memref<1x1x2x104xi32, #tpu.memory_space<hbm>>
      %dma_wait3A_931 = tpu.memref_squeeze %dma_wait3A_930 : memref<1x1x2x104xi32, #tpu.memory_space<hbm>> -> memref<2x104xi32, #tpu.memory_space<hbm>>
      tpu.wait_dma2 semaphore(%arg25 : memref<!tpu.dma_semaphore, #tpu.memory_space<semaphore_mem>>) src(%dma_wait3A_931 : memref<2x104xi32, #tpu.memory_space<hbm>>) dst(%arg9 : memref<2x104xi32, #tpu.memory_space<vmem>>)
      %dma_wait3A_932 = arith.constant 0 : i32
      %dma_wait3A_933 = arith.constant 0 : i32
      %dma_wait3A_934 = arith.constant 0 : i32
      %dma_wait3A_935 = arith.constant 0 : i32
      %dma_wait3A_936 = tpu.memref_slice %arg5[%dma_wait3A_932, %dma_wait3A_933, %dma_wait3A_934, %dma_wait3A_935] : memref<32x50x2x104xi32, #tpu.memory_space<hbm>> -> memref<1x1x2x104xi32, #tpu.memory_space<hbm>>
      %dma_wait3A_937 = tpu.memref_squeeze %dma_wait3A_936 : memref<1x1x2x104xi32, #tpu.memory_space<hbm>> -> memref<2x104xi32, #tpu.memory_space<hbm>>
      %dma_wait3A_938 = arith.constant 0 : i32
      %dma_wait3A_939 = arith.constant 0 : i32
      %dma_wait3A_940 = tpu.memref_slice %arg5[%dma_wait3A_932, %dma_wait3A_933, %dma_wait3A_938, %dma_wait3A_939] : memref<32x50x2x104xi32, #tpu.memory_space<hbm>> -> memref<1x1x2x104xi32, #tpu.memory_space<hbm>>
      %dma_wait3A_941 = tpu.memref_squeeze %dma_wait3A_940 : memref<1x1x2x104xi32, #tpu.memory_space<hbm>> -> memref<2x104xi32, #tpu.memory_space<hbm>>
      tpu.wait_dma2 semaphore(%arg25 : memref<!tpu.dma_semaphore, #tpu.memory_space<semaphore_mem>>) src(%dma_wait3A_941 : memref<2x104xi32, #tpu.memory_space<hbm>>) dst(%arg10 : memref<2x104xi32, #tpu.memory_space<vmem>>)
      %dma_wait3A_942 = arith.constant 0 : i32
      %dma_wait3A_943 = arith.constant 0 : i32
      %dma_wait3A_944 = arith.constant 0 : i32
      %dma_wait3A_945 = arith.constant 0 : i32
      %dma_wait3A_946 = tpu.memref_slice %arg6[%dma_wait3A_942, %dma_wait3A_943, %dma_wait3A_944, %dma_wait3A_945] : memref<32x50x2x104xi32, #tpu.memory_space<hbm>> -> memref<1x1x2x104xi32, #tpu.memory_space<hbm>>
      %dma_wait3A_947 = tpu.memref_squeeze %dma_wait3A_946 : memref<1x1x2x104xi32, #tpu.memory_space<hbm>> -> memref<2x104xi32, #tpu.memory_space<hbm>>
      %dma_wait3A_948 = arith.constant 0 : i32
      %dma_wait3A_949 = arith.constant 0 : i32
      %dma_wait3A_950 = tpu.memref_slice %arg6[%dma_wait3A_942, %dma_wait3A_943, %dma_wait3A_948, %dma_wait3A_949] : memref<32x50x2x104xi32, #tpu.memory_space<hbm>> -> memref<1x1x2x104xi32, #tpu.memory_space<hbm>>
      %dma_wait3A_951 = tpu.memref_squeeze %dma_wait3A_950 : memref<1x1x2x104xi32, #tpu.memory_space<hbm>> -> memref<2x104xi32, #tpu.memory_space<hbm>>
      tpu.wait_dma2 semaphore(%arg25 : memref<!tpu.dma_semaphore, #tpu.memory_space<semaphore_mem>>) src(%dma_wait3A_951 : memref<2x104xi32, #tpu.memory_space<hbm>>) dst(%arg11 : memref<2x104xi32, #tpu.memory_space<vmem>>)
      %get3A_952 = arith.constant 0 : i32
      %get3A_953 = arith.index_cast %get3A_952 : i32 to index
      %get3A_954 = arith.constant 0 : index
      %get3A_955 = tpu.vector_load %arg11[%get3A_953, %get3A_954] {strides = array<i32>} : memref<2x104xi32, #tpu.memory_space<vmem>>, vector<16xi32>,
      %mul3A_956 = arith.constant 10000 : i32
      %mul3A_957 = vector.broadcast %mul3A_956 : i32 to vector<16xi32>
      %mul3A_958 = arith.muli %get3A_955, %mul3A_957 : vector<16xi32>
      %get3A_959 = arith.constant 0 : i32
      %get3A_960 = arith.index_cast %get3A_959 : i32 to index
      %get3A_961 = arith.constant 0 : index
      %get3A_962 = tpu.vector_load %arg9[%get3A_960, %get3A_961] {strides = array<i32>} : memref<2x104xi32, #tpu.memory_space<vmem>>, vector<16xi32>,
      %add3A_963 = arith.addi %mul3A_958, %get3A_962 : vector<16xi32>
      %swap3A_964 = arith.constant 0 : i32
      %swap3A_965 = arith.index_cast %swap3A_964 : i32 to index
      %swap3A_966 = arith.constant 0 : index
      %swap3A_967 = tpu.vector_load %arg9[%swap3A_965, %swap3A_966] {strides = array<i32>} : memref<2x104xi32, #tpu.memory_space<vmem>>, vector<16xi32>,
      tpu.vector_store %arg9[%swap3A_965, %swap3A_966], %add3A_963 {strides = array<i32>} : memref<2x104xi32, #tpu.memory_space<vmem>>, vector<16xi32>,
      %get3A_968 = arith.constant 0 : i32
      %get3A_969 = arith.index_cast %get3A_968 : i32 to index
      %get3A_970 = arith.constant 0 : index
      %get3A_971 = tpu.vector_load %arg10[%get3A_969, %get3A_970] {strides = array<i32>} : memref<2x104xi32, #tpu.memory_space<vmem>>, vector<16xi32>,
      %add3A_972 = arith.addi %mul3A_958, %get3A_971 : vector<16xi32>
      %swap3A_973 = arith.constant 0 : i32
      %swap3A_974 = arith.index_cast %swap3A_973 : i32 to index
      %swap3A_975 = arith.constant 0 : index
      %swap3A_976 = tpu.vector_load %arg11[%swap3A_974, %swap3A_975] {strides = array<i32>} : memref<2x104xi32, #tpu.memory_space<vmem>>, vector<16xi32>,
      tpu.vector_store %arg11[%swap3A_974, %swap3A_975], %add3A_972 {strides = array<i32>} : memref<2x104xi32, #tpu.memory_space<vmem>>, vector<16xi32>,
      %get3A_977 = arith.constant 0 : i32
      %get3A_978 = arith.index_cast %get3A_977 : i32 to index
      %get3A_979 = arith.constant 16 : index
      %get3A_980 = tpu.vector_load %arg11[%get3A_978, %get3A_979] {strides = array<i32>} : memref<2x104xi32, #tpu.memory_space<vmem>>, vector<16xi32>,
      %mul3A_981 = arith.constant 10000 : i32
      %mul3A_982 = vector.broadcast %mul3A_981 : i32 to vector<16xi32>
      %mul3A_983 = arith.muli %get3A_980, %mul3A_982 : vector<16xi32>
      %get3A_984 = arith.constant 0 : i32
      %get3A_985 = arith.index_cast %get3A_984 : i32 to index
      %get3A_986 = arith.constant 16 : index
      %get3A_987 = tpu.vector_load %arg9[%get3A_985, %get3A_986] {strides = array<i32>} : memref<2x104xi32, #tpu.memory_space<vmem>>, vector<16xi32>,
      %add3A_988 = arith.addi %mul3A_983, %get3A_987 : vector<16xi32>
      %swap3A_989 = arith.constant 0 : i32
      %swap3A_990 = arith.index_cast %swap3A_989 : i32 to index
      %swap3A_991 = arith.constant 16 : index
      %swap3A_992 = tpu.vector_load %arg9[%swap3A_990, %swap3A_991] {strides = array<i32>} : memref<2x104xi32, #tpu.memory_space<vmem>>, vector<16xi32>,
      tpu.vector_store %arg9[%swap3A_990, %swap3A_991], %add3A_988 {strides = array<i32>} : memref<2x104xi32, #tpu.memory_space<vmem>>, vector<16xi32>,
      %get3A_993 = arith.constant 0 : i32
      %get3A_994 = arith.index_cast %get3A_993 : i32 to index
      %get3A_995 = arith.constant 16 : index
      %get3A_996 = tpu.vector_load %arg10[%get3A_994, %get3A_995] {strides = array<i32>} : memref<2x104xi32, #tpu.memory_space<vmem>>, vector<16xi32>,
      %add3A_997 = arith.addi %mul3A_983, %get3A_996 : vector<16xi32>
      %swap3A_998 = arith.constant 0 : i32
      %swap3A_999 = arith.index_cast %swap3A_998 : i32 to index
      %swap3A_1000 = arith.constant 16 : index
      %swap3A_1001 = tpu.vector_load %arg11[%swap3A_999, %swap3A_1000] {strides = array<i32>} : memref<2x104xi32, #tpu.memory_space<vmem>>, vector<16xi32>,
      tpu.vector_store %arg11[%swap3A_999, %swap3A_1000], %add3A_997 {strides = array<i32>} : memref<2x104xi32, #tpu.memory_space<vmem>>, vector<16xi32>,
      %get3A_1002 = arith.constant 0 : i32
      %get3A_1003 = arith.index_cast %get3A_1002 : i32 to index
      %get3A_1004 = arith.constant 32 : index
      %get3A_1005 = tpu.vector_load %arg11[%get3A_1003, %get3A_1004] {strides = array<i32>} : memref<2x104xi32, #tpu.memory_space<vmem>>, vector<16xi32>,
      %mul3A_1006 = arith.constant 10000 : i32
      %mul3A_1007 = vector.broadcast %mul3A_1006 : i32 to vector<16xi32>
      %mul3A_1008 = arith.muli %get3A_1005, %mul3A_1007 : vector<16xi32>
      %get3A_1009 = arith.constant 0 : i32
      %get3A_1010 = arith.index_cast %get3A_1009 : i32 to index
      %get3A_1011 = arith.constant 32 : index
      %get3A_1012 = tpu.vector_load %arg9[%get3A_1010, %get3A_1011] {strides = array<i32>} : memref<2x104xi32, #tpu.memory_space<vmem>>, vector<16xi32>,
      %add3A_1013 = arith.addi %mul3A_1008, %get3A_1012 : vector<16xi32>
      %swap3A_1014 = arith.constant 0 : i32
      %swap3A_1015 = arith.index_cast %swap3A_1014 : i32 to index
      %swap3A_1016 = arith.constant 32 : index
      %swap3A_1017 = tpu.vector_load %arg9[%swap3A_1015, %swap3A_1016] {strides = array<i32>} : memref<2x104xi32, #tpu.memory_space<vmem>>, vector<16xi32>,
      tpu.vector_store %arg9[%swap3A_1015, %swap3A_1016], %add3A_1013 {strides = array<i32>} : memref<2x104xi32, #tpu.memory_space<vmem>>, vector<16xi32>,
      %get3A_1018 = arith.constant 0 : i32
      %get3A_1019 = arith.index_cast %get3A_1018 : i32 to index
      %get3A_1020 = arith.constant 32 : index
      %get3A_1021 = tpu.vector_load %arg10[%get3A_1019, %get3A_1020] {strides = array<i32>} : memref<2x104xi32, #tpu.memory_space<vmem>>, vector<16xi32>,
      %add3A_1022 = arith.addi %mul3A_1008, %get3A_1021 : vector<16xi32>
      %swap3A_1023 = arith.constant 0 : i32
      %swap3A_1024 = arith.index_cast %swap3A_1023 : i32 to index
      %swap3A_1025 = arith.constant 32 : index
      %swap3A_1026 = tpu.vector_load %arg11[%swap3A_1024, %swap3A_1025] {strides = array<i32>} : memref<2x104xi32, #tpu.memory_space<vmem>>, vector<16xi32>,
      tpu.vector_store %arg11[%swap3A_1024, %swap3A_1025], %add3A_1022 {strides = array<i32>} : memref<2x104xi32, #tpu.memory_space<vmem>>, vector<16xi32>,
      %get3A_1027 = arith.constant 0 : i32
      %get3A_1028 = arith.index_cast %get3A_1027 : i32 to index
      %get3A_1029 = arith.constant 48 : index
      %get3A_1030 = tpu.vector_load %arg11[%get3A_1028, %get3A_1029] {strides = array<i32>} : memref<2x104xi32, #tpu.memory_space<vmem>>, vector<16xi32>,
      %mul3A_1031 = arith.constant 10000 : i32
      %mul3A_1032 = vector.broadcast %mul3A_1031 : i32 to vector<16xi32>
      %mul3A_1033 = arith.muli %get3A_1030, %mul3A_1032 : vector<16xi32>
      %get3A_1034 = arith.constant 0 : i32
      %get3A_1035 = arith.index_cast %get3A_1034 : i32 to index
      %get3A_1036 = arith.constant 48 : index
      %get3A_1037 = tpu.vector_load %arg9[%get3A_1035, %get3A_1036] {strides = array<i32>} : memref<2x104xi32, #tpu.memory_space<vmem>>, vector<16xi32>,
      %add3A_1038 = arith.addi %mul3A_1033, %get3A_1037 : vector<16xi32>
      %swap3A_1039 = arith.constant 0 : i32
      %swap3A_1040 = arith.index_cast %swap3A_1039 : i32 to index
      %swap3A_1041 = arith.constant 48 : index
      %swap3A_1042 = tpu.vector_load %arg9[%swap3A_1040, %swap3A_1041] {strides = array<i32>} : memref<2x104xi32, #tpu.memory_space<vmem>>, vector<16xi32>,
      tpu.vector_store %arg9[%swap3A_1040, %swap3A_1041], %add3A_1038 {strides = array<i32>} : memref<2x104xi32, #tpu.memory_space<vmem>>, vector<16xi32>,
      %get3A_1043 = arith.constant 0 : i32
      %get3A_1044 = arith.index_cast %get3A_1043 : i32 to index
      %get3A_1045 = arith.constant 48 : index
      %get3A_1046 = tpu.vector_load %arg10[%get3A_1044, %get3A_1045] {strides = array<i32>} : memref<2x104xi32, #tpu.memory_space<vmem>>, vector<16xi32>,
      %add3A_1047 = arith.addi %mul3A_1033, %get3A_1046 : vector<16xi32>
      %swap3A_1048 = arith.constant 0 : i32
      %swap3A_1049 = arith.index_cast %swap3A_1048 : i32 to index
      %swap3A_1050 = arith.constant 48 : index
      %swap3A_1051 = tpu.vector_load %arg11[%swap3A_1049, %swap3A_1050] {strides = array<i32>} : memref<2x104xi32, #tpu.memory_space<vmem>>, vector<16xi32>,
      tpu.vector_store %arg11[%swap3A_1049, %swap3A_1050], %add3A_1047 {strides = array<i32>} : memref<2x104xi32, #tpu.memory_space<vmem>>, vector<16xi32>,
      %get3A_1052 = arith.constant 0 : i32
      %get3A_1053 = arith.index_cast %get3A_1052 : i32 to index
      %get3A_1054 = arith.constant 64 : index
      %get3A_1055 = tpu.vector_load %arg11[%get3A_1053, %get3A_1054] {strides = array<i32>} : memref<2x104xi32, #tpu.memory_space<vmem>>, vector<16xi32>,
      %mul3A_1056 = arith.constant 10000 : i32
      %mul3A_1057 = vector.broadcast %mul3A_1056 : i32 to vector<16xi32>
      %mul3A_1058 = arith.muli %get3A_1055, %mul3A_1057 : vector<16xi32>
      %get3A_1059 = arith.constant 0 : i32
      %get3A_1060 = arith.index_cast %get3A_1059 : i32 to index
      %get3A_1061 = arith.constant 64 : index
      %get3A_1062 = tpu.vector_load %arg9[%get3A_1060, %get3A_1061] {strides = array<i32>} : memref<2x104xi32, #tpu.memory_space<vmem>>, vector<16xi32>,
      %add3A_1063 = arith.addi %mul3A_1058, %get3A_1062 : vector<16xi32>
      %swap3A_1064 = arith.constant 0 : i32
      %swap3A_1065 = arith.index_cast %swap3A_1064 : i32 to index
      %swap3A_1066 = arith.constant 64 : index
      %swap3A_1067 = tpu.vector_load %arg9[%swap3A_1065, %swap3A_1066] {strides = array<i32>} : memref<2x104xi32, #tpu.memory_space<vmem>>, vector<16xi32>,
      tpu.vector_store %arg9[%swap3A_1065, %swap3A_1066], %add3A_1063 {strides = array<i32>} : memref<2x104xi32, #tpu.memory_space<vmem>>, vector<16xi32>,
      %get3A_1068 = arith.constant 0 : i32
      %get3A_1069 = arith.index_cast %get3A_1068 : i32 to index
      %get3A_1070 = arith.constant 64 : index
      %get3A_1071 = tpu.vector_load %arg10[%get3A_1069, %get3A_1070] {strides = array<i32>} : memref<2x104xi32, #tpu.memory_space<vmem>>, vector<16xi32>,
      %add3A_1072 = arith.addi %mul3A_1058, %get3A_1071 : vector<16xi32>
      %swap3A_1073 = arith.constant 0 : i32
      %swap3A_1074 = arith.index_cast %swap3A_1073 : i32 to index
      %swap3A_1075 = arith.constant 64 : index
      %swap3A_1076 = tpu.vector_load %arg11[%swap3A_1074, %swap3A_1075] {strides = array<i32>} : memref<2x104xi32, #tpu.memory_space<vmem>>, vector<16xi32>,
      tpu.vector_store %arg11[%swap3A_1074, %swap3A_1075], %add3A_1072 {strides = array<i32>} : memref<2x104xi32, #tpu.memory_space<vmem>>, vector<16xi32>,
      %get3A_1077 = arith.constant 0 : i32
      %get3A_1078 = arith.index_cast %get3A_1077 : i32 to index
      %get3A_1079 = arith.constant 80 : index
      %get3A_1080 = tpu.vector_load %arg11[%get3A_1078, %get3A_1079] {strides = array<i32>} : memref<2x104xi32, #tpu.memory_space<vmem>>, vector<16xi32>,
      %mul3A_1081 = arith.constant 10000 : i32
      %mul3A_1082 = vector.broadcast %mul3A_1081 : i32 to vector<16xi32>
      %mul3A_1083 = arith.muli %get3A_1080, %mul3A_1082 : vector<16xi32>
      %get3A_1084 = arith.constant 0 : i32
      %get3A_1085 = arith.index_cast %get3A_1084 : i32 to index
      %get3A_1086 = arith.constant 80 : index
      %get3A_1087 = tpu.vector_load %arg9[%get3A_1085, %get3A_1086] {strides = array<i32>} : memref<2x104xi32, #tpu.memory_space<vmem>>, vector<16xi32>,
      %add3A_1088 = arith.addi %mul3A_1083, %get3A_1087 : vector<16xi32>
      %swap3A_1089 = arith.constant 0 : i32
      %swap3A_1090 = arith.index_cast %swap3A_1089 : i32 to index
      %swap3A_1091 = arith.constant 80 : index
      %swap3A_1092 = tpu.vector_load %arg9[%swap3A_1090, %swap3A_1091] {strides = array<i32>} : memref<2x104xi32, #tpu.memory_space<vmem>>, vector<16xi32>,
      tpu.vector_store %arg9[%swap3A_1090, %swap3A_1091], %add3A_1088 {strides = array<i32>} : memref<2x104xi32, #tpu.memory_space<vmem>>, vector<16xi32>,
      %get3A_1093 = arith.constant 0 : i32
      %get3A_1094 = arith.index_cast %get3A_1093 : i32 to index
      %get3A_1095 = arith.constant 80 : index
      %get3A_1096 = tpu.vector_load %arg10[%get3A_1094, %get3A_1095] {strides = array<i32>} : memref<2x104xi32, #tpu.memory_space<vmem>>, vector<16xi32>,
      %add3A_1097 = arith.addi %mul3A_1083, %get3A_1096 : vector<16xi32>
      %swap3A_1098 = arith.constant 0 : i32
      %swap3A_1099 = arith.index_cast %swap3A_1098 : i32 to index
      %swap3A_1100 = arith.constant 80 : index
      %swap3A_1101 = tpu.vector_load %arg11[%swap3A_1099, %swap3A_1100] {strides = array<i32>} : memref<2x104xi32, #tpu.memory_space<vmem>>, vector<16xi32>,
      tpu.vector_store %arg11[%swap3A_1099, %swap3A_1100], %add3A_1097 {strides = array<i32>} : memref<2x104xi32, #tpu.memory_space<vmem>>, vector<16xi32>,
      %dma_start3A_1102 = arith.constant 0 : i32
      %dma_start3A_1103 = arith.constant 0 : i32
      %dma_start3A_1104 = tpu.memref_slice %arg9[%dma_start3A_1102, %dma_start3A_1103] : memref<2x104xi32, #tpu.memory_space<vmem>> -> memref<1x104xi32, #tpu.memory_space<vmem>>
      %dma_start3A_1105 = tpu.memref_squeeze %dma_start3A_1104 : memref<1x104xi32, #tpu.memory_space<vmem>> -> memref<104xi32, #tpu.memory_space<vmem>>
      %dma_start3A_1106 = arith.constant 0 : i32
      %dma_start3A_1107 = arith.constant 0 : i32
      %dma_start3A_1108 = tpu.memref_slice %arg2[%dma_start3A_1106, %dma_start3A_1107] : memref<40000x160xbf16, #tpu.memory_space<hbm>> -> memref<40000x160xbf16, #tpu.memory_space<hbm>>
      tpu.enqueue_indirect_dma source(%dma_start3A_1108 : memref<40000x160xbf16, #tpu.memory_space<hbm>>) target(%arg15 : memref<104x160xbf16, #tpu.memory_space<vmem>>) offsets(%dma_start3A_1105 : memref<104xi32, #tpu.memory_space<vmem>>) semaphore(%arg21 : memref<!tpu.dma_semaphore, #tpu.memory_space<semaphore_mem>>)
      %dma_start3A_1109 = arith.constant 0 : i32
      %dma_start3A_1110 = arith.constant 0 : i32
      %dma_start3A_1111 = tpu.memref_slice %arg11[%dma_start3A_1109, %dma_start3A_1110] : memref<2x104xi32, #tpu.memory_space<vmem>> -> memref<1x104xi32, #tpu.memory_space<vmem>>
      %dma_start3A_1112 = tpu.memref_squeeze %dma_start3A_1111 : memref<1x104xi32, #tpu.memory_space<vmem>> -> memref<104xi32, #tpu.memory_space<vmem>>
      %dma_start3A_1113 = arith.constant 0 : i32
      %dma_start3A_1114 = arith.constant 0 : i32
      %dma_start3A_1115 = tpu.memref_slice %arg3[%dma_start3A_1113, %dma_start3A_1114] : memref<40000x16xf32, #tpu.memory_space<hbm>> -> memref<40000x16xf32, #tpu.memory_space<hbm>>
      tpu.enqueue_indirect_dma source(%dma_start3A_1115 : memref<40000x16xf32, #tpu.memory_space<hbm>>) target(%arg17 : memref<104x16xf32, #tpu.memory_space<vmem>>) offsets(%dma_start3A_1112 : memref<104xi32, #tpu.memory_space<vmem>>) semaphore(%arg23 : memref<!tpu.dma_semaphore, #tpu.memory_space<semaphore_mem>>)
      %dma_wait3A_1116 = arith.constant 0 : i32
      %dma_wait3A_1117 = arith.constant 0 : i32
      %dma_wait3A_1118 = tpu.memref_slice %arg9[%dma_wait3A_1116, %dma_wait3A_1117] : memref<2x104xi32, #tpu.memory_space<vmem>> -> memref<1x104xi32, #tpu.memory_space<vmem>>
      %dma_wait3A_1119 = tpu.memref_squeeze %dma_wait3A_1118 : memref<1x104xi32, #tpu.memory_space<vmem>> -> memref<104xi32, #tpu.memory_space<vmem>>
      %dma_wait3A_1120 = arith.constant 0 : i32
      %dma_wait3A_1121 = arith.constant 0 : i32
      %dma_wait3A_1122 = tpu.memref_slice %arg2[%dma_wait3A_1120, %dma_wait3A_1121] : memref<40000x160xbf16, #tpu.memory_space<hbm>> -> memref<40000x160xbf16, #tpu.memory_space<hbm>>
      tpu.wait_indirect_dma semaphore(%arg22 : memref<!tpu.dma_semaphore, #tpu.memory_space<semaphore_mem>>) src(%dma_wait3A_1122 : memref<40000x160xbf16, #tpu.memory_space<hbm>>) dst(%arg16 : memref<104x160xbf16, #tpu.memory_space<vmem>>)
      %dma_wait3A_1123 = arith.constant 0 : i32
      %dma_wait3A_1124 = arith.constant 0 : i32
      %dma_wait3A_1125 = tpu.memref_slice %arg11[%dma_wait3A_1123, %dma_wait3A_1124] : memref<2x104xi32, #tpu.memory_space<vmem>> -> memref<1x104xi32, #tpu.memory_space<vmem>>
      %dma_wait3A_1126 = tpu.memref_squeeze %dma_wait3A_1125 : memref<1x104xi32, #tpu.memory_space<vmem>> -> memref<104xi32, #tpu.memory_space<vmem>>
      %dma_wait3A_1127 = arith.constant 0 : i32
      %dma_wait3A_1128 = arith.constant 0 : i32
      %dma_wait3A_1129 = tpu.memref_slice %arg3[%dma_wait3A_1127, %dma_wait3A_1128] : memref<40000x16xf32, #tpu.memory_space<hbm>> -> memref<40000x16xf32, #tpu.memory_space<hbm>>
      tpu.wait_indirect_dma semaphore(%arg24 : memref<!tpu.dma_semaphore, #tpu.memory_space<semaphore_mem>>) src(%dma_wait3A_1129 : memref<40000x16xf32, #tpu.memory_space<hbm>>) dst(%arg18 : memref<104x16xf32, #tpu.memory_space<vmem>>)
      %broadcast_in_dim3A_1130 = arith.constant -65536 : i32
      %broadcast_in_dim3A_1131 = vector.broadcast %broadcast_in_dim3A_1130 : i32 to vector<16xi32>
      %scan3A_1132 = arith.constant 0 : i32
      %scan3A_1133 = arith.constant 0 : i32
      %scan3A_1134 = arith.constant 104 : i32
      %scan3A_1135 = arith.addi %scan3A_1133, %scan3A_1134 : i32
      %scan3A_1136 = arith.constant 1 : i32
      scf.for %scan3A_1169 = %scan3A_1133 to %scan3A_1135 step %scan3A_1136  : i32 {
        %get3A_1170 = arith.index_cast %scan3A_1169 : i32 to index
        %get3A_1171 = arith.constant 128 : index
        %get3A_1172 = tpu.vector_load %arg16[%get3A_1170, %get3A_1171] {strides = array<i32>} : memref<104x160xbf16, #tpu.memory_space<vmem>>, vector<32xbf16>,
        %bitcast3A = vector.bitcast %get3A_1172 : vector<32xbf16> to vector<16xf32>
        %get3A_1173 = arith.index_cast %scan3A_1169 : i32 to index
        %get3A_1174 = arith.constant 0 : index
        %get3A_1175 = tpu.vector_load %arg18[%get3A_1173, %get3A_1174] {strides = array<i32>} : memref<104x16xf32, #tpu.memory_space<vmem>>, vector<16xf32>,
        %add3A_1176 = arith.addf %bitcast3A, %get3A_1175 : vector<16xf32>
        %ge3A = arith.constant 0.000000e+00 : f32
        %ge3A_1177 = vector.broadcast %ge3A : f32 to vector<16xf32>
        %ge3A_1178 = arith.cmpf oge, %add3A_1176, %ge3A_1177 : vector<16xf32>
        %mul3A_1179 = arith.constant 2.000000e-01 : f32
        %mul3A_1180 = vector.broadcast %mul3A_1179 : f32 to vector<16xf32>
        %mul3A_1181 = arith.mulf %mul3A_1180, %add3A_1176 : vector<16xf32>
        %select_n3A = arith.select %ge3A_1178, %add3A_1176, %mul3A_1181 : vector<16xi1>, vector<16xf32>
        %exp3A = math.exp %select_n3A : vector<16xf32>
        %lt3A = arith.constant 4 : i32
        %lt3A_1182 = vector.broadcast %lt3A : i32 to vector<16xi32>
        %lt3A_1183 = arith.cmpi slt, %iota3A, %lt3A_1182 : vector<16xi32>
        %jit3A = arith.constant 0.000000e+00 : f32
        %broadcast_in_dim3A_1184 = vector.broadcast %jit3A : f32 to vector<16xf32>
        %select_n3A_1185 = arith.select %lt3A_1183, %exp3A, %broadcast_in_dim3A_1184 : vector<16xi1>, vector<16xf32>
        %broadcast_in_dim3A_1186 = arith.constant 0 : i32
        %broadcast_in_dim3A_1187 = vector.broadcast %broadcast_in_dim3A_1186 : i32 to vector<16x1xi32>
        %gather3A = vector.shape_cast %broadcast_in_dim3A_1187 : vector<16x1xi32> to vector<16xi32>
        %gather3A_1188 = tpu.dynamic_gather %exp3A[%gather3A] in [0] : vector<16xf32>, vector<16xi32> -> vector<16xf32>
        %get3A_1189 = arith.index_cast %scan3A_1169 : i32 to index
        %get3A_1190 = arith.constant 0 : index
        %get3A_1191 = tpu.vector_load %arg16[%get3A_1189, %get3A_1190] {strides = array<i32>} : memref<104x160xbf16, #tpu.memory_space<vmem>>, vector<32xbf16>,
        %bitcast3A_1192 = vector.bitcast %get3A_1191 : vector<32xbf16> to vector<16xi32>
        %shift_left3A = arith.constant 16 : i32
        %shift_left3A_1193 = vector.broadcast %shift_left3A : i32 to vector<16xi32>
        %shift_left3A_1194 = arith.shli %bitcast3A_1192, %shift_left3A_1193 : vector<16xi32>
        %bitcast3A_1195 = vector.bitcast %shift_left3A_1194 : vector<16xi32> to vector<16xf32>
        %and3A = arith.andi %bitcast3A_1192, %broadcast_in_dim3A_1131 : vector<16xi32>
        %bitcast3A_1196 = vector.bitcast %and3A : vector<16xi32> to vector<16xf32>
        %mul3A_1197 = arith.mulf %bitcast3A_1195, %gather3A_1188 : vector<16xf32>
        %swap3A_1198 = arith.index_cast %scan3A_1169 : i32 to index
        %swap3A_1199 = arith.constant 0 : index
        %swap3A_1200 = tpu.vector_load %arg19[%swap3A_1198, %swap3A_1199] {strides = array<i32>} : memref<104x144xf32, #tpu.memory_space<vmem>>, vector<16xf32>,
        tpu.vector_store %arg19[%swap3A_1198, %swap3A_1199], %mul3A_1197 {strides = array<i32>} : memref<104x144xf32, #tpu.memory_space<vmem>>, vector<16xf32>,
        %mul3A_1201 = arith.mulf %bitcast3A_1196, %gather3A_1188 : vector<16xf32>
        %swap3A_1202 = arith.index_cast %scan3A_1169 : i32 to index
        %swap3A_1203 = arith.constant 16 : index
        %swap3A_1204 = tpu.vector_load %arg19[%swap3A_1202, %swap3A_1203] {strides = array<i32>} : memref<104x144xf32, #tpu.memory_space<vmem>>, vector<16xf32>,
        tpu.vector_store %arg19[%swap3A_1202, %swap3A_1203], %mul3A_1201 {strides = array<i32>} : memref<104x144xf32, #tpu.memory_space<vmem>>, vector<16xf32>,
        %broadcast_in_dim3A_1205 = arith.constant 1 : i32
        %broadcast_in_dim3A_1206 = vector.broadcast %broadcast_in_dim3A_1205 : i32 to vector<16x1xi32>
        %gather3A_1207 = vector.shape_cast %broadcast_in_dim3A_1206 : vector<16x1xi32> to vector<16xi32>
        %gather3A_1208 = tpu.dynamic_gather %exp3A[%gather3A_1207] in [0] : vector<16xf32>, vector<16xi32> -> vector<16xf32>
        %get3A_1209 = arith.index_cast %scan3A_1169 : i32 to index
        %get3A_1210 = arith.constant 32 : index
        %get3A_1211 = tpu.vector_load %arg16[%get3A_1209, %get3A_1210] {strides = array<i32>} : memref<104x160xbf16, #tpu.memory_space<vmem>>, vector<32xbf16>,
        %bitcast3A_1212 = vector.bitcast %get3A_1211 : vector<32xbf16> to vector<16xi32>
        %shift_left3A_1213 = arith.constant 16 : i32
        %shift_left3A_1214 = vector.broadcast %shift_left3A_1213 : i32 to vector<16xi32>
        %shift_left3A_1215 = arith.shli %bitcast3A_1212, %shift_left3A_1214 : vector<16xi32>
        %bitcast3A_1216 = vector.bitcast %shift_left3A_1215 : vector<16xi32> to vector<16xf32>
        %and3A_1217 = arith.andi %bitcast3A_1212, %broadcast_in_dim3A_1131 : vector<16xi32>
        %bitcast3A_1218 = vector.bitcast %and3A_1217 : vector<16xi32> to vector<16xf32>
        %mul3A_1219 = arith.mulf %bitcast3A_1216, %gather3A_1208 : vector<16xf32>
        %swap3A_1220 = arith.index_cast %scan3A_1169 : i32 to index
        %swap3A_1221 = arith.constant 32 : index
        %swap3A_1222 = tpu.vector_load %arg19[%swap3A_1220, %swap3A_1221] {strides = array<i32>} : memref<104x144xf32, #tpu.memory_space<vmem>>, vector<16xf32>,
        tpu.vector_store %arg19[%swap3A_1220, %swap3A_1221], %mul3A_1219 {strides = array<i32>} : memref<104x144xf32, #tpu.memory_space<vmem>>, vector<16xf32>,
        %mul3A_1223 = arith.mulf %bitcast3A_1218, %gather3A_1208 : vector<16xf32>
        %swap3A_1224 = arith.index_cast %scan3A_1169 : i32 to index
        %swap3A_1225 = arith.constant 48 : index
        %swap3A_1226 = tpu.vector_load %arg19[%swap3A_1224, %swap3A_1225] {strides = array<i32>} : memref<104x144xf32, #tpu.memory_space<vmem>>, vector<16xf32>,
        tpu.vector_store %arg19[%swap3A_1224, %swap3A_1225], %mul3A_1223 {strides = array<i32>} : memref<104x144xf32, #tpu.memory_space<vmem>>, vector<16xf32>,
        %broadcast_in_dim3A_1227 = arith.constant 2 : i32
        %broadcast_in_dim3A_1228 = vector.broadcast %broadcast_in_dim3A_1227 : i32 to vector<16x1xi32>
        %gather3A_1229 = vector.shape_cast %broadcast_in_dim3A_1228 : vector<16x1xi32> to vector<16xi32>
        %gather3A_1230 = tpu.dynamic_gather %exp3A[%gather3A_1229] in [0] : vector<16xf32>, vector<16xi32> -> vector<16xf32>
        %get3A_1231 = arith.index_cast %scan3A_1169 : i32 to index
        %get3A_1232 = arith.constant 64 : index
        %get3A_1233 = tpu.vector_load %arg16[%get3A_1231, %get3A_1232] {strides = array<i32>} : memref<104x160xbf16, #tpu.memory_space<vmem>>, vector<32xbf16>,
        %bitcast3A_1234 = vector.bitcast %get3A_1233 : vector<32xbf16> to vector<16xi32>
        %shift_left3A_1235 = arith.constant 16 : i32
        %shift_left3A_1236 = vector.broadcast %shift_left3A_1235 : i32 to vector<16xi32>
        %shift_left3A_1237 = arith.shli %bitcast3A_1234, %shift_left3A_1236 : vector<16xi32>
        %bitcast3A_1238 = vector.bitcast %shift_left3A_1237 : vector<16xi32> to vector<16xf32>
        %and3A_1239 = arith.andi %bitcast3A_1234, %broadcast_in_dim3A_1131 : vector<16xi32>
        %bitcast3A_1240 = vector.bitcast %and3A_1239 : vector<16xi32> to vector<16xf32>
        %mul3A_1241 = arith.mulf %bitcast3A_1238, %gather3A_1230 : vector<16xf32>
        %swap3A_1242 = arith.index_cast %scan3A_1169 : i32 to index
        %swap3A_1243 = arith.constant 64 : index
        %swap3A_1244 = tpu.vector_load %arg19[%swap3A_1242, %swap3A_1243] {strides = array<i32>} : memref<104x144xf32, #tpu.memory_space<vmem>>, vector<16xf32>,
        tpu.vector_store %arg19[%swap3A_1242, %swap3A_1243], %mul3A_1241 {strides = array<i32>} : memref<104x144xf32, #tpu.memory_space<vmem>>, vector<16xf32>,
        %mul3A_1245 = arith.mulf %bitcast3A_1240, %gather3A_1230 : vector<16xf32>
        %swap3A_1246 = arith.index_cast %scan3A_1169 : i32 to index
        %swap3A_1247 = arith.constant 80 : index
        %swap3A_1248 = tpu.vector_load %arg19[%swap3A_1246, %swap3A_1247] {strides = array<i32>} : memref<104x144xf32, #tpu.memory_space<vmem>>, vector<16xf32>,
        tpu.vector_store %arg19[%swap3A_1246, %swap3A_1247], %mul3A_1245 {strides = array<i32>} : memref<104x144xf32, #tpu.memory_space<vmem>>, vector<16xf32>,
        %broadcast_in_dim3A_1249 = arith.constant 3 : i32
        %broadcast_in_dim3A_1250 = vector.broadcast %broadcast_in_dim3A_1249 : i32 to vector<16x1xi32>
        %gather3A_1251 = vector.shape_cast %broadcast_in_dim3A_1250 : vector<16x1xi32> to vector<16xi32>
        %gather3A_1252 = tpu.dynamic_gather %exp3A[%gather3A_1251] in [0] : vector<16xf32>, vector<16xi32> -> vector<16xf32>
        %get3A_1253 = arith.index_cast %scan3A_1169 : i32 to index
        %get3A_1254 = arith.constant 96 : index
        %get3A_1255 = tpu.vector_load %arg16[%get3A_1253, %get3A_1254] {strides = array<i32>} : memref<104x160xbf16, #tpu.memory_space<vmem>>, vector<32xbf16>,
        %bitcast3A_1256 = vector.bitcast %get3A_1255 : vector<32xbf16> to vector<16xi32>
        %shift_left3A_1257 = arith.constant 16 : i32
        %shift_left3A_1258 = vector.broadcast %shift_left3A_1257 : i32 to vector<16xi32>
        %shift_left3A_1259 = arith.shli %bitcast3A_1256, %shift_left3A_1258 : vector<16xi32>
        %bitcast3A_1260 = vector.bitcast %shift_left3A_1259 : vector<16xi32> to vector<16xf32>
        %and3A_1261 = arith.andi %bitcast3A_1256, %broadcast_in_dim3A_1131 : vector<16xi32>
        %bitcast3A_1262 = vector.bitcast %and3A_1261 : vector<16xi32> to vector<16xf32>
        %mul3A_1263 = arith.mulf %bitcast3A_1260, %gather3A_1252 : vector<16xf32>
        %swap3A_1264 = arith.index_cast %scan3A_1169 : i32 to index
        %swap3A_1265 = arith.constant 96 : index
        %swap3A_1266 = tpu.vector_load %arg19[%swap3A_1264, %swap3A_1265] {strides = array<i32>} : memref<104x144xf32, #tpu.memory_space<vmem>>, vector<16xf32>,
        tpu.vector_store %arg19[%swap3A_1264, %swap3A_1265], %mul3A_1263 {strides = array<i32>} : memref<104x144xf32, #tpu.memory_space<vmem>>, vector<16xf32>,
        %mul3A_1267 = arith.mulf %bitcast3A_1262, %gather3A_1252 : vector<16xf32>
        %swap3A_1268 = arith.index_cast %scan3A_1169 : i32 to index
        %swap3A_1269 = arith.constant 112 : index
        %swap3A_1270 = tpu.vector_load %arg19[%swap3A_1268, %swap3A_1269] {strides = array<i32>} : memref<104x144xf32, #tpu.memory_space<vmem>>, vector<16xf32>,
        tpu.vector_store %arg19[%swap3A_1268, %swap3A_1269], %mul3A_1267 {strides = array<i32>} : memref<104x144xf32, #tpu.memory_space<vmem>>, vector<16xf32>,
        %swap3A_1271 = arith.index_cast %scan3A_1169 : i32 to index
        %swap3A_1272 = arith.constant 128 : index
        %swap3A_1273 = tpu.vector_load %arg19[%swap3A_1271, %swap3A_1272] {strides = array<i32>} : memref<104x144xf32, #tpu.memory_space<vmem>>, vector<16xf32>,
        tpu.vector_store %arg19[%swap3A_1271, %swap3A_1272], %select_n3A_1185 {strides = array<i32>} : memref<104x144xf32, #tpu.memory_space<vmem>>, vector<16xf32>,
      }
      %scan3A_1137 = arith.constant 104 : i32
      %run_scoped3A_1138 = arith.constant 1 : i32
      "tpu.region"() ({
        %run_scoped3A_1169 = tpu.sem_alloc : memref<!tpu.dma_semaphore, #tpu.memory_space<semaphore_mem>>
        %dma_start3A_1170 = arith.constant 0 : i32
        %dma_start3A_1171 = tpu.memref_slice %arg13[%run_scoped3A_1138, %dma_start3A_1170] : memref<2x104xi32, #tpu.memory_space<vmem>> -> memref<1x104xi32, #tpu.memory_space<vmem>>
        %dma_start3A_1172 = tpu.memref_squeeze %dma_start3A_1171 : memref<1x104xi32, #tpu.memory_space<vmem>> -> memref<104xi32, #tpu.memory_space<vmem>>
        %dma_start3A_1173 = arith.constant 0 : i32
        %dma_start3A_1174 = arith.constant 0 : i32
        %dma_start3A_1175 = tpu.memref_slice %arg20[%dma_start3A_1173, %dma_start3A_1174] : memref<10112x144xf32, #tpu.memory_space<vmem_shared>> -> memref<10112x144xf32, #tpu.memory_space<vmem_shared>>
        tpu.enqueue_indirect_dma source(%arg19 : memref<104x144xf32, #tpu.memory_space<vmem>>) target(%dma_start3A_1175 : memref<10112x144xf32, #tpu.memory_space<vmem_shared>>) offsets(%dma_start3A_1172 : memref<104xi32, #tpu.memory_space<vmem>>) semaphore(%run_scoped3A_1169 : memref<!tpu.dma_semaphore, #tpu.memory_space<semaphore_mem>>) {add = true}
        %dma_wait3A_1176 = arith.constant 0 : i32
        %dma_wait3A_1177 = tpu.memref_slice %arg13[%run_scoped3A_1138, %dma_wait3A_1176] : memref<2x104xi32, #tpu.memory_space<vmem>> -> memref<1x104xi32, #tpu.memory_space<vmem>>
        %dma_wait3A_1178 = tpu.memref_squeeze %dma_wait3A_1177 : memref<1x104xi32, #tpu.memory_space<vmem>> -> memref<104xi32, #tpu.memory_space<vmem>>
        %dma_wait3A_1179 = arith.constant 0 : i32
        %dma_wait3A_1180 = arith.constant 0 : i32
        %dma_wait3A_1181 = tpu.memref_slice %arg20[%dma_wait3A_1179, %dma_wait3A_1180] : memref<10112x144xf32, #tpu.memory_space<vmem_shared>> -> memref<10112x144xf32, #tpu.memory_space<vmem_shared>>
        tpu.wait_indirect_dma semaphore(%run_scoped3A_1169 : memref<!tpu.dma_semaphore, #tpu.memory_space<semaphore_mem>>) src(%arg19 : memref<104x144xf32, #tpu.memory_space<vmem>>) dst(%dma_wait3A_1181 : memref<10112x144xf32, #tpu.memory_space<vmem_shared>>)
        tpu.yield
      }) : () -> ()
      %mul3A_1139 = arith.constant 2 : i32
      %mul3A_1140 = arith.muli %mul3A_1139, %scan3A_302 : i32
      %add3A_1141 = arith.constant 3 : i32
      %add3A_1142 = arith.addi %mul3A_1140, %add3A_1141 : i32
      %min3A_1143 = arith.constant 49 : i32
      %min3A_1144 = arith.minsi %add3A_1142, %min3A_1143 : i32
      %dma_start3A_1145 = arith.constant 0 : i32
      %dma_start3A_1146 = arith.constant 0 : i32
      %dma_start3A_1147 = tpu.memref_slice %arg4[%add3A, %min3A_1144, %dma_start3A_1145, %dma_start3A_1146] : memref<32x50x2x104xi32, #tpu.memory_space<hbm>> -> memref<1x1x2x104xi32, #tpu.memory_space<hbm>>
      %dma_start3A_1148 = tpu.memref_squeeze %dma_start3A_1147 : memref<1x1x2x104xi32, #tpu.memory_space<hbm>> -> memref<2x104xi32, #tpu.memory_space<hbm>>
      %dma_start3A_1149 = arith.constant 0 : i32
      %dma_start3A_1150 = arith.constant 0 : i32
      %dma_start3A_1151 = tpu.memref_slice %arg4[%add3A, %min3A_1144, %dma_start3A_1149, %dma_start3A_1150] : memref<32x50x2x104xi32, #tpu.memory_space<hbm>> -> memref<1x1x2x104xi32, #tpu.memory_space<hbm>>
      %dma_start3A_1152 = tpu.memref_squeeze %dma_start3A_1151 : memref<1x1x2x104xi32, #tpu.memory_space<hbm>> -> memref<2x104xi32, #tpu.memory_space<hbm>>
      tpu.enqueue_dma source(%dma_start3A_1152 : memref<2x104xi32, #tpu.memory_space<hbm>>) target(%arg12 : memref<2x104xi32, #tpu.memory_space<vmem>>) target_semaphore(%arg26 : memref<!tpu.dma_semaphore, #tpu.memory_space<semaphore_mem>>)
      %dma_start3A_1153 = arith.constant 0 : i32
      %dma_start3A_1154 = arith.constant 0 : i32
      %dma_start3A_1155 = tpu.memref_slice %arg5[%add3A, %min3A_1144, %dma_start3A_1153, %dma_start3A_1154] : memref<32x50x2x104xi32, #tpu.memory_space<hbm>> -> memref<1x1x2x104xi32, #tpu.memory_space<hbm>>
      %dma_start3A_1156 = tpu.memref_squeeze %dma_start3A_1155 : memref<1x1x2x104xi32, #tpu.memory_space<hbm>> -> memref<2x104xi32, #tpu.memory_space<hbm>>
      %dma_start3A_1157 = arith.constant 0 : i32
      %dma_start3A_1158 = arith.constant 0 : i32
      %dma_start3A_1159 = tpu.memref_slice %arg5[%add3A, %min3A_1144, %dma_start3A_1157, %dma_start3A_1158] : memref<32x50x2x104xi32, #tpu.memory_space<hbm>> -> memref<1x1x2x104xi32, #tpu.memory_space<hbm>>
      %dma_start3A_1160 = tpu.memref_squeeze %dma_start3A_1159 : memref<1x1x2x104xi32, #tpu.memory_space<hbm>> -> memref<2x104xi32, #tpu.memory_space<hbm>>
      tpu.enqueue_dma source(%dma_start3A_1160 : memref<2x104xi32, #tpu.memory_space<hbm>>) target(%arg13 : memref<2x104xi32, #tpu.memory_space<vmem>>) target_semaphore(%arg26 : memref<!tpu.dma_semaphore, #tpu.memory_space<semaphore_mem>>)
      %dma_start3A_1161 = arith.constant 0 : i32
      %dma_start3A_1162 = arith.constant 0 : i32
      %dma_start3A_1163 = tpu.memref_slice %arg6[%add3A, %min3A_1144, %dma_start3A_1161, %dma_start3A_1162] : memref<32x50x2x104xi32, #tpu.memory_space<hbm>> -> memref<1x1x2x104xi32, #tpu.memory_space<hbm>>
      %dma_start3A_1164 = tpu.memref_squeeze %dma_start3A_1163 : memref<1x1x2x104xi32, #tpu.memory_space<hbm>> -> memref<2x104xi32, #tpu.memory_space<hbm>>
      %dma_start3A_1165 = arith.constant 0 : i32
      %dma_start3A_1166 = arith.constant 0 : i32
      %dma_start3A_1167 = tpu.memref_slice %arg6[%add3A, %min3A_1144, %dma_start3A_1165, %dma_start3A_1166] : memref<32x50x2x104xi32, #tpu.memory_space<hbm>> -> memref<1x1x2x104xi32, #tpu.memory_space<hbm>>
      %dma_start3A_1168 = tpu.memref_squeeze %dma_start3A_1167 : memref<1x1x2x104xi32, #tpu.memory_space<hbm>> -> memref<2x104xi32, #tpu.memory_space<hbm>>
      tpu.enqueue_dma source(%dma_start3A_1168 : memref<2x104xi32, #tpu.memory_space<hbm>>) target(%arg14 : memref<2x104xi32, #tpu.memory_space<vmem>>) target_semaphore(%arg26 : memref<!tpu.dma_semaphore, #tpu.memory_space<semaphore_mem>>)
    }
    %scan3A_252 = arith.constant 25 : i32
    %dma_wait3A_253 = arith.constant 0 : i32
    %dma_wait3A_254 = arith.constant 0 : i32
    %dma_wait3A_255 = tpu.memref_slice %arg9[%dma_wait3A_253, %dma_wait3A_254] : memref<2x104xi32, #tpu.memory_space<vmem>> -> memref<1x104xi32, #tpu.memory_space<vmem>>
    %dma_wait3A_256 = tpu.memref_squeeze %dma_wait3A_255 : memref<1x104xi32, #tpu.memory_space<vmem>> -> memref<104xi32, #tpu.memory_space<vmem>>
    %dma_wait3A_257 = arith.constant 0 : i32
    %dma_wait3A_258 = arith.constant 0 : i32
    %dma_wait3A_259 = tpu.memref_slice %arg2[%dma_wait3A_257, %dma_wait3A_258] : memref<40000x160xbf16, #tpu.memory_space<hbm>> -> memref<40000x160xbf16, #tpu.memory_space<hbm>>
    tpu.wait_indirect_dma semaphore(%arg21 : memref<!tpu.dma_semaphore, #tpu.memory_space<semaphore_mem>>) src(%dma_wait3A_259 : memref<40000x160xbf16, #tpu.memory_space<hbm>>) dst(%arg15 : memref<104x160xbf16, #tpu.memory_space<vmem>>)
    %dma_wait3A_260 = arith.constant 0 : i32
    %dma_wait3A_261 = arith.constant 0 : i32
    %dma_wait3A_262 = tpu.memref_slice %arg11[%dma_wait3A_260, %dma_wait3A_261] : memref<2x104xi32, #tpu.memory_space<vmem>> -> memref<1x104xi32, #tpu.memory_space<vmem>>
    %dma_wait3A_263 = tpu.memref_squeeze %dma_wait3A_262 : memref<1x104xi32, #tpu.memory_space<vmem>> -> memref<104xi32, #tpu.memory_space<vmem>>
    %dma_wait3A_264 = arith.constant 0 : i32
    %dma_wait3A_265 = arith.constant 0 : i32
    %dma_wait3A_266 = tpu.memref_slice %arg3[%dma_wait3A_264, %dma_wait3A_265] : memref<40000x16xf32, #tpu.memory_space<hbm>> -> memref<40000x16xf32, #tpu.memory_space<hbm>>
    tpu.wait_indirect_dma semaphore(%arg23 : memref<!tpu.dma_semaphore, #tpu.memory_space<semaphore_mem>>) src(%dma_wait3A_266 : memref<40000x16xf32, #tpu.memory_space<hbm>>) dst(%arg17 : memref<104x16xf32, #tpu.memory_space<vmem>>)
    %dma_wait3A_267 = arith.constant 0 : i32
    %dma_wait3A_268 = arith.constant 0 : i32
    %dma_wait3A_269 = arith.constant 0 : i32
    %dma_wait3A_270 = arith.constant 0 : i32
    %dma_wait3A_271 = tpu.memref_slice %arg4[%dma_wait3A_267, %dma_wait3A_268, %dma_wait3A_269, %dma_wait3A_270] : memref<32x50x2x104xi32, #tpu.memory_space<hbm>> -> memref<1x1x2x104xi32, #tpu.memory_space<hbm>>
    %dma_wait3A_272 = tpu.memref_squeeze %dma_wait3A_271 : memref<1x1x2x104xi32, #tpu.memory_space<hbm>> -> memref<2x104xi32, #tpu.memory_space<hbm>>
    %dma_wait3A_273 = arith.constant 0 : i32
    %dma_wait3A_274 = arith.constant 0 : i32
    %dma_wait3A_275 = tpu.memref_slice %arg4[%dma_wait3A_267, %dma_wait3A_268, %dma_wait3A_273, %dma_wait3A_274] : memref<32x50x2x104xi32, #tpu.memory_space<hbm>> -> memref<1x1x2x104xi32, #tpu.memory_space<hbm>>
    %dma_wait3A_276 = tpu.memref_squeeze %dma_wait3A_275 : memref<1x1x2x104xi32, #tpu.memory_space<hbm>> -> memref<2x104xi32, #tpu.memory_space<hbm>>
    tpu.wait_dma2 semaphore(%arg26 : memref<!tpu.dma_semaphore, #tpu.memory_space<semaphore_mem>>) src(%dma_wait3A_276 : memref<2x104xi32, #tpu.memory_space<hbm>>) dst(%arg12 : memref<2x104xi32, #tpu.memory_space<vmem>>)
    %dma_wait3A_277 = arith.constant 0 : i32
    %dma_wait3A_278 = arith.constant 0 : i32
    %dma_wait3A_279 = arith.constant 0 : i32
    %dma_wait3A_280 = arith.constant 0 : i32
    %dma_wait3A_281 = tpu.memref_slice %arg5[%dma_wait3A_277, %dma_wait3A_278, %dma_wait3A_279, %dma_wait3A_280] : memref<32x50x2x104xi32, #tpu.memory_space<hbm>> -> memref<1x1x2x104xi32, #tpu.memory_space<hbm>>
    %dma_wait3A_282 = tpu.memref_squeeze %dma_wait3A_281 : memref<1x1x2x104xi32, #tpu.memory_space<hbm>> -> memref<2x104xi32, #tpu.memory_space<hbm>>
    %dma_wait3A_283 = arith.constant 0 : i32
    %dma_wait3A_284 = arith.constant 0 : i32
    %dma_wait3A_285 = tpu.memref_slice %arg5[%dma_wait3A_277, %dma_wait3A_278, %dma_wait3A_283, %dma_wait3A_284] : memref<32x50x2x104xi32, #tpu.memory_space<hbm>> -> memref<1x1x2x104xi32, #tpu.memory_space<hbm>>
    %dma_wait3A_286 = tpu.memref_squeeze %dma_wait3A_285 : memref<1x1x2x104xi32, #tpu.memory_space<hbm>> -> memref<2x104xi32, #tpu.memory_space<hbm>>
    tpu.wait_dma2 semaphore(%arg26 : memref<!tpu.dma_semaphore, #tpu.memory_space<semaphore_mem>>) src(%dma_wait3A_286 : memref<2x104xi32, #tpu.memory_space<hbm>>) dst(%arg13 : memref<2x104xi32, #tpu.memory_space<vmem>>)
    %dma_wait3A_287 = arith.constant 0 : i32
    %dma_wait3A_288 = arith.constant 0 : i32
    %dma_wait3A_289 = arith.constant 0 : i32
    %dma_wait3A_290 = arith.constant 0 : i32
    %dma_wait3A_291 = tpu.memref_slice %arg6[%dma_wait3A_287, %dma_wait3A_288, %dma_wait3A_289, %dma_wait3A_290] : memref<32x50x2x104xi32, #tpu.memory_space<hbm>> -> memref<1x1x2x104xi32, #tpu.memory_space<hbm>>
    %dma_wait3A_292 = tpu.memref_squeeze %dma_wait3A_291 : memref<1x1x2x104xi32, #tpu.memory_space<hbm>> -> memref<2x104xi32, #tpu.memory_space<hbm>>
    %dma_wait3A_293 = arith.constant 0 : i32
    %dma_wait3A_294 = arith.constant 0 : i32
    %dma_wait3A_295 = tpu.memref_slice %arg6[%dma_wait3A_287, %dma_wait3A_288, %dma_wait3A_293, %dma_wait3A_294] : memref<32x50x2x104xi32, #tpu.memory_space<hbm>> -> memref<1x1x2x104xi32, #tpu.memory_space<hbm>>
    %dma_wait3A_296 = tpu.memref_squeeze %dma_wait3A_295 : memref<1x1x2x104xi32, #tpu.memory_space<hbm>> -> memref<2x104xi32, #tpu.memory_space<hbm>>
    tpu.wait_dma2 semaphore(%arg26 : memref<!tpu.dma_semaphore, #tpu.memory_space<semaphore_mem>>) src(%dma_wait3A_296 : memref<2x104xi32, #tpu.memory_space<hbm>>) dst(%arg14 : memref<2x104xi32, #tpu.memory_space<vmem>>)
    %barrier3A_297 = arith.constant 0 : index
    tpu.barrier barrier_id(%barrier3A_297)
    %mul3A_298 = arith.constant 632 : i32
    %mul3A_299 = arith.muli %arg1, %mul3A_298 : i32
    %mul3A_300 = arith.constant 632 : i32
    %mul3A_301 = arith.muli %arg1, %mul3A_300 : i32
    "tpu.region"() ({
      %run_scoped3A = tpu.sem_alloc : memref<!tpu.dma_semaphore, #tpu.memory_space<semaphore_mem>>
      %dma_start3A_302 = arith.constant 0 : i32
      %dma_start3A_303 = tpu.memref_slice %arg8[%arg0, %mul3A_301, %dma_start3A_302] : memref<2x10112x144xf32, #tpu.memory_space<hbm>> -> memref<1x632x144xf32, #tpu.memory_space<hbm>>
      %dma_start3A_304 = tpu.memref_squeeze %dma_start3A_303 : memref<1x632x144xf32, #tpu.memory_space<hbm>> -> memref<632x144xf32, #tpu.memory_space<hbm>>
      %dma_start3A_305 = arith.constant 0 : i32
      %dma_start3A_306 = tpu.memref_slice %arg20[%mul3A_299, %dma_start3A_305] : memref<10112x144xf32, #tpu.memory_space<vmem_shared>> -> memref<632x144xf32, #tpu.memory_space<vmem_shared>>
      tpu.enqueue_dma source(%dma_start3A_306 : memref<632x144xf32, #tpu.memory_space<vmem_shared>>) target(%dma_start3A_304 : memref<632x144xf32, #tpu.memory_space<hbm>>) target_semaphore(%run_scoped3A : memref<!tpu.dma_semaphore, #tpu.memory_space<semaphore_mem>>)
      %dma_wait3A_307 = arith.constant 0 : i32
      %dma_wait3A_308 = tpu.memref_slice %arg8[%arg0, %mul3A_301, %dma_wait3A_307] : memref<2x10112x144xf32, #tpu.memory_space<hbm>> -> memref<1x632x144xf32, #tpu.memory_space<hbm>>
      %dma_wait3A_309 = tpu.memref_squeeze %dma_wait3A_308 : memref<1x632x144xf32, #tpu.memory_space<hbm>> -> memref<632x144xf32, #tpu.memory_space<hbm>>
      %dma_wait3A_310 = arith.constant 0 : i32
      %dma_wait3A_311 = tpu.memref_slice %arg20[%mul3A_299, %dma_wait3A_310] : memref<10112x144xf32, #tpu.memory_space<vmem_shared>> -> memref<632x144xf32, #tpu.memory_space<vmem_shared>>
      tpu.wait_dma2 semaphore(%run_scoped3A : memref<!tpu.dma_semaphore, #tpu.memory_space<semaphore_mem>>) src(%dma_wait3A_311 : memref<632x144xf32, #tpu.memory_space<vmem_shared>>) dst(%dma_wait3A_309 : memref<632x144xf32, #tpu.memory_space<hbm>>)
      tpu.yield
    }) : () -> ()
    return
  }
}

module attributes {stable_mosaic.version = 14 : i64} {
  func.func @_tc_prep_body(%arg0: i32, %arg1: memref<400x128xf32, #tpu.memory_space<vmem>>, %arg2: memref<4x128x128xf32, #tpu.memory_space<vmem>>, %arg3: memref<4x128x16xf32, #tpu.memory_space<vmem>>, %arg4: memref<4x128x16xf32, #tpu.memory_space<vmem>>, %arg5: memref<4x400x128xbf16, #tpu.memory_space<vmem>>, %arg6: memref<4x400x16xf32, #tpu.memory_space<vmem>>, %arg7: memref<4x400x16xf32, #tpu.memory_space<vmem>>) attributes {dimension_semantics = [#tpu.dimension_semantics<arbitrary>], iteration_bounds = array<i64: 25>, scalar_prefetch = 0 : i64, scratch_operands = 0 : i64, tpu.core_type = #tpu.core_type<tc>, window_params = [{transform_indices = @transform_0, window_bounds = array<i64: 400, 128>}, {pipeline_mode = #tpu.pipeline_mode<synchronous>, transform_indices = @transform_1, window_bounds = array<i64: 4, 128, 128>}, {pipeline_mode = #tpu.pipeline_mode<synchronous>, transform_indices = @transform_2, window_bounds = array<i64: 4, 128, 16>}, {pipeline_mode = #tpu.pipeline_mode<synchronous>, transform_indices = @transform_3, window_bounds = array<i64: 4, 128, 16>}, {transform_indices = @transform_4, window_bounds = array<i64: 4, 400, 128>}, {transform_indices = @transform_5, window_bounds = array<i64: 4, 400, 16>}, {transform_indices = @transform_6, window_bounds = array<i64: 4, 400, 16>}]} {
    %get3A = arith.constant 0 : index
    %get3A_0 = arith.constant 0 : index
    %get3A_1 = vector.load %arg1[%get3A, %get3A_0] : memref<400x128xf32, #tpu.memory_space<vmem>>, vector<400x128xf32>
    %get3A_2 = arith.constant 0 : index
    %get3A_3 = arith.constant 0 : index
    %get3A_4 = arith.constant 0 : index
    %get3A_5 = vector.load %arg2[%get3A_2, %get3A_3, %get3A_4] : memref<4x128x128xf32, #tpu.memory_space<vmem>>, vector<1x128x128xf32>
    %get3A_6 = vector.shape_cast %get3A_5 : vector<1x128x128xf32> to vector<128x128xf32>
    %dot_general3A = arith.constant dense<0.000000e+00> : vector<400x128xf32>
    %dot_general3A_7 = tpu.matmul %get3A_1, %get3A_6, %dot_general3A {dimension_numbers = #tpu.dot_dimension_numbers<[1], [0], [0], [1], [0, 0, 1, 1], [], []>, transpose_lhs_hint = false} : vector<400x128xf32>, vector<128x128xf32>, vector<400x128xf32> -> vector<400x128xf32>
    %convert_element_type3A = arith.truncf %dot_general3A_7 : vector<400x128xf32> to vector<400x128xbf16>
    %swap3A = arith.constant 0 : index
    %swap3A_8 = arith.constant 0 : index
    %swap3A_9 = arith.constant 0 : index
    %swap3A_10 = vector.load %arg5[%swap3A, %swap3A_8, %swap3A_9] : memref<4x400x128xbf16, #tpu.memory_space<vmem>>, vector<1x400x128xbf16>
    %swap3A_11 = vector.shape_cast %swap3A_10 : vector<1x400x128xbf16> to vector<400x128xbf16>
    %swap3A_12 = vector.shape_cast %convert_element_type3A : vector<400x128xbf16> to vector<1x400x128xbf16>
    tpu.vector_store %arg5[%swap3A, %swap3A_8, %swap3A_9], %swap3A_12 {strides = array<i32>} : memref<4x400x128xbf16, #tpu.memory_space<vmem>>, vector<1x400x128xbf16>,
    %get3A_13 = arith.constant 0 : index
    %get3A_14 = arith.constant 0 : index
    %get3A_15 = arith.constant 0 : index
    %get3A_16 = vector.load %arg3[%get3A_13, %get3A_14, %get3A_15] : memref<4x128x16xf32, #tpu.memory_space<vmem>>, vector<1x128x16xf32>
    %get3A_17 = vector.shape_cast %get3A_16 : vector<1x128x16xf32> to vector<128x16xf32>
    %dot_general3A_18 = arith.constant dense<0.000000e+00> : vector<400x16xf32>
    %dot_general3A_19 = tpu.matmul %dot_general3A_7, %get3A_17, %dot_general3A_18 {dimension_numbers = #tpu.dot_dimension_numbers<[1], [0], [0], [1], [0, 0, 1, 1], [], []>, transpose_lhs_hint = false} : vector<400x128xf32>, vector<128x16xf32>, vector<400x16xf32> -> vector<400x16xf32>
    %swap3A_20 = arith.constant 0 : index
    %swap3A_21 = arith.constant 0 : index
    %swap3A_22 = arith.constant 0 : index
    %swap3A_23 = vector.load %arg6[%swap3A_20, %swap3A_21, %swap3A_22] : memref<4x400x16xf32, #tpu.memory_space<vmem>>, vector<1x400x16xf32>
    %swap3A_24 = vector.shape_cast %swap3A_23 : vector<1x400x16xf32> to vector<400x16xf32>
    %swap3A_25 = vector.shape_cast %dot_general3A_19 : vector<400x16xf32> to vector<1x400x16xf32>
    tpu.vector_store %arg6[%swap3A_20, %swap3A_21, %swap3A_22], %swap3A_25 {strides = array<i32>} : memref<4x400x16xf32, #tpu.memory_space<vmem>>, vector<1x400x16xf32>,
    %get3A_26 = arith.constant 0 : index
    %get3A_27 = arith.constant 0 : index
    %get3A_28 = arith.constant 0 : index
    %get3A_29 = vector.load %arg4[%get3A_26, %get3A_27, %get3A_28] : memref<4x128x16xf32, #tpu.memory_space<vmem>>, vector<1x128x16xf32>
    %get3A_30 = vector.shape_cast %get3A_29 : vector<1x128x16xf32> to vector<128x16xf32>
    %dot_general3A_31 = arith.constant dense<0.000000e+00> : vector<400x16xf32>
    %dot_general3A_32 = tpu.matmul %dot_general3A_7, %get3A_30, %dot_general3A_31 {dimension_numbers = #tpu.dot_dimension_numbers<[1], [0], [0], [1], [0, 0, 1, 1], [], []>, transpose_lhs_hint = false} : vector<400x128xf32>, vector<128x16xf32>, vector<400x16xf32> -> vector<400x16xf32>
    %swap3A_33 = arith.constant 0 : index
    %swap3A_34 = arith.constant 0 : index
    %swap3A_35 = arith.constant 0 : index
    %swap3A_36 = vector.load %arg7[%swap3A_33, %swap3A_34, %swap3A_35] : memref<4x400x16xf32, #tpu.memory_space<vmem>>, vector<1x400x16xf32>
    %swap3A_37 = vector.shape_cast %swap3A_36 : vector<1x400x16xf32> to vector<400x16xf32>
    %swap3A_38 = vector.shape_cast %dot_general3A_32 : vector<400x16xf32> to vector<1x400x16xf32>
    tpu.vector_store %arg7[%swap3A_33, %swap3A_34, %swap3A_35], %swap3A_38 {strides = array<i32>} : memref<4x400x16xf32, #tpu.memory_space<vmem>>, vector<1x400x16xf32>,
    %get3A_39 = arith.constant 1 : index
    %get3A_40 = arith.constant 0 : index
    %get3A_41 = arith.constant 0 : index
    %get3A_42 = vector.load %arg2[%get3A_39, %get3A_40, %get3A_41] : memref<4x128x128xf32, #tpu.memory_space<vmem>>, vector<1x128x128xf32>
    %get3A_43 = vector.shape_cast %get3A_42 : vector<1x128x128xf32> to vector<128x128xf32>
    %dot_general3A_44 = arith.constant dense<0.000000e+00> : vector<400x128xf32>
    %dot_general3A_45 = tpu.matmul %get3A_1, %get3A_43, %dot_general3A_44 {dimension_numbers = #tpu.dot_dimension_numbers<[1], [0], [0], [1], [0, 0, 1, 1], [], []>, transpose_lhs_hint = false} : vector<400x128xf32>, vector<128x128xf32>, vector<400x128xf32> -> vector<400x128xf32>
    %convert_element_type3A_46 = arith.truncf %dot_general3A_45 : vector<400x128xf32> to vector<400x128xbf16>
    %swap3A_47 = arith.constant 1 : index
    %swap3A_48 = arith.constant 0 : index
    %swap3A_49 = arith.constant 0 : index
    %swap3A_50 = vector.load %arg5[%swap3A_47, %swap3A_48, %swap3A_49] : memref<4x400x128xbf16, #tpu.memory_space<vmem>>, vector<1x400x128xbf16>
    %swap3A_51 = vector.shape_cast %swap3A_50 : vector<1x400x128xbf16> to vector<400x128xbf16>
    %swap3A_52 = vector.shape_cast %convert_element_type3A_46 : vector<400x128xbf16> to vector<1x400x128xbf16>
    tpu.vector_store %arg5[%swap3A_47, %swap3A_48, %swap3A_49], %swap3A_52 {strides = array<i32>} : memref<4x400x128xbf16, #tpu.memory_space<vmem>>, vector<1x400x128xbf16>,
    %get3A_53 = arith.constant 1 : index
    %get3A_54 = arith.constant 0 : index
    %get3A_55 = arith.constant 0 : index
    %get3A_56 = vector.load %arg3[%get3A_53, %get3A_54, %get3A_55] : memref<4x128x16xf32, #tpu.memory_space<vmem>>, vector<1x128x16xf32>
    %get3A_57 = vector.shape_cast %get3A_56 : vector<1x128x16xf32> to vector<128x16xf32>
    %dot_general3A_58 = arith.constant dense<0.000000e+00> : vector<400x16xf32>
    %dot_general3A_59 = tpu.matmul %dot_general3A_45, %get3A_57, %dot_general3A_58 {dimension_numbers = #tpu.dot_dimension_numbers<[1], [0], [0], [1], [0, 0, 1, 1], [], []>, transpose_lhs_hint = false} : vector<400x128xf32>, vector<128x16xf32>, vector<400x16xf32> -> vector<400x16xf32>
    %swap3A_60 = arith.constant 1 : index
    %swap3A_61 = arith.constant 0 : index
    %swap3A_62 = arith.constant 0 : index
    %swap3A_63 = vector.load %arg6[%swap3A_60, %swap3A_61, %swap3A_62] : memref<4x400x16xf32, #tpu.memory_space<vmem>>, vector<1x400x16xf32>
    %swap3A_64 = vector.shape_cast %swap3A_63 : vector<1x400x16xf32> to vector<400x16xf32>
    %swap3A_65 = vector.shape_cast %dot_general3A_59 : vector<400x16xf32> to vector<1x400x16xf32>
    tpu.vector_store %arg6[%swap3A_60, %swap3A_61, %swap3A_62], %swap3A_65 {strides = array<i32>} : memref<4x400x16xf32, #tpu.memory_space<vmem>>, vector<1x400x16xf32>,
    %get3A_66 = arith.constant 1 : index
    %get3A_67 = arith.constant 0 : index
    %get3A_68 = arith.constant 0 : index
    %get3A_69 = vector.load %arg4[%get3A_66, %get3A_67, %get3A_68] : memref<4x128x16xf32, #tpu.memory_space<vmem>>, vector<1x128x16xf32>
    %get3A_70 = vector.shape_cast %get3A_69 : vector<1x128x16xf32> to vector<128x16xf32>
    %dot_general3A_71 = arith.constant dense<0.000000e+00> : vector<400x16xf32>
    %dot_general3A_72 = tpu.matmul %dot_general3A_45, %get3A_70, %dot_general3A_71 {dimension_numbers = #tpu.dot_dimension_numbers<[1], [0], [0], [1], [0, 0, 1, 1], [], []>, transpose_lhs_hint = false} : vector<400x128xf32>, vector<128x16xf32>, vector<400x16xf32> -> vector<400x16xf32>
    %swap3A_73 = arith.constant 1 : index
    %swap3A_74 = arith.constant 0 : index
    %swap3A_75 = arith.constant 0 : index
    %swap3A_76 = vector.load %arg7[%swap3A_73, %swap3A_74, %swap3A_75] : memref<4x400x16xf32, #tpu.memory_space<vmem>>, vector<1x400x16xf32>
    %swap3A_77 = vector.shape_cast %swap3A_76 : vector<1x400x16xf32> to vector<400x16xf32>
    %swap3A_78 = vector.shape_cast %dot_general3A_72 : vector<400x16xf32> to vector<1x400x16xf32>
    tpu.vector_store %arg7[%swap3A_73, %swap3A_74, %swap3A_75], %swap3A_78 {strides = array<i32>} : memref<4x400x16xf32, #tpu.memory_space<vmem>>, vector<1x400x16xf32>,
    %get3A_79 = arith.constant 2 : index
    %get3A_80 = arith.constant 0 : index
    %get3A_81 = arith.constant 0 : index
    %get3A_82 = vector.load %arg2[%get3A_79, %get3A_80, %get3A_81] : memref<4x128x128xf32, #tpu.memory_space<vmem>>, vector<1x128x128xf32>
    %get3A_83 = vector.shape_cast %get3A_82 : vector<1x128x128xf32> to vector<128x128xf32>
    %dot_general3A_84 = arith.constant dense<0.000000e+00> : vector<400x128xf32>
    %dot_general3A_85 = tpu.matmul %get3A_1, %get3A_83, %dot_general3A_84 {dimension_numbers = #tpu.dot_dimension_numbers<[1], [0], [0], [1], [0, 0, 1, 1], [], []>, transpose_lhs_hint = false} : vector<400x128xf32>, vector<128x128xf32>, vector<400x128xf32> -> vector<400x128xf32>
    %convert_element_type3A_86 = arith.truncf %dot_general3A_85 : vector<400x128xf32> to vector<400x128xbf16>
    %swap3A_87 = arith.constant 2 : index
    %swap3A_88 = arith.constant 0 : index
    %swap3A_89 = arith.constant 0 : index
    %swap3A_90 = vector.load %arg5[%swap3A_87, %swap3A_88, %swap3A_89] : memref<4x400x128xbf16, #tpu.memory_space<vmem>>, vector<1x400x128xbf16>
    %swap3A_91 = vector.shape_cast %swap3A_90 : vector<1x400x128xbf16> to vector<400x128xbf16>
    %swap3A_92 = vector.shape_cast %convert_element_type3A_86 : vector<400x128xbf16> to vector<1x400x128xbf16>
    tpu.vector_store %arg5[%swap3A_87, %swap3A_88, %swap3A_89], %swap3A_92 {strides = array<i32>} : memref<4x400x128xbf16, #tpu.memory_space<vmem>>, vector<1x400x128xbf16>,
    %get3A_93 = arith.constant 2 : index
    %get3A_94 = arith.constant 0 : index
    %get3A_95 = arith.constant 0 : index
    %get3A_96 = vector.load %arg3[%get3A_93, %get3A_94, %get3A_95] : memref<4x128x16xf32, #tpu.memory_space<vmem>>, vector<1x128x16xf32>
    %get3A_97 = vector.shape_cast %get3A_96 : vector<1x128x16xf32> to vector<128x16xf32>
    %dot_general3A_98 = arith.constant dense<0.000000e+00> : vector<400x16xf32>
    %dot_general3A_99 = tpu.matmul %dot_general3A_85, %get3A_97, %dot_general3A_98 {dimension_numbers = #tpu.dot_dimension_numbers<[1], [0], [0], [1], [0, 0, 1, 1], [], []>, transpose_lhs_hint = false} : vector<400x128xf32>, vector<128x16xf32>, vector<400x16xf32> -> vector<400x16xf32>
    %swap3A_100 = arith.constant 2 : index
    %swap3A_101 = arith.constant 0 : index
    %swap3A_102 = arith.constant 0 : index
    %swap3A_103 = vector.load %arg6[%swap3A_100, %swap3A_101, %swap3A_102] : memref<4x400x16xf32, #tpu.memory_space<vmem>>, vector<1x400x16xf32>
    %swap3A_104 = vector.shape_cast %swap3A_103 : vector<1x400x16xf32> to vector<400x16xf32>
    %swap3A_105 = vector.shape_cast %dot_general3A_99 : vector<400x16xf32> to vector<1x400x16xf32>
    tpu.vector_store %arg6[%swap3A_100, %swap3A_101, %swap3A_102], %swap3A_105 {strides = array<i32>} : memref<4x400x16xf32, #tpu.memory_space<vmem>>, vector<1x400x16xf32>,
    %get3A_106 = arith.constant 2 : index
    %get3A_107 = arith.constant 0 : index
    %get3A_108 = arith.constant 0 : index
    %get3A_109 = vector.load %arg4[%get3A_106, %get3A_107, %get3A_108] : memref<4x128x16xf32, #tpu.memory_space<vmem>>, vector<1x128x16xf32>
    %get3A_110 = vector.shape_cast %get3A_109 : vector<1x128x16xf32> to vector<128x16xf32>
    %dot_general3A_111 = arith.constant dense<0.000000e+00> : vector<400x16xf32>
    %dot_general3A_112 = tpu.matmul %dot_general3A_85, %get3A_110, %dot_general3A_111 {dimension_numbers = #tpu.dot_dimension_numbers<[1], [0], [0], [1], [0, 0, 1, 1], [], []>, transpose_lhs_hint = false} : vector<400x128xf32>, vector<128x16xf32>, vector<400x16xf32> -> vector<400x16xf32>
    %swap3A_113 = arith.constant 2 : index
    %swap3A_114 = arith.constant 0 : index
    %swap3A_115 = arith.constant 0 : index
    %swap3A_116 = vector.load %arg7[%swap3A_113, %swap3A_114, %swap3A_115] : memref<4x400x16xf32, #tpu.memory_space<vmem>>, vector<1x400x16xf32>
    %swap3A_117 = vector.shape_cast %swap3A_116 : vector<1x400x16xf32> to vector<400x16xf32>
    %swap3A_118 = vector.shape_cast %dot_general3A_112 : vector<400x16xf32> to vector<1x400x16xf32>
    tpu.vector_store %arg7[%swap3A_113, %swap3A_114, %swap3A_115], %swap3A_118 {strides = array<i32>} : memref<4x400x16xf32, #tpu.memory_space<vmem>>, vector<1x400x16xf32>,
    %get3A_119 = arith.constant 3 : index
    %get3A_120 = arith.constant 0 : index
    %get3A_121 = arith.constant 0 : index
    %get3A_122 = vector.load %arg2[%get3A_119, %get3A_120, %get3A_121] : memref<4x128x128xf32, #tpu.memory_space<vmem>>, vector<1x128x128xf32>
    %get3A_123 = vector.shape_cast %get3A_122 : vector<1x128x128xf32> to vector<128x128xf32>
    %dot_general3A_124 = arith.constant dense<0.000000e+00> : vector<400x128xf32>
    %dot_general3A_125 = tpu.matmul %get3A_1, %get3A_123, %dot_general3A_124 {dimension_numbers = #tpu.dot_dimension_numbers<[1], [0], [0], [1], [0, 0, 1, 1], [], []>, transpose_lhs_hint = false} : vector<400x128xf32>, vector<128x128xf32>, vector<400x128xf32> -> vector<400x128xf32>
    %convert_element_type3A_126 = arith.truncf %dot_general3A_125 : vector<400x128xf32> to vector<400x128xbf16>
    %swap3A_127 = arith.constant 3 : index
    %swap3A_128 = arith.constant 0 : index
    %swap3A_129 = arith.constant 0 : index
    %swap3A_130 = vector.load %arg5[%swap3A_127, %swap3A_128, %swap3A_129] : memref<4x400x128xbf16, #tpu.memory_space<vmem>>, vector<1x400x128xbf16>
    %swap3A_131 = vector.shape_cast %swap3A_130 : vector<1x400x128xbf16> to vector<400x128xbf16>
    %swap3A_132 = vector.shape_cast %convert_element_type3A_126 : vector<400x128xbf16> to vector<1x400x128xbf16>
    tpu.vector_store %arg5[%swap3A_127, %swap3A_128, %swap3A_129], %swap3A_132 {strides = array<i32>} : memref<4x400x128xbf16, #tpu.memory_space<vmem>>, vector<1x400x128xbf16>,
    %get3A_133 = arith.constant 3 : index
    %get3A_134 = arith.constant 0 : index
    %get3A_135 = arith.constant 0 : index
    %get3A_136 = vector.load %arg3[%get3A_133, %get3A_134, %get3A_135] : memref<4x128x16xf32, #tpu.memory_space<vmem>>, vector<1x128x16xf32>
    %get3A_137 = vector.shape_cast %get3A_136 : vector<1x128x16xf32> to vector<128x16xf32>
    %dot_general3A_138 = arith.constant dense<0.000000e+00> : vector<400x16xf32>
    %dot_general3A_139 = tpu.matmul %dot_general3A_125, %get3A_137, %dot_general3A_138 {dimension_numbers = #tpu.dot_dimension_numbers<[1], [0], [0], [1], [0, 0, 1, 1], [], []>, transpose_lhs_hint = false} : vector<400x128xf32>, vector<128x16xf32>, vector<400x16xf32> -> vector<400x16xf32>
    %swap3A_140 = arith.constant 3 : index
    %swap3A_141 = arith.constant 0 : index
    %swap3A_142 = arith.constant 0 : index
    %swap3A_143 = vector.load %arg6[%swap3A_140, %swap3A_141, %swap3A_142] : memref<4x400x16xf32, #tpu.memory_space<vmem>>, vector<1x400x16xf32>
    %swap3A_144 = vector.shape_cast %swap3A_143 : vector<1x400x16xf32> to vector<400x16xf32>
    %swap3A_145 = vector.shape_cast %dot_general3A_139 : vector<400x16xf32> to vector<1x400x16xf32>
    tpu.vector_store %arg6[%swap3A_140, %swap3A_141, %swap3A_142], %swap3A_145 {strides = array<i32>} : memref<4x400x16xf32, #tpu.memory_space<vmem>>, vector<1x400x16xf32>,
    %get3A_146 = arith.constant 3 : index
    %get3A_147 = arith.constant 0 : index
    %get3A_148 = arith.constant 0 : index
    %get3A_149 = vector.load %arg4[%get3A_146, %get3A_147, %get3A_148] : memref<4x128x16xf32, #tpu.memory_space<vmem>>, vector<1x128x16xf32>
    %get3A_150 = vector.shape_cast %get3A_149 : vector<1x128x16xf32> to vector<128x16xf32>
    %dot_general3A_151 = arith.constant dense<0.000000e+00> : vector<400x16xf32>
    %dot_general3A_152 = tpu.matmul %dot_general3A_125, %get3A_150, %dot_general3A_151 {dimension_numbers = #tpu.dot_dimension_numbers<[1], [0], [0], [1], [0, 0, 1, 1], [], []>, transpose_lhs_hint = false} : vector<400x128xf32>, vector<128x16xf32>, vector<400x16xf32> -> vector<400x16xf32>
    %swap3A_153 = arith.constant 3 : index
    %swap3A_154 = arith.constant 0 : index
    %swap3A_155 = arith.constant 0 : index
    %swap3A_156 = vector.load %arg7[%swap3A_153, %swap3A_154, %swap3A_155] : memref<4x400x16xf32, #tpu.memory_space<vmem>>, vector<1x400x16xf32>
    %swap3A_157 = vector.shape_cast %swap3A_156 : vector<1x400x16xf32> to vector<400x16xf32>
    %swap3A_158 = vector.shape_cast %dot_general3A_152 : vector<400x16xf32> to vector<1x400x16xf32>
    tpu.vector_store %arg7[%swap3A_153, %swap3A_154, %swap3A_155], %swap3A_158 {strides = array<i32>} : memref<4x400x16xf32, #tpu.memory_space<vmem>>, vector<1x400x16xf32>,
    return
  }
  func.func @transform_0(%arg0: i32) -> (i32, i32) {
    %c0_i32 = arith.constant 0 : i32
    %c0_i32_0 = arith.constant 0 : i32
    return %arg0, %c0_i32 : i32, i32
  }
  func.func @transform_1(%arg0: i32) -> (i32, i32, i32) {
    %c0_i32 = arith.constant 0 : i32
    %c0_i32_0 = arith.constant 0 : i32
    %c0_i32_1 = arith.constant 0 : i32
    %c0_i32_2 = arith.constant 0 : i32
    return %c0_i32, %c0_i32_0, %c0_i32_1 : i32, i32, i32
  }
  func.func @transform_2(%arg0: i32) -> (i32, i32, i32) {
    %c0_i32 = arith.constant 0 : i32
    %c0_i32_0 = arith.constant 0 : i32
    %c0_i32_1 = arith.constant 0 : i32
    %c0_i32_2 = arith.constant 0 : i32
    return %c0_i32, %c0_i32_0, %c0_i32_1 : i32, i32, i32
  }
  func.func @transform_3(%arg0: i32) -> (i32, i32, i32) {
    %c0_i32 = arith.constant 0 : i32
    %c0_i32_0 = arith.constant 0 : i32
    %c0_i32_1 = arith.constant 0 : i32
    %c0_i32_2 = arith.constant 0 : i32
    return %c0_i32, %c0_i32_0, %c0_i32_1 : i32, i32, i32
  }
  func.func @transform_4(%arg0: i32) -> (i32, i32, i32) {
    %c0_i32 = arith.constant 0 : i32
    %c0_i32_0 = arith.constant 0 : i32
    %c0_i32_1 = arith.constant 0 : i32
    return %c0_i32, %arg0, %c0_i32_0 : i32, i32, i32
  }
  func.func @transform_5(%arg0: i32) -> (i32, i32, i32) {
    %c0_i32 = arith.constant 0 : i32
    %c0_i32_0 = arith.constant 0 : i32
    %c0_i32_1 = arith.constant 0 : i32
    return %c0_i32, %arg0, %c0_i32_0 : i32, i32, i32
  }
  func.func @transform_6(%arg0: i32) -> (i32, i32, i32) {
    %c0_i32 = arith.constant 0 : i32
    %c0_i32_0 = arith.constant 0 : i32
    %c0_i32_1 = arith.constant 0 : i32
    return %c0_i32, %arg0, %c0_i32_0 : i32, i32, i32
  }
}

module attributes {stable_mosaic.version = 14 : i64} {
  func.func @_tc_combine_body(%arg0: i32, %arg1: memref<2x400x144xf32, #tpu.memory_space<vmem>>, %arg2: memref<1x128xf32, #tpu.memory_space<vmem>>, %arg3: memref<400x128xf32, #tpu.memory_space<vmem>>) attributes {dimension_semantics = [#tpu.dimension_semantics<arbitrary>], iteration_bounds = array<i64: 25>, scalar_prefetch = 0 : i64, scratch_operands = 0 : i64, tpu.core_type = #tpu.core_type<tc>, window_params = [{transform_indices = @transform_0, window_bounds = array<i64: 2, 400, 144>}, {pipeline_mode = #tpu.pipeline_mode<synchronous>, transform_indices = @transform_1, window_bounds = array<i64: 1, 128>}, {transform_indices = @transform_2, window_bounds = array<i64: 400, 128>}]} {
    %get3A = arith.constant 0 : index
    %get3A_0 = arith.constant 0 : index
    %get3A_1 = arith.constant 0 : index
    %get3A_2 = vector.load %arg1[%get3A, %get3A_0, %get3A_1] : memref<2x400x144xf32, #tpu.memory_space<vmem>>, vector<1x400x144xf32>
    %get3A_3 = vector.shape_cast %get3A_2 : vector<1x400x144xf32> to vector<400x144xf32>
    %get3A_4 = arith.constant 1 : index
    %get3A_5 = arith.constant 0 : index
    %get3A_6 = arith.constant 0 : index
    %get3A_7 = vector.load %arg1[%get3A_4, %get3A_5, %get3A_6] : memref<2x400x144xf32, #tpu.memory_space<vmem>>, vector<1x400x144xf32>
    %get3A_8 = vector.shape_cast %get3A_7 : vector<1x400x144xf32> to vector<400x144xf32>
    %add3A = arith.addf %get3A_3, %get3A_8 : vector<400x144xf32>
    %slice3A = vector.extract_strided_slice %add3A {offsets = [0, 0], sizes = [400, 32], strides = [1, 1]} : vector<400x144xf32> to vector<400x32xf32>
    %slice3A_9 = vector.extract_strided_slice %add3A {offsets = [0, 128], sizes = [400, 1], strides = [1, 1]} : vector<400x144xf32> to vector<400x1xf32>
    %add3A_10 = arith.constant 1.000000e-16 : f32
    %add3A_11 = vector.broadcast %add3A_10 : f32 to vector<400x1xf32>
    %add3A_12 = arith.addf %slice3A_9, %add3A_11 : vector<400x1xf32>
    %div3A = vector.broadcast %add3A_12 : vector<400x1xf32> to vector<400x32xf32>
    %div3A_13 = arith.divf %slice3A, %div3A : vector<400x32xf32>
    %get3A_14 = arith.constant 0 : index
    %get3A_15 = arith.constant 0 : index
    %get3A_16 = vector.load %arg2[%get3A_14, %get3A_15] : memref<1x128xf32, #tpu.memory_space<vmem>>, vector<1x32xf32>
    %get3A_17 = vector.shape_cast %get3A_16 : vector<1x32xf32> to vector<32xf32>
    %broadcast_in_dim3A = vector.shape_cast %get3A_17 : vector<32xf32> to vector<1x32xf32>
    %add3A_18 = vector.broadcast %broadcast_in_dim3A : vector<1x32xf32> to vector<400x32xf32>
    %add3A_19 = arith.addf %div3A_13, %add3A_18 : vector<400x32xf32>
    %swap3A = arith.constant 0 : index
    %swap3A_20 = arith.constant 0 : index
    %swap3A_21 = vector.load %arg3[%swap3A, %swap3A_20] : memref<400x128xf32, #tpu.memory_space<vmem>>, vector<400x32xf32>
    tpu.vector_store %arg3[%swap3A, %swap3A_20], %add3A_19 {strides = array<i32>} : memref<400x128xf32, #tpu.memory_space<vmem>>, vector<400x32xf32>,
    %slice3A_22 = vector.extract_strided_slice %add3A {offsets = [0, 32], sizes = [400, 32], strides = [1, 1]} : vector<400x144xf32> to vector<400x32xf32>
    %slice3A_23 = vector.extract_strided_slice %add3A {offsets = [0, 129], sizes = [400, 1], strides = [1, 1]} : vector<400x144xf32> to vector<400x1xf32>
    %add3A_24 = arith.constant 1.000000e-16 : f32
    %add3A_25 = vector.broadcast %add3A_24 : f32 to vector<400x1xf32>
    %add3A_26 = arith.addf %slice3A_23, %add3A_25 : vector<400x1xf32>
    %div3A_27 = vector.broadcast %add3A_26 : vector<400x1xf32> to vector<400x32xf32>
    %div3A_28 = arith.divf %slice3A_22, %div3A_27 : vector<400x32xf32>
    %get3A_29 = arith.constant 0 : index
    %get3A_30 = arith.constant 32 : index
    %get3A_31 = vector.load %arg2[%get3A_29, %get3A_30] : memref<1x128xf32, #tpu.memory_space<vmem>>, vector<1x32xf32>
    %get3A_32 = vector.shape_cast %get3A_31 : vector<1x32xf32> to vector<32xf32>
    %broadcast_in_dim3A_33 = vector.shape_cast %get3A_32 : vector<32xf32> to vector<1x32xf32>
    %add3A_34 = vector.broadcast %broadcast_in_dim3A_33 : vector<1x32xf32> to vector<400x32xf32>
    %add3A_35 = arith.addf %div3A_28, %add3A_34 : vector<400x32xf32>
    %swap3A_36 = arith.constant 0 : index
    %swap3A_37 = arith.constant 32 : index
    %swap3A_38 = vector.load %arg3[%swap3A_36, %swap3A_37] : memref<400x128xf32, #tpu.memory_space<vmem>>, vector<400x32xf32>
    tpu.vector_store %arg3[%swap3A_36, %swap3A_37], %add3A_35 {strides = array<i32>} : memref<400x128xf32, #tpu.memory_space<vmem>>, vector<400x32xf32>,
    %slice3A_39 = vector.extract_strided_slice %add3A {offsets = [0, 64], sizes = [400, 32], strides = [1, 1]} : vector<400x144xf32> to vector<400x32xf32>
    %slice3A_40 = vector.extract_strided_slice %add3A {offsets = [0, 130], sizes = [400, 1], strides = [1, 1]} : vector<400x144xf32> to vector<400x1xf32>
    %add3A_41 = arith.constant 1.000000e-16 : f32
    %add3A_42 = vector.broadcast %add3A_41 : f32 to vector<400x1xf32>
    %add3A_43 = arith.addf %slice3A_40, %add3A_42 : vector<400x1xf32>
    %div3A_44 = vector.broadcast %add3A_43 : vector<400x1xf32> to vector<400x32xf32>
    %div3A_45 = arith.divf %slice3A_39, %div3A_44 : vector<400x32xf32>
    %get3A_46 = arith.constant 0 : index
    %get3A_47 = arith.constant 64 : index
    %get3A_48 = vector.load %arg2[%get3A_46, %get3A_47] : memref<1x128xf32, #tpu.memory_space<vmem>>, vector<1x32xf32>
    %get3A_49 = vector.shape_cast %get3A_48 : vector<1x32xf32> to vector<32xf32>
    %broadcast_in_dim3A_50 = vector.shape_cast %get3A_49 : vector<32xf32> to vector<1x32xf32>
    %add3A_51 = vector.broadcast %broadcast_in_dim3A_50 : vector<1x32xf32> to vector<400x32xf32>
    %add3A_52 = arith.addf %div3A_45, %add3A_51 : vector<400x32xf32>
    %swap3A_53 = arith.constant 0 : index
    %swap3A_54 = arith.constant 64 : index
    %swap3A_55 = vector.load %arg3[%swap3A_53, %swap3A_54] : memref<400x128xf32, #tpu.memory_space<vmem>>, vector<400x32xf32>
    tpu.vector_store %arg3[%swap3A_53, %swap3A_54], %add3A_52 {strides = array<i32>} : memref<400x128xf32, #tpu.memory_space<vmem>>, vector<400x32xf32>,
    %slice3A_56 = vector.extract_strided_slice %add3A {offsets = [0, 96], sizes = [400, 32], strides = [1, 1]} : vector<400x144xf32> to vector<400x32xf32>
    %slice3A_57 = vector.extract_strided_slice %add3A {offsets = [0, 131], sizes = [400, 1], strides = [1, 1]} : vector<400x144xf32> to vector<400x1xf32>
    %add3A_58 = arith.constant 1.000000e-16 : f32
    %add3A_59 = vector.broadcast %add3A_58 : f32 to vector<400x1xf32>
    %add3A_60 = arith.addf %slice3A_57, %add3A_59 : vector<400x1xf32>
    %div3A_61 = vector.broadcast %add3A_60 : vector<400x1xf32> to vector<400x32xf32>
    %div3A_62 = arith.divf %slice3A_56, %div3A_61 : vector<400x32xf32>
    %get3A_63 = arith.constant 0 : index
    %get3A_64 = arith.constant 96 : index
    %get3A_65 = vector.load %arg2[%get3A_63, %get3A_64] : memref<1x128xf32, #tpu.memory_space<vmem>>, vector<1x32xf32>
    %get3A_66 = vector.shape_cast %get3A_65 : vector<1x32xf32> to vector<32xf32>
    %broadcast_in_dim3A_67 = vector.shape_cast %get3A_66 : vector<32xf32> to vector<1x32xf32>
    %add3A_68 = vector.broadcast %broadcast_in_dim3A_67 : vector<1x32xf32> to vector<400x32xf32>
    %add3A_69 = arith.addf %div3A_62, %add3A_68 : vector<400x32xf32>
    %swap3A_70 = arith.constant 0 : index
    %swap3A_71 = arith.constant 96 : index
    %swap3A_72 = vector.load %arg3[%swap3A_70, %swap3A_71] : memref<400x128xf32, #tpu.memory_space<vmem>>, vector<400x32xf32>
    tpu.vector_store %arg3[%swap3A_70, %swap3A_71], %add3A_69 {strides = array<i32>} : memref<400x128xf32, #tpu.memory_space<vmem>>, vector<400x32xf32>,
    return
  }
  func.func @transform_0(%arg0: i32) -> (i32, i32, i32) {
    %c0_i32 = arith.constant 0 : i32
    %c0_i32_0 = arith.constant 0 : i32
    %c0_i32_1 = arith.constant 0 : i32
    return %c0_i32, %arg0, %c0_i32_0 : i32, i32, i32
  }
  func.func @transform_1(%arg0: i32) -> (i32, i32) {
    %c0_i32 = arith.constant 0 : i32
    %c0_i32_0 = arith.constant 0 : i32
    %c0_i32_1 = arith.constant 0 : i32
    return %c0_i32, %c0_i32_0 : i32, i32
  }
  func.func @transform_2(%arg0: i32) -> (i32, i32) {
    %c0_i32 = arith.constant 0 : i32
    %c0_i32_0 = arith.constant 0 : i32
    return %arg0, %c0_i32 : i32, i32
  }
}

</mosaic_0001>

<sc_bundles>
// kernel: kernel.5.cloned.1.call-start
scs
__scs_entry_jumppad:
0x0: {  	(pc) =	sbr.rel $0x88, $3  }
0x1: {  	(tag) =	ssettag $0x0;
	lr =	simm.s32 $0x1  }
0x2: {  	[smem:$0x3F9A] =	sst lr;
	_ =	strace $0xD0000000  }
0x3: {  	_ = 	snop  }
0x4: {  	_ = 	snop  }
0x5: {  	_ = 	snop  }
0x6: {  	_ = 	snop  }
0x7: {  	_ = 	snop  }
__scs_overlays_trampoline_lowered:
0x8: {  	[smem:$0x3FA9] =	sst s0  }
0x9: {  	[smem:$0x3FAA] =	sst s1  }
0xa: {  	[smem:$0x3FAB] =	sst s2  }
0xb: {  	[smem:$0x3FAC] =	sst s3  }
0xc: {  	[smem:$0x3FAD] =	sst s4  }
0xd: {  	[smem:$0x3FAE] =	sst s5  }
0xe: {  	[smem:$0x3FAF] =	sst s6  }
0xf: {  	[smem:$0x3FB0] =	sst s7  }
0x10: {  	[smem:$0x3FB1] =	sst s8  }
0x11: {  	[smem:$0x3FB2] =	sst s9;
	s0 =	simm.s32 @!p0 $0x0  }
0x12: {  	s1 =	sld [smem:$0x3F98];
	s0 =	simm.s32 @p0 $0x1  }
0x13: {  	[smem:$0x3FB3] =	sst s0;
	s0 =	simm.s32 @!p1 $0x0  }
0x14: {  	s2 =	sld [smem:$0x3F97];
	s0 =	simm.s32 @p1 $0x1  }
0x15: {  	[smem:$0x3FB4] =	sst s0;
	s0 =	simm.s32 @!p2 $0x0  }
0x16: {  	s3 =	sld [smem:$0x3FDB];
	s0 =	simm.s32 @p2 $0x1  }
0x17: {  	s4 =	simm.s32 $0x1BF5;
	[smem:$0x3FB6] =	sst s0  }
0x18: {  	s0 =	sld [smem:$0x3F99];
	_ =	swait.ge [sflag:s4], $0x0  }
0x19: {  	s7 =	sld [smem:$0x3F9A]  }
0x1a: {  	s8 =	sadd.s32 $0xFFFFE003, lr  }
0x1b: {  	s9 =	sadd.s32 $0xFFFFFEF7, lr;
	s5 =	simm.s32 $0xFFFFFFFF;
	p2 =	slt.u32 s8, $0xFFFFF086  }
0x1c: {  	p1 =	slt.u32 s9, $0xF7A;
	s5 =	simm.s32 @!p2 $0x0  }
0x1d: {  	s5 =	simm.s32 @p1 $0x1;
	p0 =	seq.s32 s7, s2  }
0x1e: {  	s7 =	smul.u32 @!p0 $0xF7A, s2;
	p2 =	seq.s32 @!p0 s5, $0x0  }
0x1f: {  	s9 =	smul.u32 $0xF7A, s1;
	s8 =	simm.s32 @!p0 $0x1BF5;
	p2 =	por !p2, p0  }
0x20: {  	[sflag:s8] =	ssyncset.s32 @!p0 $0xFFFFF086;
	s6 =	sadd.s32 @!p0 s3, s7;
	s7 =	simm.s32 @!p0 $0x108  }
0x21: {  	s3 =	sadd.s32 s3, s9;
	s6 =	sadd.s32 @!p0 $0x88, s6;
	s7 =	simm.s32 @p2 $0x1082  }
0x22: {  	[simem:s7], [sflag:s8] =	dma.local @!p0 [hbm:s6], $0xF7A  }
0x23: {  	s9 =	sor.u32 $0xD0000000, s2;
	s6 =	simm.s32 $0x108;
	_ =	swait.ge @!p0 [sflag:s8], $0x0  }
0x24: {  	s3 =	sadd.s32 $0x88, s3;
	s6 =	simm.s32 @!p1 $0x1082;
	[sflag:s4] =	ssyncset.s32 $0xFFFFF086  }
0x25: {  	[simem:s6], [sflag:s4] =	dma.local [hbm:s3], $0xF7A  }
0x26: {  	[smem:$0x3F9A] =	sst s1;
	(tag) =	ssettag s2;
	_ =	strace s9  }
0x27: {  	s1 =	sld [smem:$0x3FAA]  }
0x28: {  	s2 =	sld [smem:$0x3FAB]  }
0x29: {  	s4 =	sld [smem:$0x3FAD]  }
0x2a: {  	p0 =	seq.s32 s5, $0x0;
	s5 =	sld [smem:$0x3FAE]  }
0x2b: {  	s6 =	sld [smem:$0x3FAF]  }
0x2c: {  	s7 =	sld [smem:$0x3FB0]  }
0x2d: {  	s3 =	simm.s32 $0x108;
	s8 =	sld [smem:$0x3FB1]  }
0x2e: {  	s3 =	simm.s32 @!p0 $0x1082;
	s9 =	sld [smem:$0x3FB2]  }
0x2f: {  	lr =	sadd.s32 s0, s3;
	s0 =	sld [smem:$0x3FA9]  }
0x30: {  	s3 =	sld [smem:$0x3FAC]  }
0x31: {  	[smem:$0x3FB5] =	sst s10  }
0x32: {  	s10 =	sld [smem:$0x3FB3];
	_ =	sdelay $0x3  }
0x33: {  	p0 =	seq.s32 s10, $0x1;
	s10 =	sld [smem:$0x3FB5];
	_ =	sdelay $0x3  }
0x34: {  	[smem:$0x3FB5] =	sst s10  }
0x35: {  	s10 =	sld [smem:$0x3FB4];
	_ =	sdelay $0x3  }
0x36: {  	p1 =	seq.s32 s10, $0x1;
	s10 =	sld [smem:$0x3FB5];
	_ =	sdelay $0x3  }
0x37: {  	[smem:$0x3FB5] =	sst s10  }
0x38: {  	s10 =	sld [smem:$0x3FB6]  }
0x39: {  	_ = 	snop;
	(pc) =	sbr.ind lr, $3  }
0x3a: {  	_ = 	snop  }
0x3b: {  	_ = 	snop  }
0x3c: {  	p2 =	seq.s32 s10, $0x1;
	s10 =	sld [smem:$0x3FB5]  }
0x3d: {  	_ =	shalt  }
0x3e: {  	_ =	shalt  }
0x3f: {  	_ =	shalt  }
0x40: {  	_ =	shalt  }
0x41: {  	_ =	shalt  }
0x42: {  	_ =	shalt  }
0x43: {  	_ =	shalt  }
0x44: {  	_ =	shalt  }
0x45: {  	_ =	shalt  }
0x46: {  	_ =	shalt  }
0x47: {  	_ =	shalt  }
0x48: {  	_ =	shalt  }
0x49: {  	_ =	shalt  }
0x4a: {  	_ =	shalt  }
0x4b: {  	_ =	shalt  }
0x4c: {  	_ =	shalt  }
0x4d: {  	_ =	shalt  }
0x4e: {  	_ =	shalt  }
0x4f: {  	_ =	shalt  }
0x50: {  	_ =	shalt  }
0x51: {  	_ =	shalt  }
0x52: {  	_ =	shalt  }
0x53: {  	_ =	shalt  }
0x54: {  	_ =	shalt  }
0x55: {  	_ =	shalt  }
0x56: {  	_ =	shalt  }
0x57: {  	_ =	shalt  }
0x58: {  	_ =	shalt  }
0x59: {  	_ =	shalt  }
0x5a: {  	_ =	shalt  }
0x5b: {  	_ =	shalt  }
0x5c: {  	_ =	shalt  }
0x5d: {  	_ =	shalt  }
0x5e: {  	_ =	shalt  }
0x5f: {  	_ =	shalt  }
0x60: {  	_ =	shalt  }
0x61: {  	_ =	shalt  }
0x62: {  	_ =	shalt  }
0x63: {  	_ =	shalt  }
0x64: {  	_ =	shalt  }
0x65: {  	_ =	shalt  }
0x66: {  	_ =	shalt  }
0x67: {  	_ =	shalt  }
0x68: {  	_ =	shalt  }
0x69: {  	_ =	shalt  }
0x6a: {  	_ =	shalt  }
0x6b: {  	_ =	shalt  }
0x6c: {  	_ =	shalt  }
0x6d: {  	_ =	shalt  }
0x6e: {  	_ =	shalt  }
0x6f: {  	_ =	shalt  }
0x70: {  	_ =	shalt  }
0x71: {  	_ =	shalt  }
0x72: {  	_ =	shalt  }
0x73: {  	_ =	shalt  }
0x74: {  	_ =	shalt  }
0x75: {  	_ =	shalt  }
0x76: {  	_ =	shalt  }
0x77: {  	_ =	shalt  }
0x78: {  	_ =	shalt  }
0x79: {  	_ =	shalt  }
0x7a: {  	_ =	shalt  }
0x7b: {  	_ =	shalt  }
0x7c: {  	_ =	shalt  }
0x7d: {  	_ =	shalt  }
0x7e: {  	_ =	shalt  }
0x7f: {  	_ =	shalt  }
0x80: {  	_ =	shalt  }
0x81: {  	_ =	shalt  }
0x82: {  	_ =	shalt  }
0x83: {  	_ =	shalt  }
0x84: {  	_ =	shalt  }
0x85: {  	_ =	shalt  }
0x86: {  	_ =	shalt  }
0x87: {  	_ =	shalt  }
.Lfunc_end0:
.L_simem_size_0:
called_computation_lowered:
.L_overlay_start_0:
0x88: {  	s2 =	sld [smem:$0x3FD9]  }
0x89: {  	s3 =	sld [smem:$0x3FFE];
	_ =	sdelay $0x1  }
0x8a: {  	s1 =	srdreg.scid  }
0x8b: {  	s0 =	sand.u32 $0x1, s1  }
0x8c: {  	s17 =	sshll.u32 s0, $0xA;
	s2 =	sadd.s32 s3, s2  }
0x8d: {  	s2 =	sadd.s32 s2, s17  }
0x8e: {  	[smem:$0x3FC1] =	sst s2  }
0x8f: {  	_ = 	snop  }
0x90: {  	s2 =	sld [smem:$0x3FD0];
	(tm) =	ssettm $0x1  }
0x91: {  	s18 =	sld [smem:$0x3FFB];
	_ =	sdelay $0x3  }
0x92: {  	_ =	strace s18  }
0x93: {  	s3 =	sld [smem:$0x3FFC];
	_ =	sdelay $0x3  }
0x94: {  	_ =	strace s3  }
0x95: {  	s3 =	sld [smem:$0x3FFD];
	_ =	sdelay $0x3  }
0x96: {  	_ =	strace s3  }
0x97: {  	_ =	strace $0x8FFFFFFF  }
0x98: {  	s19 =	sld [smem:$0x3FDB];
	_ =	sdelay $0x1  }
0x99: {  	s4 =	simm.s32 $_scs_section_size  }
0x9a: {  	s5 =	simm.s32 $_size__tile_overlayer_lowered;
	s6 =	simm.s32 $_tile_overlayer_lowered  }
0x9b: {  	s22 =	simm.s32 $0x1BFF;
	s21 =	sshll.u32 s6, $0x1;
	s3 =	sadd.s32 s4, s19  }
0x9c: {  	s7 =	simm.s32 $0x0;
	s20 =	sshll.u32 s5, $0x1;
	s5 =	sadd.s32 s21, s3  }
0x9d: {  	[timem:s7], [sflag:s22] =	dma.local [hbm:s5], s20  }
0x9e: {  	_ =	swait.ge [sflag:s22], s20  }
0x9f: {  	s4 =	ssub.s32 $0x0, s20;
	[sflag:s22] =	ssyncset.done $0x0  }
0xa0: {  	[sflag:s22] =	ssyncadd.s32 s4;
	_ =	sdelay $0x1  }
0xa1: {  	s23 =	simm.s32 $0x1B8B  }
0xa2: {  	_ =	swait.ge [sflag:s23], $0x1  }
0xa3: {  	[sflag:s23] =	ssyncset.done $0x0  }
0xa4: {  	s25 =	simm.s32 $0x1B8E;
	s24 =	sld [smem:$0x3FFE];
	[sflag:s23] =	ssyncadd.s32 $0xFFFFFFFF  }
0xa5: {  	s26 =	simm.s32 $execute0_lowered;
	[smem:$0x3FD2] =	sst s25  }
0xa6: {  	s5 =	sshll.u32 s26, $0x1;
	_ =	strace $0x80000046;
	[dreg:$0x1] =	wrdreg $0xFFFFFFFF  }
0xa7: {  	s28 =	simm.s32 $_size_execute0_lowered;
	s3 =	sadd.s32 s3, s5;
	[dreg:$0x0] =	wrdreg $0x0  }
0xa8: {  	s5 =	sshll.u32 s28, $0x1;
	[dreg:$0x2] =	wrdreg s3  }
0xa9: {  	[dreg:$0x3] =	wrdreg s5  }
0xaa: {  	[dreg:$0x4] =	wrdreg $0xC0  }
0xab: {  	_ =	task [dreg:s7], $0x5FFFF  }
0xac: {  	[dreg:$0x1] =	wrdreg $0xFFFFFFFF  }
0xad: {  	[dreg:$0x0] =	wrdreg $0x60  }
0xae: {  	[dreg:$0x2] =	wrdreg s24  }
0xaf: {  	[dreg:$0x3] =	wrdreg s2  }
0xb0: {  	[dreg:$0x4] =	wrdreg $0x8D600  }
0xb1: {  	[dreg:$0x5] =	wrdreg $0x9  }
0xb2: {  	_ =	task.clear_ibuf [dreg:s7], $0x6FFFF;
	_ =	strace $0x90000046  }
0xb3: {  	s29 =	simm.s32 $0x9;
	_ =	strace $0x80000048  }
0xb4: {  	_ =	swait.ge [sflag:s29], $0x1  }
0xb5: {  	[sflag:s29] =	ssyncadd.s32 $0xFFFFFFFF  }
0xb6: {  	_ =	strace $0x90000048  }
0xb7: {  	_ =	sfence  }
0xb8: {  	s30 =	sld [smem:$0x0];
	_ =	sdelay $0x2  }
0xb9: {  	s31 =	sshll.u32 s1, $0xD;
	s1 =	sshrl.u32 s1, $0x2  }
0xba: {  	s3 =	sand.u32 $0x4000, s31;
	s1 =	sadd.s32 s1, s30  }
0xbb: {  	s0 =	sor.u32 s3, s0;
	s1 =	sshll.u32 s1, $0x11  }
0xbc: {  	s0 =	sor.u32 s1, s0  }
0xbd: {  	s0 =	sadd.s32 $0x8F2B, s0  }
0xbe: {  	[sflag:s0] =	ssyncadd.remote.s32 $0x1  }
0xbf: {  	_ =	sfence.sel $0xFFFF  }
0xc0: {  	[dreg:$0x0] =	wrdreg $0xFFFFFFFF;
	(pc) =	sbr.abs _section_cstart, $3  }
0xc1: {  	[dreg:$0x1] =	wrdreg $0xFFFFFFFF  }
0xc2: {  	_ =	task.clear_ibuf [dreg:s7], $0x2FFFF;
	_ =	strace $0x9FFFFFFF  }
0xc3: {  	(tm) =	ssettm $0x7FFFFFFF  }
tec
execute0_lowered:
.L_overlay_start_1:
0x0: {  	(tag) =	ssettag $0x1  }
0x1: {  	s0 =	rddreg [dreg:$0x0]  }
0x2: {  	s1 =	rddreg [dreg:$0x1]  }
0x3: {  	s3 =	rddreg [dreg:$0x2];
	s4 =	simm.s32 $0x0;
	s14 =	stileid.u32  }
0x4: {  	s2 =	srdreg.scid;
	s28 =	simm.s32 $0x4E0;
	s29 =	simm.s32 $0x45E0  }
0x5: {  	s30 =	simm.s32 $0x270;
	s31 =	simm.s32 $0x340;
	[smem:$0x7FF] =	sst s4  }
0x6: {  	s9 =	smul.u32 $0x16380, s14;
	s2 =	sand.u32 $0x1, s2;
	s5 =	sadd.s32 $0x14C00, s0  }
0x7: {  	s6 =	sadd.s32 $0xA800, s0;
	s7 =	sadd.s32 $0x76800, s0;
	s8 =	sadd.s32 $0x400, s0  }
0x8: {  	s12 =	sshll.u32 s14, $0x1;
	s17 =	sshll.u32 s14, $0x6;
	s14 =	simm.s32 $0x52E0  }
0x9: {  	s15 =	simm.s32 $0x6;
	_ =	strace $0x80000047;
	s10 =	smul.u32 $0x163800, s2  }
0xa: {  	s13 =	ssub.s32 $0x2, s2;
	s2 =	sor.u32 s2, s12;
	s17 =	sor.u32 $0x1C07, s17  }
0xb: {  	s12 =	simm.s32 $0x1;
	s11 =	sshrl.u32 s9, $0x3;
	s16 =	sshrl.u32 s13, $0x1  }
0xc: {  	s2 =	smul.u32 $0x28A0, s2;
	[dreg:$0x5] =	wrdreg s17;
	s11 =	sadd.s32 s11, s0  }
0xd: {  	s10 =	sadd.s32 s9, s10;
	s9 =	sadd.s32 s9, s3;
	s11 =	sadd.s32 $0x80C00, s11  }
0xe: {  	s10 =	sshrl.u32 s10, $0x3;
	s25 =	sadd.s32 $0x1A0, s2;
	[dreg:$0x4] =	wrdreg s11  }
0xf: {  	s18 =	sshrl.u32 s2, $0x3;
	s2 =	sadd.s32 $0x270, s2;
	[dreg:$0xc] =	wrdreg s25  }
0x10: {  	s9 =	sshrl.u32 s9, $0x3;
	s0 =	sadd.s32 s10, s0;
	[dreg:$0xd] =	wrdreg s2  }
0x11: {  	s10 =	ssub.s32 s13, s16;
	s19 =	sadd.s32 s6, s18;
	[dreg:$0x10] =	wrdreg s9  }
0x12: {  	s20 =	sadd.s32 s7, s18;
	s21 =	sadd.s32 $0x1A, s18;
	[dreg:$0x6] =	wrdreg s19  }
0x13: {  	s11 =	sadd.s32 s8, s18;
	s25 =	simm.s32 $0x5;
	[dreg:$0x7] =	wrdreg s20  }
0x14: {  	s13 =	simm.s32 $0x3;
	[dreg:$0x8] =	wrdreg s11;
	s22 =	sadd.s32 s6, s21  }
0x15: {  	s16 =	simm.s32 $0x2;
	s23 =	sadd.s32 s7, s21;
	[dreg:$0x9] =	wrdreg s22  }
0x16: {  	s24 =	sadd.s32 s8, s21;
	s0 =	sadd.s32 $0xAD400, s0;
	[dreg:$0xa] =	wrdreg s23  }
0x17: {  	s26 =	smax.u32 s10, $0x1;
	s11 =	simm.s32 $0x4C60;
	[dreg:$0xb] =	wrdreg s24  }
0x18: {  	s19 =	simm.s32 $0x4;
	s10 =	simm.s32 $0x0;
	[dreg:$0xe] =	wrdreg s0  }
0x19: {  	vm0 =	vmmov $0xf;
	v0 =	vimm.s32 $0x0;
	[dreg:$0xf] =	wrdreg s26;
	s22 =	simm.s32 $0x7;
	s23 =	simm.s32 $0xD0  }
0x1a: {  	v1 =	vimm.s32 $0x1;
	v2 =	vimm.s32 $0x2;
	v3 =	vimm.s32 $0x3;
	s24 =	simm.s32 $0x1A0;
	s26 =	simm.s32 $0x68;
	s0 =	simm.s32 $0x410  }
.LBB2_1:
0x1b: {  	[dreg:$0x11] =	wrdreg s10  }
0x1c: {  	s2 =	rddreg [dreg:$0x4]  }
0x1d: {  	[spmem:s9], [sflag:s17] =	dma.local [hbm:s2], $0x2C70  }
0x1e: {  	_ =	swait.ge [sflag:s22], $0x2C70  }
0x1f: {  	[sflag:s22] =	ssyncset.done $0x0  }
0x20: {  	s9 =	rddreg [dreg:$0x6];
	[sflag:s22] =	ssyncadd.s32 $0xFFFFD390  }
0x21: {  	[tilespmem:s4], [sflag:$0x5] =	stream.linear.gather [hbm4b:s9+s4], $0xD0, $0x38;
	[tilespmem:$0x1F0E0] =	vst v63  }
0x22: {  	s10 =	rddreg [dreg:$0x7]  }
0x23: {  	[tilespmem:s23], [sflag:$0x5] =	stream.linear.gather [hbm4b:s10+s4], $0xD0, $0x38;
	[tilespmem:$0x1F0E0] =	vst v63  }
0x24: {  	s17 =	rddreg [dreg:$0x8]  }
0x25: {  	[tilespmem:s24], [sflag:$0x5] =	stream.linear.gather [hbm4b:s17+s4], $0xD0, $0x38;
	[tilespmem:$0x1F0E0] =	vst v63  }
0x26: {  	_ =	swait.ge [sflag:s25], $0xD0  }
0x27: {  	[sflag:s25] =	ssyncset.done $0x0  }
0x28: {  	[sflag:s25] =	ssyncadd.s32 $0xFFFFFF30  }
0x29: {  	_ =	swait.ge [sflag:s25], $0xD0  }
0x2a: {  	[sflag:s25] =	ssyncset.done $0x0  }
0x2b: {  	[sflag:s25] =	ssyncadd.s32 $0xFFFFFF30  }
0x2c: {  	_ =	swait.ge [sflag:s25], $0xD0  }
0x2d: {  	[sflag:s25] =	ssyncset.done $0x0  }
0x2e: {  	[sflag:s25] =	ssyncadd.s32 $0xFFFFFF30  }
0x2f: {  	v4 =	vld [tilespmem:$0x1A0]  }
0x30: {  	v5 =	vld [tilespmem:$0x0]  }
0x31: {  	v6 =	vld [tilespmem:$0xD0]  }
0x32: {  	v7 =	vld [tilespmem:$0x1B0]  }
0x33: {  	v8 =	vld [tilespmem:$0x10]  }
0x34: {  	v9 =	vld [tilespmem:$0xE0]  }
0x35: {  	v10 =	vld [tilespmem:$0x1C0]  }
0x36: {  	v11 =	vld [tilespmem:$0x20]  }
0x37: {  	v12 =	vld [tilespmem:$0xF0]  }
0x38: {  	v13 =	vld [tilespmem:$0x1D0];
	v4 =	vmul.u32 $0x2710, v4  }
0x39: {  	v14 =	vld [tilespmem:$0x30]  }
0x3a: {  	v15 =	vld [tilespmem:$0x100];
	v7 =	vmul.u32 $0x2710, v7;
	v5 =	vadd.s32 v5, v4  }
0x3b: {  	v4 =	vadd.s32 v4, v6;
	[tilespmem:$0x0] =	vst v5;
	v5 =	vld [tilespmem:$0x1E0]  }
0x3c: {  	v58 =	vld [tilespmem:$0x40];
	v57 =	vmul.u32 $0x2710, v10;
	[tilespmem:$0x1A0] =	vst v4;
	v4 =	vadd.s32 v8, v7  }
0x3d: {  	v59 =	vld [tilespmem:$0x1F0];
	[tilespmem:$0x10] =	vst v4;
	v4 =	vadd.s32 v7, v9  }
0x3e: {  	v61 =	vld [tilespmem:$0x110];
	v60 =	vmul.u32 $0x2710, v13;
	[tilespmem:$0x1B0] =	vst v4;
	v4 =	vadd.s32 v11, v57  }
0x3f: {  	v62 =	vld [tilespmem:$0x50];
	[tilespmem:$0x20] =	vst v4;
	v4 =	vadd.s32 v57, v12  }
0x40: {  	v63 =	vld [tilespmem:$0x120];
	[tilespmem:$0x1C0] =	vst v4;
	v4 =	vadd.s32 v14, v60;
	v5 =	vmul.u32 $0x2710, v5  }
0x41: {  	[tilespmem:$0x30] =	vst v4;
	v4 =	vadd.s32 v60, v15  }
0x42: {  	v7 =	vmul.u32 $0x2710, v59;
	[tilespmem:$0x1D0] =	vst v4;
	v4 =	vadd.s32 v58, v5  }
0x43: {  	[tilespmem:$0x40] =	vst v4;
	v4 =	vadd.s32 v5, v61  }
0x44: {  	[tilespmem:$0x1E0] =	vst v4;
	v4 =	vadd.s32 v62, v7  }
0x45: {  	[tilespmem:$0x50] =	vst v4;
	v4 =	vadd.s32 v7, v63  }
0x46: {  	[tilespmem:$0x1F0] =	vst v4  }
0x47: {  	[tilespmem:s28], [sflag:$0x1] =	stream.indirect.gather [hbm4b:s5+s26], $0x50, s4, s26, $0xb8;
	[tilespmem:$0x1F0E0] =	vst v63  }
0x48: {  	_ = 	snop  }
0x49: {  	[tilespmem:s29], [sflag:$0x3] =	stream.indirect.gather [hbm4b:s1+s26], $0x10, s24, s26, $0xb8;
	[tilespmem:$0x1F0E0] =	vst v63  }
0x4a: {  	s18 =	rddreg [dreg:$0x9]  }
0x4b: {  	[tilespmem:s30], [sflag:$0x6] =	stream.linear.gather [hbm4b:s18+s4], $0xD0, $0x38;
	[tilespmem:$0x1F0E0] =	vst v63  }
0x4c: {  	s20 =	rddreg [dreg:$0xa]  }
0x4d: {  	[tilespmem:s31], [sflag:$0x6] =	stream.linear.gather [hbm4b:s20+s4], $0xD0, $0x38;
	[tilespmem:$0x1F0E0] =	vst v63  }
0x4e: {  	s21 =	rddreg [dreg:$0xb]  }
0x4f: {  	[tilespmem:s0], [sflag:$0x6] =	stream.linear.gather [hbm4b:s21+s4], $0xD0, $0x38;
	[tilespmem:$0x1F0E0] =	vst v63  }
0x50: {  	s20 =	simm.s32 $0x0;
	[bflag:$0x0] =	sbarrier.arrive $0xFFFF  }
.LBB2_2:
0x51: {  	v4 =	vld [tilespmem:$0x208]  }
0x52: {  	v5 =	vld [tilespmem:$0x68]  }
0x53: {  	v6 =	vld [tilespmem:$0x138]  }
0x54: {  	v7 =	vld [tilespmem:$0x218]  }
0x55: {  	v8 =	vld [tilespmem:$0x78]  }
0x56: {  	v9 =	vld [tilespmem:$0x148]  }
0x57: {  	v10 =	vld [tilespmem:$0x228]  }
0x58: {  	v11 =	vld [tilespmem:$0x88]  }
0x59: {  	v12 =	vld [tilespmem:$0x158]  }
0x5a: {  	v13 =	vld [tilespmem:$0x238];
	v4 =	vmul.u32 $0x2710, v4  }
0x5b: {  	v14 =	vld [tilespmem:$0x98]  }
0x5c: {  	v15 =	vld [tilespmem:$0x168];
	v7 =	vmul.u32 $0x2710, v7;
	v5 =	vadd.s32 v5, v4  }
0x5d: {  	v4 =	vadd.s32 v4, v6;
	[tilespmem:$0x68] =	vst v5;
	v5 =	vld [tilespmem:$0x248]  }
0x5e: {  	v60 =	vld [tilespmem:$0xA8];
	v6 =	vmul.u32 $0x2710, v10;
	[tilespmem:$0x208] =	vst v4;
	v4 =	vadd.s32 v8, v7  }
0x5f: {  	[tilespmem:$0x78] =	vst v4;
	v4 =	vadd.s32 v7, v9;
	v7 =	vld [tilespmem:$0x258]  }
0x60: {  	v62 =	vld [tilespmem:$0x178];
	v61 =	vmul.u32 $0x2710, v13;
	[tilespmem:$0x218] =	vst v4;
	v4 =	vadd.s32 v11, v6  }
0x61: {  	[tilespmem:$0x88] =	vst v4;
	v4 =	vadd.s32 v6, v12;
	v6 =	vld [tilespmem:$0xB8]  }
0x62: {  	v63 =	vld [tilespmem:$0x188];
	[tilespmem:$0x228] =	vst v4;
	v4 =	vadd.s32 v14, v61;
	v5 =	vmul.u32 $0x2710, v5  }
0x63: {  	[tilespmem:$0x98] =	vst v4;
	v4 =	vadd.s32 v61, v15  }
0x64: {  	[tilespmem:$0x238] =	vst v4;
	v7 =	vmul.u32 $0x2710, v7;
	v4 =	vadd.s32 v60, v5  }
0x65: {  	[tilespmem:$0xA8] =	vst v4;
	v4 =	vadd.s32 v5, v62  }
0x66: {  	[tilespmem:$0x248] =	vst v4;
	v4 =	vadd.s32 v6, v7  }
0x67: {  	[tilespmem:$0xB8] =	vst v4;
	v4 =	vadd.s32 v7, v63  }
0x68: {  	s2 =	simm.s32 $0x2560;
	[tilespmem:$0x258] =	vst v4  }
0x69: {  	[tilespmem:s2], [sflag:$0x2] =	stream.indirect.gather [hbm4b:s5+s26], $0x50, s26, s26, $0xb8;
	[tilespmem:$0x1F0E0] =	vst v63  }
0x6a: {  	s21 =	simm.s32 $0x208  }
0x6b: {  	[tilespmem:s11], [sflag:$0x4] =	stream.indirect.gather [hbm4b:s1+s26], $0x10, s21, s26, $0xb8;
	[tilespmem:$0x1F0E0] =	vst v63  }
0x6c: {  	_ =	swait.ge [sflag:s12], $0x2080  }
0x6d: {  	[sflag:s12] =	ssyncset.done $0x0  }
0x6e: {  	[sflag:s12] =	ssyncadd.s32 $0xFFFFDF80  }
0x6f: {  	_ =	swait.ge [sflag:s13], $0x680  }
0x70: {  	[sflag:s13] =	ssyncset.done $0x0  }
0x71: {  	s10 =	simm.s32 $0x500;
	[sflag:s13] =	ssyncadd.s32 $0xFFFFF980  }
0x72: {  	s9 =	simm.s32 $0x0;
	v4 =	vld [tilespmem:s10+$0x20]  }
0x73: {  	v5 =	vld [tilespmem:s9+$0x45E0];
	_ =	sdelay $0x4  }
0x74: {  	v4 =	vadd.f32 v5, v4;
	_ =	sdelay $0x1  }
0x75: {  	v5 =	vmul.f32 $2.000000030e-01, v4  }
0x76: {  	vm1 =	vge.f32 v4, $0.0e+00  }
0x77: {  	v4 =	vsel vm1, v4, v5  }
0x78: {  	v4 =	vmul.f32 $1.442695020e+00, v4;
	_ =	sdelay $0x1  }
0x79: {  	(erf) = vpow2.f32 v4;
	_ =	sdelay $0x5  }
0x7a: {  	v4 =	vld [tilespmem:s10+$0xFFFFFFE0];
	_ =	sdelay $0x2  }
0x7b: {  	v6 =	vpop (erf)  }
0x7c: {  	v5 =	vperm.xlane v6, v0  }
0x7d: {  	v7 =	vshll.u32 v4, $0x10  }
0x7e: {  	v4 =	vand.u32 $0xFFFF0000, v4;
	v7 =	vmul.f32 v7, v5  }
0x7f: {  	s21 =	simm.s32 $0x5320;
	v4 =	vmul.f32 v4, v5  }
0x80: {  	[tilespmem:s21+$0xFFFFFFC0] =	vst v7  }
0x81: {  	[tilespmem:s21+$0xFFFFFFD0] =	vst v4  }
0x82: {  	v4 =	vld [tilespmem:s10+$0xFFFFFFF0];
	_ =	sdelay $0x3  }
0x83: {  	v5 =	vperm.xlane v6, v1  }
0x84: {  	v7 =	vshll.u32 v4, $0x10  }
0x85: {  	v4 =	vand.u32 $0xFFFF0000, v4;
	v7 =	vmul.f32 v7, v5  }
0x86: {  	v4 =	vmul.f32 v4, v5  }
0x87: {  	[tilespmem:s21+$0xFFFFFFE0] =	vst v7  }
0x88: {  	[tilespmem:s21+$0xFFFFFFF0] =	vst v4  }
0x89: {  	v4 =	vld [tilespmem:s10+$0x0];
	_ =	sdelay $0x3  }
0x8a: {  	v5 =	vperm.xlane v6, v2  }
0x8b: {  	v7 =	vshll.u32 v4, $0x10  }
0x8c: {  	v4 =	vand.u32 $0xFFFF0000, v4;
	v7 =	vmul.f32 v7, v5  }
0x8d: {  	v4 =	vmul.f32 v4, v5  }
0x8e: {  	[tilespmem:s21+$0x0] =	vst v7  }
0x8f: {  	[tilespmem:s21+$0x10] =	vst v4  }
0x90: {  	v7 =	vnsel vm0, $0x0, v6;
	v5 =	vld [tilespmem:s10+$0x10]  }
0x91: {  	s17 =	simm.s32 $0x40;
	s9 =	simm.s32 $0x5320;
	v4 =	vperm.xlane v6, v3;
	[tilespmem:s21+$0x40] =	vst v7  }
.LBB2_3:
0x92: {  	_ =	sdelay $0x2  }
0x93: {  	p0 =	sne.s32 s17, $0x19C0;
	s10 =	sadd.s32 $0x50, s10;
	s21 =	sadd.s32 $0x90, s21;
	v6 =	vshll.u32 v5, $0x10;
	v5 =	vand.u32 $0xFFFF0000, v5  }
0x94: {  	s18 =	smov.u32 s17;
	s17 =	sadd.s32 $0x40, s17;
	v6 =	vmul.f32 v6, v4;
	v4 =	vmul.f32 v5, v4;
	_ =	sdelay $0x1  }
0x95: {  	[tilespmem:s9+$0x20] =	vst v6  }
0x96: {  	[tilespmem:s9+$0x30] =	vst v4;
	s9 =	smov.u32 s21  }
0x97: {  	s18 =	sshra.s32 s18, $0x2;
	v4 =	vld [tilespmem:s10+$0x20]  }
0x98: {  	v5 =	vld [tilespmem:s18+$0x45E0];
	_ =	sdelay $0x4  }
0x99: {  	v4 =	vadd.f32 v5, v4;
	_ =	sdelay $0x1  }
0x9a: {  	v5 =	vmul.f32 $2.000000030e-01, v4  }
0x9b: {  	vm1 =	vge.f32 v4, $0.0e+00  }
0x9c: {  	v4 =	vsel vm1, v4, v5  }
0x9d: {  	v4 =	vmul.f32 $1.442695020e+00, v4;
	_ =	sdelay $0x1  }
0x9e: {  	(erf) = vpow2.f32 v4;
	_ =	sdelay $0x5  }
0x9f: {  	v4 =	vld [tilespmem:s10+$0xFFFFFFE0];
	_ =	sdelay $0x2  }
0xa0: {  	v6 =	vpop (erf)  }
0xa1: {  	v5 =	vperm.xlane v6, v0  }
0xa2: {  	v7 =	vshll.u32 v4, $0x10;
	v4 =	vand.u32 $0xFFFF0000, v4  }
0xa3: {  	v7 =	vmul.f32 v7, v5;
	v4 =	vmul.f32 v4, v5;
	_ =	sdelay $0x1  }
0xa4: {  	[tilespmem:s21+$0xFFFFFFC0] =	vst v7  }
0xa5: {  	[tilespmem:s21+$0xFFFFFFD0] =	vst v4  }
0xa6: {  	v4 =	vld [tilespmem:s10+$0xFFFFFFF0];
	_ =	sdelay $0x2  }
0xa7: {  	v5 =	vperm.xlane v6, v1;
	_ =	sdelay $0x1  }
0xa8: {  	v7 =	vshll.u32 v4, $0x10;
	v4 =	vand.u32 $0xFFFF0000, v4  }
0xa9: {  	v7 =	vmul.f32 v7, v5;
	v4 =	vmul.f32 v4, v5;
	_ =	sdelay $0x1  }
0xaa: {  	[tilespmem:s21+$0xFFFFFFE0] =	vst v7  }
0xab: {  	[tilespmem:s21+$0xFFFFFFF0] =	vst v4  }
0xac: {  	v4 =	vld [tilespmem:s10+$0x0];
	_ =	sdelay $0x1  }
0xad: {  	v5 =	vperm.xlane v6, v2;
	_ =	sdelay $0x2  }
0xae: {  	v7 =	vshll.u32 v4, $0x10;
	v4 =	vand.u32 $0xFFFF0000, v4  }
0xaf: {  	v7 =	vmul.f32 v7, v5;
	v4 =	vmul.f32 v4, v5  }
.Ltmp0:
0xb0: {  	(pc) =	sbr.rel @p0 .LBB2_3-.Ltmp0, $4  }
0xb1: {  	[tilespmem:s21+$0x0] =	vst v7  }
0xb2: {  	[tilespmem:s21+$0x10] =	vst v4  }
0xb3: {  	v7 =	vnsel vm0, $0x0, v6;
	v5 =	vld [tilespmem:s10+$0x10]  }
0xb4: {  	v4 =	vperm.xlane v6, v3;
	[tilespmem:s21+$0x40] =	vst v7  }
0xb5: {  	_ =	sdelay $0x2  }
0xb6: {  	v6 =	vshll.u32 v5, $0x10  }
0xb7: {  	v5 =	vand.u32 $0xFFFF0000, v5;
	v6 =	vmul.f32 v6, v4  }
0xb8: {  	v4 =	vmul.f32 v5, v4  }
0xb9: {  	[tilespmem:s9+$0x20] =	vst v6  }
0xba: {  	[tilespmem:s9+$0x30] =	vst v4  }
0xbb: {  	[spmem:s3] =	stream.indirect.scatter.add.f32 [tilespmem:s14], [sflag:$0x7], $0x90, s23, s26, $0xb8;
	[tilespmem:$0x1F0E0] =	vst v63  }
0xbc: {  	_ =	swait.ge [sflag:s22], $0x3A80  }
0xbd: {  	[sflag:s22] =	ssyncset.done $0x0  }
0xbe: {  	[sflag:s22] =	ssyncadd.s32 $0xFFFFC580  }
0xbf: {  	_ =	swait.ge [sflag:s15], $0xD0  }
0xc0: {  	[sflag:s15] =	ssyncset.done $0x0  }
0xc1: {  	[sflag:s15] =	ssyncadd.s32 $0xFFFFFF30  }
0xc2: {  	_ =	swait.ge [sflag:s15], $0xD0  }
0xc3: {  	[sflag:s15] =	ssyncset.done $0x0  }
0xc4: {  	[sflag:s15] =	ssyncadd.s32 $0xFFFFFF30  }
0xc5: {  	_ =	swait.ge [sflag:s15], $0xD0  }
0xc6: {  	[sflag:s15] =	ssyncset.done $0x0  }
0xc7: {  	[sflag:s15] =	ssyncadd.s32 $0xFFFFFF30  }
0xc8: {  	v4 =	vld [tilespmem:$0x410]  }
0xc9: {  	v5 =	vld [tilespmem:$0x270]  }
0xca: {  	v6 =	vld [tilespmem:$0x340]  }
0xcb: {  	v7 =	vld [tilespmem:$0x420]  }
0xcc: {  	v8 =	vld [tilespmem:$0x280]  }
0xcd: {  	v9 =	vld [tilespmem:$0x350]  }
0xce: {  	v10 =	vld [tilespmem:$0x430]  }
0xcf: {  	v11 =	vld [tilespmem:$0x290]  }
0xd0: {  	v12 =	vld [tilespmem:$0x360]  }
0xd1: {  	v13 =	vld [tilespmem:$0x440];
	v4 =	vmul.u32 $0x2710, v4  }
0xd2: {  	v14 =	vld [tilespmem:$0x2A0]  }
0xd3: {  	v15 =	vld [tilespmem:$0x370];
	v7 =	vmul.u32 $0x2710, v7;
	v5 =	vadd.s32 v5, v4  }
0xd4: {  	v4 =	vadd.s32 v4, v6;
	[tilespmem:$0x270] =	vst v5;
	v5 =	vld [tilespmem:$0x450]  }
0xd5: {  	v60 =	vld [tilespmem:$0x2B0];
	v6 =	vmul.u32 $0x2710, v10;
	[tilespmem:$0x410] =	vst v4;
	v4 =	vadd.s32 v8, v7  }
0xd6: {  	[tilespmem:$0x280] =	vst v4;
	v4 =	vadd.s32 v7, v9;
	v7 =	vld [tilespmem:$0x460]  }
0xd7: {  	v62 =	vld [tilespmem:$0x380];
	v61 =	vmul.u32 $0x2710, v13;
	[tilespmem:$0x420] =	vst v4;
	v4 =	vadd.s32 v11, v6  }
0xd8: {  	[tilespmem:$0x290] =	vst v4;
	v4 =	vadd.s32 v6, v12;
	v6 =	vld [tilespmem:$0x2C0]  }
0xd9: {  	v63 =	vld [tilespmem:$0x390];
	[tilespmem:$0x430] =	vst v4;
	v4 =	vadd.s32 v14, v61;
	v5 =	vmul.u32 $0x2710, v5  }
0xda: {  	[tilespmem:$0x2A0] =	vst v4;
	v4 =	vadd.s32 v61, v15  }
0xdb: {  	[tilespmem:$0x440] =	vst v4;
	v7 =	vmul.u32 $0x2710, v7;
	v4 =	vadd.s32 v60, v5  }
0xdc: {  	[tilespmem:$0x2B0] =	vst v4;
	v4 =	vadd.s32 v5, v62  }
0xdd: {  	[tilespmem:$0x450] =	vst v4;
	v4 =	vadd.s32 v6, v7  }
0xde: {  	[tilespmem:$0x2C0] =	vst v4;
	v4 =	vadd.s32 v7, v63  }
0xdf: {  	[tilespmem:$0x460] =	vst v4  }
0xe0: {  	[tilespmem:s28], [sflag:$0x1] =	stream.indirect.gather [hbm4b:s5+s26], $0x50, s30, s26, $0xb8;
	[tilespmem:$0x1F0E0] =	vst v63  }
0xe1: {  	_ = 	snop  }
0xe2: {  	[tilespmem:s29], [sflag:$0x3] =	stream.indirect.gather [hbm4b:s1+s26], $0x10, s0, s26, $0xb8;
	[tilespmem:$0x1F0E0] =	vst v63  }
0xe3: {  	_ =	swait.ge [sflag:s16], $0x2080  }
0xe4: {  	[sflag:s16] =	ssyncset.done $0x0  }
0xe5: {  	[sflag:s16] =	ssyncadd.s32 $0xFFFFDF80  }
0xe6: {  	_ =	swait.ge [sflag:s19], $0x680  }
0xe7: {  	[sflag:s19] =	ssyncset.done $0x0  }
0xe8: {  	s10 =	simm.s32 $0x2580;
	[sflag:s19] =	ssyncadd.s32 $0xFFFFF980  }
0xe9: {  	s21 =	simm.s32 $0x0;
	v4 =	vld [tilespmem:s10+$0x20]  }
0xea: {  	v5 =	vld [tilespmem:s21+$0x4C60];
	_ =	sdelay $0x4  }
0xeb: {  	v4 =	vadd.f32 v5, v4;
	_ =	sdelay $0x1  }
0xec: {  	v5 =	vmul.f32 $2.000000030e-01, v4  }
0xed: {  	vm1 =	vge.f32 v4, $0.0e+00  }
0xee: {  	v4 =	vsel vm1, v4, v5  }
0xef: {  	v4 =	vmul.f32 $1.442695020e+00, v4;
	_ =	sdelay $0x1  }
0xf0: {  	(erf) = vpow2.f32 v4;
	_ =	sdelay $0x5  }
0xf1: {  	v4 =	vld [tilespmem:s10+$0xFFFFFFE0];
	_ =	sdelay $0x2  }
0xf2: {  	v6 =	vpop (erf)  }
0xf3: {  	v5 =	vperm.xlane v6, v0  }
0xf4: {  	v7 =	vshll.u32 v4, $0x10  }
0xf5: {  	v4 =	vand.u32 $0xFFFF0000, v4;
	v7 =	vmul.f32 v7, v5  }
0xf6: {  	s21 =	simm.s32 $0x5320;
	v4 =	vmul.f32 v4, v5  }
0xf7: {  	[tilespmem:s21+$0xFFFFFFC0] =	vst v7  }
0xf8: {  	[tilespmem:s21+$0xFFFFFFD0] =	vst v4  }
0xf9: {  	v4 =	vld [tilespmem:s10+$0xFFFFFFF0];
	_ =	sdelay $0x3  }
0xfa: {  	v5 =	vperm.xlane v6, v1  }
0xfb: {  	v7 =	vshll.u32 v4, $0x10  }
0xfc: {  	v4 =	vand.u32 $0xFFFF0000, v4;
	v7 =	vmul.f32 v7, v5  }
0xfd: {  	v4 =	vmul.f32 v4, v5  }
0xfe: {  	[tilespmem:s21+$0xFFFFFFE0] =	vst v7  }
0xff: {  	[tilespmem:s21+$0xFFFFFFF0] =	vst v4  }
0x100: {  	v4 =	vld [tilespmem:s10+$0x0];
	_ =	sdelay $0x3  }
0x101: {  	v5 =	vperm.xlane v6, v2  }
0x102: {  	v7 =	vshll.u32 v4, $0x10  }
0x103: {  	v4 =	vand.u32 $0xFFFF0000, v4;
	v7 =	vmul.f32 v7, v5  }
0x104: {  	v4 =	vmul.f32 v4, v5  }
0x105: {  	[tilespmem:s21+$0x0] =	vst v7  }
0x106: {  	[tilespmem:s21+$0x10] =	vst v4  }
0x107: {  	v7 =	vnsel vm0, $0x0, v6;
	v5 =	vld [tilespmem:s10+$0x10]  }
0x108: {  	s17 =	simm.s32 $0x40;
	s9 =	simm.s32 $0x5320;
	v4 =	vperm.xlane v6, v3;
	[tilespmem:s21+$0x40] =	vst v7  }
.LBB2_5:
0x109: {  	_ =	sdelay $0x2  }
0x10a: {  	p0 =	sne.s32 s17, $0x19C0;
	s10 =	sadd.s32 $0x50, s10;
	s21 =	sadd.s32 $0x90, s21;
	v6 =	vshll.u32 v5, $0x10;
	v5 =	vand.u32 $0xFFFF0000, v5  }
0x10b: {  	s18 =	smov.u32 s17;
	s17 =	sadd.s32 $0x40, s17;
	v6 =	vmul.f32 v6, v4;
	v4 =	vmul.f32 v5, v4;
	_ =	sdelay $0x1  }
0x10c: {  	[tilespmem:s9+$0x20] =	vst v6  }
0x10d: {  	[tilespmem:s9+$0x30] =	vst v4;
	s9 =	smov.u32 s21  }
0x10e: {  	s18 =	sshra.s32 s18, $0x2;
	v4 =	vld [tilespmem:s10+$0x20]  }
0x10f: {  	v5 =	vld [tilespmem:s18+$0x4C60];
	_ =	sdelay $0x4  }
0x110: {  	v4 =	vadd.f32 v5, v4;
	_ =	sdelay $0x1  }
0x111: {  	v5 =	vmul.f32 $2.000000030e-01, v4  }
0x112: {  	vm1 =	vge.f32 v4, $0.0e+00  }
0x113: {  	v4 =	vsel vm1, v4, v5  }
0x114: {  	v4 =	vmul.f32 $1.442695020e+00, v4;
	_ =	sdelay $0x1  }
0x115: {  	(erf) = vpow2.f32 v4;
	_ =	sdelay $0x5  }
0x116: {  	v4 =	vld [tilespmem:s10+$0xFFFFFFE0];
	_ =	sdelay $0x2  }
0x117: {  	v6 =	vpop (erf)  }
0x118: {  	v5 =	vperm.xlane v6, v0  }
0x119: {  	v7 =	vshll.u32 v4, $0x10;
	v4 =	vand.u32 $0xFFFF0000, v4  }
0x11a: {  	v7 =	vmul.f32 v7, v5;
	v4 =	vmul.f32 v4, v5;
	_ =	sdelay $0x1  }
0x11b: {  	[tilespmem:s21+$0xFFFFFFC0] =	vst v7  }
0x11c: {  	[tilespmem:s21+$0xFFFFFFD0] =	vst v4  }
0x11d: {  	v4 =	vld [tilespmem:s10+$0xFFFFFFF0];
	_ =	sdelay $0x2  }
0x11e: {  	v5 =	vperm.xlane v6, v1;
	_ =	sdelay $0x1  }
0x11f: {  	v7 =	vshll.u32 v4, $0x10;
	v4 =	vand.u32 $0xFFFF0000, v4  }
0x120: {  	v7 =	vmul.f32 v7, v5;
	v4 =	vmul.f32 v4, v5;
	_ =	sdelay $0x1  }
0x121: {  	[tilespmem:s21+$0xFFFFFFE0] =	vst v7  }
0x122: {  	[tilespmem:s21+$0xFFFFFFF0] =	vst v4  }
0x123: {  	v4 =	vld [tilespmem:s10+$0x0];
	_ =	sdelay $0x1  }
0x124: {  	v5 =	vperm.xlane v6, v2;
	_ =	sdelay $0x2  }
0x125: {  	v7 =	vshll.u32 v4, $0x10;
	v4 =	vand.u32 $0xFFFF0000, v4  }
0x126: {  	v7 =	vmul.f32 v7, v5;
	v4 =	vmul.f32 v4, v5  }
.Ltmp1:
0x127: {  	(pc) =	sbr.rel @p0 .LBB2_5-.Ltmp1, $4  }
0x128: {  	[tilespmem:s21+$0x0] =	vst v7  }
0x129: {  	[tilespmem:s21+$0x10] =	vst v4  }
0x12a: {  	v7 =	vnsel vm0, $0x0, v6;
	v5 =	vld [tilespmem:s10+$0x10]  }
0x12b: {  	v4 =	vperm.xlane v6, v3;
	[tilespmem:s21+$0x40] =	vst v7  }
0x12c: {  	_ =	sdelay $0x2  }
0x12d: {  	v6 =	vshll.u32 v5, $0x10  }
0x12e: {  	v5 =	vand.u32 $0xFFFF0000, v5;
	v6 =	vmul.f32 v6, v4  }
0x12f: {  	v4 =	vmul.f32 v5, v4  }
0x130: {  	s10 =	sshll.u32 s20, $0x1;
	[tilespmem:s9+$0x20] =	vst v6  }
0x131: {  	s2 =	simm.s32 $0x138;
	s17 =	smin.u32 s10, $0x2F;
	[tilespmem:s9+$0x30] =	vst v4  }
0x132: {  	[spmem:s3] =	stream.indirect.scatter.add.f32 [tilespmem:s14], [sflag:$0x7], $0x90, s2, s26, $0xb8;
	[tilespmem:$0x1F0E0] =	vst v63  }
0x133: {  	s17 =	smul.u32 $0xD0, s17;
	_ =	swait.ge [sflag:s22], $0x3A80  }
0x134: {  	s18 =	rddreg [dreg:$0xc]  }
0x135: {  	s9 =	sadd.s32 s17, s18  }
0x136: {  	[sflag:s22] =	ssyncset.done $0x0;
	s9 =	sshrl.u32 s9, $0x3  }
0x137: {  	[sflag:s22] =	ssyncadd.s32 $0xFFFFC580;
	s18 =	simm.s32 $0x0;
	s21 =	sadd.s32 s6, s9  }
0x138: {  	[tilespmem:s18], [sflag:$0x5] =	stream.linear.gather [hbm4b:s21+s18], $0xD0, $0x38;
	[tilespmem:$0x1F0E0] =	vst v63  }
0x139: {  	s2 =	sadd.s32 s7, s9  }
0x13a: {  	[tilespmem:s23], [sflag:$0x5] =	stream.linear.gather [hbm4b:s2+s18], $0xD0, $0x38;
	[tilespmem:$0x1F0E0] =	vst v63  }
0x13b: {  	s9 =	sadd.s32 s8, s9  }
0x13c: {  	[tilespmem:s24], [sflag:$0x5] =	stream.linear.gather [hbm4b:s9+s18], $0xD0, $0x38;
	[tilespmem:$0x1F0E0] =	vst v63  }
0x13d: {  	v4 =	vld [tilespmem:$0x478]  }
0x13e: {  	v5 =	vld [tilespmem:$0x2D8]  }
0x13f: {  	v6 =	vld [tilespmem:$0x3A8]  }
0x140: {  	v7 =	vld [tilespmem:$0x488]  }
0x141: {  	v8 =	vld [tilespmem:$0x2E8]  }
0x142: {  	v9 =	vld [tilespmem:$0x3B8]  }
0x143: {  	v10 =	vld [tilespmem:$0x498]  }
0x144: {  	v11 =	vld [tilespmem:$0x2F8]  }
0x145: {  	v12 =	vld [tilespmem:$0x3C8]  }
0x146: {  	v13 =	vld [tilespmem:$0x4A8];
	v4 =	vmul.u32 $0x2710, v4  }
0x147: {  	v14 =	vld [tilespmem:$0x308]  }
0x148: {  	v15 =	vld [tilespmem:$0x3D8];
	v7 =	vmul.u32 $0x2710, v7;
	v5 =	vadd.s32 v5, v4  }
0x149: {  	v4 =	vadd.s32 v4, v6;
	[tilespmem:$0x2D8] =	vst v5;
	v5 =	vld [tilespmem:$0x4B8]  }
0x14a: {  	v60 =	vld [tilespmem:$0x318];
	v6 =	vmul.u32 $0x2710, v10;
	[tilespmem:$0x478] =	vst v4;
	v4 =	vadd.s32 v8, v7  }
0x14b: {  	[tilespmem:$0x2E8] =	vst v4;
	v4 =	vadd.s32 v7, v9;
	v7 =	vld [tilespmem:$0x4C8]  }
0x14c: {  	v62 =	vld [tilespmem:$0x3E8];
	v61 =	vmul.u32 $0x2710, v13;
	[tilespmem:$0x488] =	vst v4;
	v4 =	vadd.s32 v11, v6  }
0x14d: {  	[tilespmem:$0x2F8] =	vst v4;
	v4 =	vadd.s32 v6, v12;
	v6 =	vld [tilespmem:$0x328]  }
0x14e: {  	v63 =	vld [tilespmem:$0x3F8];
	[tilespmem:$0x498] =	vst v4;
	v4 =	vadd.s32 v14, v61;
	v5 =	vmul.u32 $0x2710, v5  }
0x14f: {  	[tilespmem:$0x308] =	vst v4;
	v4 =	vadd.s32 v61, v15  }
0x150: {  	[tilespmem:$0x4A8] =	vst v4;
	v7 =	vmul.u32 $0x2710, v7;
	v4 =	vadd.s32 v60, v5  }
0x151: {  	[tilespmem:$0x318] =	vst v4;
	v4 =	vadd.s32 v5, v62  }
0x152: {  	[tilespmem:$0x4B8] =	vst v4;
	v4 =	vadd.s32 v6, v7  }
0x153: {  	[tilespmem:$0x328] =	vst v4;
	v4 =	vadd.s32 v7, v63  }
0x154: {  	s21 =	simm.s32 $0x2D8;
	s18 =	simm.s32 $0x2560;
	[tilespmem:$0x4C8] =	vst v4  }
0x155: {  	[tilespmem:s18], [sflag:$0x2] =	stream.indirect.gather [hbm4b:s5+s26], $0x50, s21, s26, $0xb8;
	[tilespmem:$0x1F0E0] =	vst v63  }
0x156: {  	s17 =	simm.s32 $0x478  }
0x157: {  	[tilespmem:s11], [sflag:$0x4] =	stream.indirect.gather [hbm4b:s1+s26], $0x10, s17, s26, $0xb8;
	[tilespmem:$0x1F0E0] =	vst v63  }
0x158: {  	_ =	swait.ge [sflag:s12], $0x2080  }
0x159: {  	[sflag:s12] =	ssyncset.done $0x0  }
0x15a: {  	[sflag:s12] =	ssyncadd.s32 $0xFFFFDF80  }
0x15b: {  	_ =	swait.ge [sflag:s13], $0x680  }
0x15c: {  	[sflag:s13] =	ssyncset.done $0x0  }
0x15d: {  	s21 =	simm.s32 $0x500;
	[sflag:s13] =	ssyncadd.s32 $0xFFFFF980  }
0x15e: {  	s18 =	simm.s32 $0x0;
	v4 =	vld [tilespmem:s21+$0x20]  }
0x15f: {  	v5 =	vld [tilespmem:s18+$0x45E0];
	_ =	sdelay $0x4  }
0x160: {  	v4 =	vadd.f32 v5, v4;
	_ =	sdelay $0x1  }
0x161: {  	v5 =	vmul.f32 $2.000000030e-01, v4  }
0x162: {  	vm1 =	vge.f32 v4, $0.0e+00  }
0x163: {  	v4 =	vsel vm1, v4, v5  }
0x164: {  	v4 =	vmul.f32 $1.442695020e+00, v4;
	_ =	sdelay $0x1  }
0x165: {  	(erf) = vpow2.f32 v4;
	_ =	sdelay $0x5  }
0x166: {  	v4 =	vld [tilespmem:s21+$0xFFFFFFE0];
	_ =	sdelay $0x2  }
0x167: {  	v6 =	vpop (erf)  }
0x168: {  	v5 =	vperm.xlane v6, v0  }
0x169: {  	v7 =	vshll.u32 v4, $0x10  }
0x16a: {  	v4 =	vand.u32 $0xFFFF0000, v4;
	v7 =	vmul.f32 v7, v5  }
0x16b: {  	s9 =	simm.s32 $0x5320;
	v4 =	vmul.f32 v4, v5  }
0x16c: {  	[tilespmem:s9+$0xFFFFFFC0] =	vst v7  }
0x16d: {  	[tilespmem:s9+$0xFFFFFFD0] =	vst v4  }
0x16e: {  	v4 =	vld [tilespmem:s21+$0xFFFFFFF0];
	_ =	sdelay $0x3  }
0x16f: {  	v5 =	vperm.xlane v6, v1  }
0x170: {  	v7 =	vshll.u32 v4, $0x10  }
0x171: {  	v4 =	vand.u32 $0xFFFF0000, v4;
	v7 =	vmul.f32 v7, v5  }
0x172: {  	v4 =	vmul.f32 v4, v5  }
0x173: {  	[tilespmem:s9+$0xFFFFFFE0] =	vst v7  }
0x174: {  	[tilespmem:s9+$0xFFFFFFF0] =	vst v4  }
0x175: {  	v4 =	vld [tilespmem:s21+$0x0];
	_ =	sdelay $0x3  }
0x176: {  	v5 =	vperm.xlane v6, v2  }
0x177: {  	v7 =	vshll.u32 v4, $0x10  }
0x178: {  	v4 =	vand.u32 $0xFFFF0000, v4;
	v7 =	vmul.f32 v7, v5  }
0x179: {  	v4 =	vmul.f32 v4, v5  }
0x17a: {  	[tilespmem:s9+$0x0] =	vst v7  }
0x17b: {  	[tilespmem:s9+$0x10] =	vst v4  }
0x17c: {  	v7 =	vnsel vm0, $0x0, v6;
	v5 =	vld [tilespmem:s21+$0x10]  }
0x17d: {  	s17 =	simm.s32 $0x5320;
	s18 =	simm.s32 $0x40;
	v4 =	vperm.xlane v6, v3;
	[tilespmem:s9+$0x40] =	vst v7  }
.LBB2_7:
0x17e: {  	_ =	sdelay $0x2  }
0x17f: {  	p0 =	sne.s32 s18, $0x19C0;
	s21 =	sadd.s32 $0x50, s21;
	s9 =	sadd.s32 $0x90, s9;
	v6 =	vshll.u32 v5, $0x10;
	v5 =	vand.u32 $0xFFFF0000, v5  }
0x180: {  	s2 =	smov.u32 s18;
	s18 =	sadd.s32 $0x40, s18;
	v6 =	vmul.f32 v6, v4;
	v4 =	vmul.f32 v5, v4;
	_ =	sdelay $0x1  }
0x181: {  	[tilespmem:s17+$0x20] =	vst v6  }
0x182: {  	[tilespmem:s17+$0x30] =	vst v4;
	s17 =	smov.u32 s9  }
0x183: {  	s2 =	sshra.s32 s2, $0x2;
	v4 =	vld [tilespmem:s21+$0x20]  }
0x184: {  	v5 =	vld [tilespmem:s2+$0x45E0];
	_ =	sdelay $0x4  }
0x185: {  	v4 =	vadd.f32 v5, v4;
	_ =	sdelay $0x1  }
0x186: {  	v5 =	vmul.f32 $2.000000030e-01, v4  }
0x187: {  	vm1 =	vge.f32 v4, $0.0e+00  }
0x188: {  	v4 =	vsel vm1, v4, v5  }
0x189: {  	v4 =	vmul.f32 $1.442695020e+00, v4;
	_ =	sdelay $0x1  }
0x18a: {  	(erf) = vpow2.f32 v4;
	_ =	sdelay $0x5  }
0x18b: {  	v4 =	vld [tilespmem:s21+$0xFFFFFFE0];
	_ =	sdelay $0x2  }
0x18c: {  	v6 =	vpop (erf)  }
0x18d: {  	v5 =	vperm.xlane v6, v0  }
0x18e: {  	v7 =	vshll.u32 v4, $0x10;
	v4 =	vand.u32 $0xFFFF0000, v4  }
0x18f: {  	v7 =	vmul.f32 v7, v5;
	v4 =	vmul.f32 v4, v5;
	_ =	sdelay $0x1  }
0x190: {  	[tilespmem:s9+$0xFFFFFFC0] =	vst v7  }
0x191: {  	[tilespmem:s9+$0xFFFFFFD0] =	vst v4  }
0x192: {  	v4 =	vld [tilespmem:s21+$0xFFFFFFF0];
	_ =	sdelay $0x2  }
0x193: {  	v5 =	vperm.xlane v6, v1;
	_ =	sdelay $0x1  }
0x194: {  	v7 =	vshll.u32 v4, $0x10;
	v4 =	vand.u32 $0xFFFF0000, v4  }
0x195: {  	v7 =	vmul.f32 v7, v5;
	v4 =	vmul.f32 v4, v5;
	_ =	sdelay $0x1  }
0x196: {  	[tilespmem:s9+$0xFFFFFFE0] =	vst v7  }
0x197: {  	[tilespmem:s9+$0xFFFFFFF0] =	vst v4  }
0x198: {  	v4 =	vld [tilespmem:s21+$0x0];
	_ =	sdelay $0x1  }
0x199: {  	v5 =	vperm.xlane v6, v2;
	_ =	sdelay $0x2  }
0x19a: {  	v7 =	vshll.u32 v4, $0x10;
	v4 =	vand.u32 $0xFFFF0000, v4  }
0x19b: {  	v7 =	vmul.f32 v7, v5;
	v4 =	vmul.f32 v4, v5  }
.Ltmp2:
0x19c: {  	(pc) =	sbr.rel @p0 .LBB2_7-.Ltmp2, $4  }
0x19d: {  	[tilespmem:s9+$0x0] =	vst v7  }
0x19e: {  	[tilespmem:s9+$0x10] =	vst v4  }
0x19f: {  	v7 =	vnsel vm0, $0x0, v6;
	v5 =	vld [tilespmem:s21+$0x10]  }
0x1a0: {  	v4 =	vperm.xlane v6, v3;
	[tilespmem:s9+$0x40] =	vst v7  }
0x1a1: {  	_ =	sdelay $0x2  }
0x1a2: {  	v6 =	vshll.u32 v5, $0x10  }
0x1a3: {  	v5 =	vand.u32 $0xFFFF0000, v5;
	v6 =	vmul.f32 v6, v4  }
0x1a4: {  	v4 =	vmul.f32 v5, v4  }
0x1a5: {  	[tilespmem:s17+$0x20] =	vst v6  }
0x1a6: {  	[tilespmem:s17+$0x30] =	vst v4  }
0x1a7: {  	[spmem:s3] =	stream.indirect.scatter.add.f32 [tilespmem:s14], [sflag:$0x7], $0x90, s31, s26, $0xb8;
	[tilespmem:$0x1F0E0] =	vst v63  }
0x1a8: {  	_ =	swait.ge [sflag:s22], $0x3A80  }
0x1a9: {  	[sflag:s22] =	ssyncset.done $0x0  }
0x1aa: {  	[sflag:s22] =	ssyncadd.s32 $0xFFFFC580  }
0x1ab: {  	_ =	swait.ge [sflag:s25], $0xD0  }
0x1ac: {  	[sflag:s25] =	ssyncset.done $0x0  }
0x1ad: {  	[sflag:s25] =	ssyncadd.s32 $0xFFFFFF30  }
0x1ae: {  	_ =	swait.ge [sflag:s25], $0xD0  }
0x1af: {  	[sflag:s25] =	ssyncset.done $0x0  }
0x1b0: {  	[sflag:s25] =	ssyncadd.s32 $0xFFFFFF30  }
0x1b1: {  	_ =	swait.ge [sflag:s25], $0xD0  }
0x1b2: {  	[sflag:s25] =	ssyncset.done $0x0  }
0x1b3: {  	[sflag:s25] =	ssyncadd.s32 $0xFFFFFF30  }
0x1b4: {  	v4 =	vld [tilespmem:$0x1A0]  }
0x1b5: {  	v5 =	vld [tilespmem:$0x0]  }
0x1b6: {  	v6 =	vld [tilespmem:$0xD0]  }
0x1b7: {  	v7 =	vld [tilespmem:$0x1B0]  }
0x1b8: {  	v8 =	vld [tilespmem:$0x10]  }
0x1b9: {  	v9 =	vld [tilespmem:$0xE0]  }
0x1ba: {  	v10 =	vld [tilespmem:$0x1C0]  }
0x1bb: {  	v11 =	vld [tilespmem:$0x20]  }
0x1bc: {  	v12 =	vld [tilespmem:$0xF0]  }
0x1bd: {  	v13 =	vld [tilespmem:$0x1D0];
	v4 =	vmul.u32 $0x2710, v4  }
0x1be: {  	v14 =	vld [tilespmem:$0x30]  }
0x1bf: {  	v15 =	vld [tilespmem:$0x100];
	v7 =	vmul.u32 $0x2710, v7;
	v5 =	vadd.s32 v5, v4  }
0x1c0: {  	v4 =	vadd.s32 v4, v6;
	[tilespmem:$0x0] =	vst v5;
	v5 =	vld [tilespmem:$0x1E0]  }
0x1c1: {  	v60 =	vld [tilespmem:$0x40];
	v6 =	vmul.u32 $0x2710, v10;
	[tilespmem:$0x1A0] =	vst v4;
	v4 =	vadd.s32 v8, v7  }
0x1c2: {  	[tilespmem:$0x10] =	vst v4;
	v4 =	vadd.s32 v7, v9;
	v7 =	vld [tilespmem:$0x1F0]  }
0x1c3: {  	v62 =	vld [tilespmem:$0x110];
	v61 =	vmul.u32 $0x2710, v13;
	[tilespmem:$0x1B0] =	vst v4;
	v4 =	vadd.s32 v11, v6  }
0x1c4: {  	[tilespmem:$0x20] =	vst v4;
	v4 =	vadd.s32 v6, v12;
	v6 =	vld [tilespmem:$0x50]  }
0x1c5: {  	v63 =	vld [tilespmem:$0x120];
	[tilespmem:$0x1C0] =	vst v4;
	v4 =	vadd.s32 v14, v61;
	v5 =	vmul.u32 $0x2710, v5  }
0x1c6: {  	[tilespmem:$0x30] =	vst v4;
	v4 =	vadd.s32 v61, v15  }
0x1c7: {  	[tilespmem:$0x1D0] =	vst v4;
	v7 =	vmul.u32 $0x2710, v7;
	v4 =	vadd.s32 v60, v5  }
0x1c8: {  	[tilespmem:$0x40] =	vst v4;
	v4 =	vadd.s32 v5, v62  }
0x1c9: {  	[tilespmem:$0x1E0] =	vst v4;
	v4 =	vadd.s32 v6, v7  }
0x1ca: {  	[tilespmem:$0x50] =	vst v4;
	v4 =	vadd.s32 v7, v63  }
0x1cb: {  	s2 =	simm.s32 $0x0;
	[tilespmem:$0x1F0] =	vst v4  }
0x1cc: {  	[tilespmem:s28], [sflag:$0x1] =	stream.indirect.gather [hbm4b:s5+s26], $0x50, s2, s26, $0xb8;
	[tilespmem:$0x1F0E0] =	vst v63  }
0x1cd: {  	_ = 	snop  }
0x1ce: {  	[tilespmem:s29], [sflag:$0x3] =	stream.indirect.gather [hbm4b:s1+s26], $0x10, s24, s26, $0xb8;
	[tilespmem:$0x1F0E0] =	vst v63  }
0x1cf: {  	_ =	swait.ge [sflag:s16], $0x2080  }
0x1d0: {  	[sflag:s16] =	ssyncset.done $0x0  }
0x1d1: {  	[sflag:s16] =	ssyncadd.s32 $0xFFFFDF80  }
0x1d2: {  	_ =	swait.ge [sflag:s19], $0x680  }
0x1d3: {  	[sflag:s19] =	ssyncset.done $0x0  }
0x1d4: {  	s21 =	simm.s32 $0x2580;
	[sflag:s19] =	ssyncadd.s32 $0xFFFFF980  }
0x1d5: {  	s18 =	simm.s32 $0x0;
	v4 =	vld [tilespmem:s21+$0x20]  }
0x1d6: {  	v5 =	vld [tilespmem:s18+$0x4C60];
	_ =	sdelay $0x4  }
0x1d7: {  	v4 =	vadd.f32 v5, v4;
	_ =	sdelay $0x1  }
0x1d8: {  	v5 =	vmul.f32 $2.000000030e-01, v4  }
0x1d9: {  	vm1 =	vge.f32 v4, $0.0e+00  }
0x1da: {  	v4 =	vsel vm1, v4, v5  }
0x1db: {  	v4 =	vmul.f32 $1.442695020e+00, v4;
	_ =	sdelay $0x1  }
0x1dc: {  	(erf) = vpow2.f32 v4;
	_ =	sdelay $0x5  }
0x1dd: {  	v4 =	vld [tilespmem:s21+$0xFFFFFFE0];
	_ =	sdelay $0x2  }
0x1de: {  	v6 =	vpop (erf)  }
0x1df: {  	v5 =	vperm.xlane v6, v0  }
0x1e0: {  	v7 =	vshll.u32 v4, $0x10  }
0x1e1: {  	v4 =	vand.u32 $0xFFFF0000, v4;
	v7 =	vmul.f32 v7, v5  }
0x1e2: {  	s9 =	simm.s32 $0x5320;
	v4 =	vmul.f32 v4, v5  }
0x1e3: {  	[tilespmem:s9+$0xFFFFFFC0] =	vst v7  }
0x1e4: {  	[tilespmem:s9+$0xFFFFFFD0] =	vst v4  }
0x1e5: {  	v4 =	vld [tilespmem:s21+$0xFFFFFFF0];
	_ =	sdelay $0x3  }
0x1e6: {  	v5 =	vperm.xlane v6, v1  }
0x1e7: {  	v7 =	vshll.u32 v4, $0x10  }
0x1e8: {  	v4 =	vand.u32 $0xFFFF0000, v4;
	v7 =	vmul.f32 v7, v5  }
0x1e9: {  	v4 =	vmul.f32 v4, v5  }
0x1ea: {  	[tilespmem:s9+$0xFFFFFFE0] =	vst v7  }
0x1eb: {  	[tilespmem:s9+$0xFFFFFFF0] =	vst v4  }
0x1ec: {  	v4 =	vld [tilespmem:s21+$0x0];
	_ =	sdelay $0x3  }
0x1ed: {  	v5 =	vperm.xlane v6, v2  }
0x1ee: {  	v7 =	vshll.u32 v4, $0x10  }
0x1ef: {  	v4 =	vand.u32 $0xFFFF0000, v4;
	v7 =	vmul.f32 v7, v5  }
0x1f0: {  	v4 =	vmul.f32 v4, v5  }
0x1f1: {  	[tilespmem:s9+$0x0] =	vst v7  }
0x1f2: {  	[tilespmem:s9+$0x10] =	vst v4  }
0x1f3: {  	v7 =	vnsel vm0, $0x0, v6;
	v5 =	vld [tilespmem:s21+$0x10]  }
0x1f4: {  	s17 =	simm.s32 $0x5320;
	s18 =	simm.s32 $0x40;
	v4 =	vperm.xlane v6, v3;
	[tilespmem:s9+$0x40] =	vst v7  }
.LBB2_9:
0x1f5: {  	_ =	sdelay $0x2  }
0x1f6: {  	p0 =	sne.s32 s18, $0x19C0;
	s21 =	sadd.s32 $0x50, s21;
	s9 =	sadd.s32 $0x90, s9;
	v6 =	vshll.u32 v5, $0x10;
	v5 =	vand.u32 $0xFFFF0000, v5  }
0x1f7: {  	s2 =	smov.u32 s18;
	s18 =	sadd.s32 $0x40, s18;
	v6 =	vmul.f32 v6, v4;
	v4 =	vmul.f32 v5, v4;
	_ =	sdelay $0x1  }
0x1f8: {  	[tilespmem:s17+$0x20] =	vst v6  }
0x1f9: {  	[tilespmem:s17+$0x30] =	vst v4;
	s17 =	smov.u32 s9  }
0x1fa: {  	s2 =	sshra.s32 s2, $0x2;
	v4 =	vld [tilespmem:s21+$0x20]  }
0x1fb: {  	v5 =	vld [tilespmem:s2+$0x4C60];
	_ =	sdelay $0x4  }
0x1fc: {  	v4 =	vadd.f32 v5, v4;
	_ =	sdelay $0x1  }
0x1fd: {  	v5 =	vmul.f32 $2.000000030e-01, v4  }
0x1fe: {  	vm1 =	vge.f32 v4, $0.0e+00  }
0x1ff: {  	v4 =	vsel vm1, v4, v5  }
0x200: {  	v4 =	vmul.f32 $1.442695020e+00, v4;
	_ =	sdelay $0x1  }
0x201: {  	(erf) = vpow2.f32 v4;
	_ =	sdelay $0x5  }
0x202: {  	v4 =	vld [tilespmem:s21+$0xFFFFFFE0];
	_ =	sdelay $0x2  }
0x203: {  	v6 =	vpop (erf)  }
0x204: {  	v5 =	vperm.xlane v6, v0  }
0x205: {  	v7 =	vshll.u32 v4, $0x10;
	v4 =	vand.u32 $0xFFFF0000, v4  }
0x206: {  	v7 =	vmul.f32 v7, v5;
	v4 =	vmul.f32 v4, v5;
	_ =	sdelay $0x1  }
0x207: {  	[tilespmem:s9+$0xFFFFFFC0] =	vst v7  }
0x208: {  	[tilespmem:s9+$0xFFFFFFD0] =	vst v4  }
0x209: {  	v4 =	vld [tilespmem:s21+$0xFFFFFFF0];
	_ =	sdelay $0x2  }
0x20a: {  	v5 =	vperm.xlane v6, v1;
	_ =	sdelay $0x1  }
0x20b: {  	v7 =	vshll.u32 v4, $0x10;
	v4 =	vand.u32 $0xFFFF0000, v4  }
0x20c: {  	v7 =	vmul.f32 v7, v5;
	v4 =	vmul.f32 v4, v5;
	_ =	sdelay $0x1  }
0x20d: {  	[tilespmem:s9+$0xFFFFFFE0] =	vst v7  }
0x20e: {  	[tilespmem:s9+$0xFFFFFFF0] =	vst v4  }
0x20f: {  	v4 =	vld [tilespmem:s21+$0x0];
	_ =	sdelay $0x1  }
0x210: {  	v5 =	vperm.xlane v6, v2;
	_ =	sdelay $0x2  }
0x211: {  	v7 =	vshll.u32 v4, $0x10;
	v4 =	vand.u32 $0xFFFF0000, v4  }
0x212: {  	v7 =	vmul.f32 v7, v5;
	v4 =	vmul.f32 v4, v5  }
.Ltmp3:
0x213: {  	(pc) =	sbr.rel @p0 .LBB2_9-.Ltmp3, $4  }
0x214: {  	[tilespmem:s9+$0x0] =	vst v7  }
0x215: {  	[tilespmem:s9+$0x10] =	vst v4  }
0x216: {  	v7 =	vnsel vm0, $0x0, v6;
	v5 =	vld [tilespmem:s21+$0x10]  }
0x217: {  	v4 =	vperm.xlane v6, v3;
	[tilespmem:s9+$0x40] =	vst v7  }
0x218: {  	_ =	sdelay $0x2  }
0x219: {  	v6 =	vshll.u32 v5, $0x10  }
0x21a: {  	v5 =	vand.u32 $0xFFFF0000, v5;
	v6 =	vmul.f32 v6, v4  }
0x21b: {  	v4 =	vmul.f32 v5, v4  }
0x21c: {  	[tilespmem:s17+$0x20] =	vst v6  }
0x21d: {  	s2 =	smin.u32 s10, $0x2E;
	s9 =	simm.s32 $0x3A8;
	[tilespmem:s17+$0x30] =	vst v4  }
0x21e: {  	[spmem:s3] =	stream.indirect.scatter.add.f32 [tilespmem:s14], [sflag:$0x7], $0x90, s9, s26, $0xb8;
	[tilespmem:$0x1F0E0] =	vst v63  }
0x21f: {  	s2 =	smul.u32 $0xD0, s2;
	_ =	swait.ge [sflag:s22], $0x3A80  }
0x220: {  	s17 =	rddreg [dreg:$0xd]  }
0x221: {  	s2 =	sadd.s32 s2, s17  }
0x222: {  	s20 =	sadd.s32 $0x1, s20;
	[sflag:s22] =	ssyncset.done $0x0;
	s2 =	sshrl.u32 s2, $0x3  }
0x223: {  	p0 =	sne.s32 s20, $0x19;
	[sflag:s22] =	ssyncadd.s32 $0xFFFFC580;
	s18 =	sadd.s32 s6, s2  }
0x224: {  	[tilespmem:s30], [sflag:$0x6] =	stream.linear.gather [hbm4b:s18+s4], $0xD0, $0x38;
	[tilespmem:$0x1F0E0] =	vst v63  }
.Ltmp4:
0x225: {  	_ = 	snop;
	(pc) =	sbr.rel @p0 .LBB2_2-.Ltmp4, $4  }
0x226: {  	s21 =	sadd.s32 s7, s2  }
0x227: {  	[tilespmem:s31], [sflag:$0x6] =	stream.linear.gather [hbm4b:s21+s4], $0xD0, $0x38;
	[tilespmem:$0x1F0E0] =	vst v63  }
0x228: {  	s2 =	sadd.s32 s8, s2  }
0x229: {  	[tilespmem:s0], [sflag:$0x6] =	stream.linear.gather [hbm4b:s2+s4], $0xD0, $0x38;
	[tilespmem:$0x1F0E0] =	vst v63  }
0x22a: {  	_ =	swait.ge [sflag:s12], $0x2080  }
0x22b: {  	[sflag:s12] =	ssyncset.done $0x0  }
0x22c: {  	[sflag:s12] =	ssyncadd.s32 $0xFFFFDF80  }
0x22d: {  	_ =	swait.ge [sflag:s13], $0x680  }
0x22e: {  	[sflag:s13] =	ssyncset.done $0x0  }
0x22f: {  	[sflag:s13] =	ssyncadd.s32 $0xFFFFF980  }
0x230: {  	_ =	swait.ge [sflag:s15], $0xD0  }
0x231: {  	[sflag:s15] =	ssyncset.done $0x0  }
0x232: {  	[sflag:s15] =	ssyncadd.s32 $0xFFFFFF30  }
0x233: {  	_ =	swait.ge [sflag:s15], $0xD0  }
0x234: {  	[sflag:s15] =	ssyncset.done $0x0  }
0x235: {  	[sflag:s15] =	ssyncadd.s32 $0xFFFFFF30  }
0x236: {  	_ =	swait.ge [sflag:s15], $0xD0  }
0x237: {  	[sflag:s15] =	ssyncset.done $0x0  }
0x238: {  	[sflag:s15] =	ssyncadd.s32 $0xFFFFFF30  }
0x239: {  	[bflag:$0x0] =	sbarrier.arrive $0xFFFF  }
0x23a: {  	s17 =	rddreg [dreg:$0x5]  }
0x23b: {  	s2 =	rddreg [dreg:$0xe]  }
0x23c: {  	s9 =	rddreg [dreg:$0x10]  }
0x23d: {  	[hbm:s2], [sflag:s17] =	dma.local [spmem:s9], $0x2C70  }
0x23e: {  	_ =	swait.ge [sflag:s22], $0x2C70  }
0x23f: {  	s10 =	rddreg [dreg:$0x11]  }
0x240: {  	s21 =	rddreg [dreg:$0xf];
	s10 =	sadd.s32 $0x1, s10  }
0x241: {  	p0 =	sne.s32 s10, s21  }
.Ltmp5:
0x242: {  	_ = 	snop;
	(pc) =	sbr.rel @p0 .LBB2_1-.Ltmp5, $3  }
0x243: {  	_ =	sdelay $0x1  }
0x244: {  	[sflag:s22] =	ssyncset.done $0x0  }
0x245: {  	[sflag:s22] =	ssyncadd.s32 $0xFFFFD390  }
0x246: {  	_ =	sfence.sel $0x180000  }
0x247: {  	[bflag:$0x0] =	sbarrier.arrive $0xFFFF  }
0x248: {  	_ =	strace $0x90000047  }
0x249: {  	s0 =	stileid.u32;
	[bflag:$0x2] =	sbarrier.arrive $0xFFFF  }
0x24a: {  	p0 =	sne.s32 s0, $0x0;
	s0 =	rddreg [dreg:$0x3]  }
0x24b: {  	s0 =	sadd.s32 @!p0 $0x100000, s0  }
0x24c: {  	[sflag:s0] =	ssyncadd.tile.s32 @!p0 $0x1;
	_ =	shalt  }
.Lfunc_end2:
_tile_overlayer_lowered:
.L_overlay_start_2:
0x24d: {  	(tag) =	ssettag $0x2  }
0x24e: {  	s0 =	rddreg [dreg:$0x0];
	s2 =	stileid.u32  }
0x24f: {  	s1 =	rddreg [dreg:$0x1];
	p0 =	sne.s32 s2, $0x0  }
0x250: {  	s3 =	rddreg [dreg:$0x2];
	[bflag:$0x3] =	sbarrier.arrive $0xFFFF;
	s2 =	simm.s32 @!p0 $0x1C07  }
0x251: {  	[timem:s3], [sflag:s2] =	dma.local @!p0 [hbm:s0], s1  }
0x252: {  	s0 =	simm.s32 @!p0 $0x7  }
0x253: {  	_ =	swait.ge @!p0 [sflag:s0], s1  }
0x254: {  	s1 =	ssub.s32 @!p0 $0x0, s1;
	[sflag:s0] =	ssyncset.done @!p0 $0x0  }
0x255: {  	[sflag:s0] =	ssyncadd.s32 @!p0 s1  }
0x256: {  	[bflag:$0x3] =	sbarrier.arrive $0xFFFF  }
0x257: {  	_ =	shalt  }

</sc_bundles>
